<compile_context>
chip_gen: v7x
topology: tpu7x:2x2x1
jax: 0.10.2.dev20260603
libtpu: 0.0.44.dev20260713+nightly
codegen_flags: <defaults>
</compile_context>

<pallas_src>
import jax
import jax.numpy as jnp
from jax import lax
from jax.experimental import pallas as pl
from jax.experimental.pallas import tpu as pltpu
from jax.experimental.pallas import tpu_sc as plsc

N = 10000
NP = 10240
D_IN = 128
D_HID = 128
D_OUT = 16
E = 320000
EP = 327680
NC = 2
NS = 16
CHUNK = 128
ER = EP // CHUNK
ROWS_PT = NP // NS
ZC = ROWS_PT // CHUNK

_SC_PARAMS = pltpu.CompilerParams(use_tc_tiling_on_sc=False)


def _sc_mesh():
    return plsc.VectorSubcoreMesh(
        core_axis_name="c", subcore_axis_name="s",
        num_cores=NC, num_subcores=NS)


def _deg_body(ones_h, dst_h, zrows_h, out_h, dst_v, rows_v, acc, sem):
    cid = lax.axis_index("c")
    sid = lax.axis_index("s")
    w = cid * NS + sid
    base = 78 * w + jnp.minimum(w, 4)
    cnt = 78 + jnp.where(w < 4, 1, 0)
    pltpu.sync_copy(dst_h.at[pl.ds(base, 78)], dst_v.at[pl.ds(0, 78)])

    @pl.when(w < 4)
    def _():
        pltpu.sync_copy(dst_h.at[pl.ds(base + 78, 1)], dst_v.at[pl.ds(78, 1)])
    pltpu.sync_copy(zrows_h, rows_v)

    def zbody(r, carry):
        pltpu.sync_copy(rows_v, acc.at[pl.ds(sid * ROWS_PT + r * CHUNK, CHUNK)])
        return carry
    lax.fori_loop(0, ZC, zbody, 0)
    plsc.subcore_barrier()

    pltpu.sync_copy(ones_h, rows_v)

    def mbody(j, carry):
        pltpu.sync_copy(rows_v, acc.at[dst_v.at[j]], add=True)
        return carry
    lax.fori_loop(0, cnt, mbody, 0)
    plsc.subcore_barrier()

    def obody(r, carry):
        base = sid * ROWS_PT + r * CHUNK
        pltpu.sync_copy(acc.at[pl.ds(base, CHUNK)], rows_v)
        pltpu.sync_copy(rows_v, out_h.at[pl.ds(cid * NP + base, CHUNK)])
        return carry
    lax.fori_loop(0, ZC, obody, 0)


def _make_deg():
    return pl.kernel(
        _deg_body,
        out_type=jax.ShapeDtypeStruct((NC * NP, D_OUT), jnp.float32),
        mesh=_sc_mesh(),
        compiler_params=_SC_PARAMS,
        scratch_types=[
            pltpu.VMEM((79, CHUNK), jnp.int32),
            pltpu.VMEM((CHUNK, D_OUT), jnp.float32),
            pltpu.VMEM_SHARED((NP, D_OUT), jnp.float32),
            pltpu.SemaphoreType.DMA,
        ],
    )


def _make_agg(d, ch, src_cs, dst_cs, async_scat, interleave_out=False):
    def body(table_h, src_h, dst_h, zrows_h, out_h,
             src_v, dst_v, r0, r1, r2, r3, acc,
             sg0, sg1, sg2, sg3, ss0, ss1, ss2, ss3):
        rows = (r0, r1, r2, r3)
        sg = (sg0, sg1, sg2, sg3)
        ss = (ss0, ss1, ss2, ss3)
        cid = lax.axis_index("c")
        sid = lax.axis_index("s")
        pltpu.sync_copy(src_h.at[pl.ds(cid * src_cs + sid * ch, ch)], src_v)
        pltpu.sync_copy(dst_h.at[pl.ds(cid * dst_cs + sid * ch, ch)], dst_v)
        pltpu.sync_copy(zrows_h, r0)

        def zbody(r, carry):
            pltpu.sync_copy(r0, acc.at[pl.ds(sid * ROWS_PT + r * CHUNK, CHUNK)])
            return carry
        lax.fori_loop(0, ZC, zbody, 0)
        plsc.subcore_barrier()

        def gath(j, b):
            pltpu.async_copy(table_h.at[src_v.at[j]], rows[b], sg[b])

        def gwait(b):
            pltpu.make_async_copy(table_h.at[src_v.at[0]], rows[b], sg[b]).wait()

        if async_scat:
            def scat(j, b):
                pltpu.async_copy(rows[b], acc.at[dst_v.at[j]], ss[b], add=True)

            def swait(b):
                pltpu.make_async_copy(rows[b], acc.at[dst_v.at[0]], ss[b]).wait()
        else:
            def scat(j, b):
                pltpu.sync_copy(rows[b], acc.at[dst_v.at[j]], add=True)

            def swait(b):
                pass

        for b in range(4):
            gath(b, b)
        gwait(0)
        scat(0, 0)
        gwait(1)
        scat(1, 1)

        def mbody(i, carry):
            for b in range(4):
                j = 4 * i + b
                swait(b)
                gath(j, b)
                kb = (b + 2) % 4
                gwait(kb)
                scat(j - 2, kb)
            return carry
        lax.fori_loop(1, ch // 4, mbody, 0)

        for k, b in ((ch - 2, 2), (ch - 1, 3)):
            gwait(b)
            scat(k, b)
        if async_scat:
            for b in (0, 1, 2, 2, 3, 3):
                swait(b)
        plsc.subcore_barrier()

        def obody(r, carry):
            base = sid * ROWS_PT + r * CHUNK
            pltpu.sync_copy(acc.at[pl.ds(base, CHUNK)], r0)
            if interleave_out:
                pltpu.sync_copy(
                    r0, out_h.at[pl.ds(base, CHUNK), pl.ds(cid * d, d)])
            else:
                pltpu.sync_copy(r0, out_h.at[pl.ds(cid * NP + base, CHUNK)])
            return carry
        lax.fori_loop(0, ZC, obody, 0)

    return pl.kernel(
        body,
        out_type=jax.ShapeDtypeStruct(
            (NP, NC * d) if interleave_out else (NC * NP, d), jnp.float32),
        mesh=_sc_mesh(),
        compiler_params=_SC_PARAMS,
        scratch_types=[
            pltpu.VMEM((ch, CHUNK), jnp.int32),
            pltpu.VMEM((ch, CHUNK), jnp.int32),
            pltpu.VMEM((CHUNK, d), jnp.float32),
            pltpu.VMEM((CHUNK, d), jnp.float32),
            pltpu.VMEM((CHUNK, d), jnp.float32),
            pltpu.VMEM((CHUNK, d), jnp.float32),
            pltpu.VMEM_SHARED((NP, d), jnp.float32),
            pltpu.SemaphoreType.DMA,
            pltpu.SemaphoreType.DMA,
            pltpu.SemaphoreType.DMA,
            pltpu.SemaphoreType.DMA,
            pltpu.SemaphoreType.DMA,
            pltpu.SemaphoreType.DMA,
            pltpu.SemaphoreType.DMA,
            pltpu.SemaphoreType.DMA,
        ],
    )


def _agg1():
    return _make_agg(64, ER // NS, ER, 0, False, interleave_out=True)


def _agg2():
    return _make_agg(D_OUT, ER // (NC * NS), ER // NC, ER // NC, False)


_BM = 1024
_NB = NP // _BM


def _unpack64(c):
    r = c.shape[0]
    return jnp.concatenate(
        [c[:, None, 0:64], c[:, None, 64:128]], axis=1).reshape(2 * r, 64)


def _deg_from_packed(c):
    r = c.shape[0]
    return jnp.concatenate(
        [c[:, None, 16 * j:16 * j + 1] for j in range(8)],
        axis=1).reshape(8 * r, 1)


def _pack16(x):
    r = x.shape[0] // 8
    xr = x.reshape(r, 8, 16)
    return jnp.concatenate([xr[:, j, :] for j in range(8)], axis=1)


def _rep16(col):
    c8 = col.reshape(128, 8, 1)
    return jnp.concatenate(
        [jnp.broadcast_to(c8[:, j, :], (128, 16)) for j in range(8)], axis=1)


def _k1a_body(x_ref, w1_ref, h_ref):
    h_ref[...] = jnp.dot(
        x_ref[...], w1_ref[...], preferred_element_type=jnp.float32)


def _k1b_body(d0_ref, d1_ref, h_ref, hs_ref, disp_ref):
    deg = _deg_from_packed(d0_ref[...] + d1_ref[...]) + 1.0
    dis = lax.rsqrt(deg)
    dis_full = jnp.dot(dis, jnp.ones((1, D_HID), jnp.float32),
                       preferred_element_type=jnp.float32)
    hs_ref[...] = h_ref[...] * dis_full
    disp_ref[...] = _rep16(dis)


def _k2_body(a_ref, hs_ref, disp_ref, b1_ref, w2_ref, hs2p_ref):
    dis = _deg_from_packed(disp_ref[...])
    dis_full = jnp.dot(dis, jnp.ones((1, D_HID), jnp.float32),
                       preferred_element_type=jnp.float32)
    full = a_ref[...] + hs_ref[...]
    o1 = dis_full * full + b1_ref[...]
    r = jnp.maximum(o1, 0.0)
    h2 = jnp.dot(r, w2_ref[...], preferred_element_type=jnp.float32)
    hs2p_ref[...] = _pack16(h2 * dis_full[:, :D_OUT])


def _k3_body(g0_ref, g1_ref, hs2p_ref, disp_ref, b2p_ref, outp_ref):
    o = (disp_ref[...] * (g0_ref[...] + g1_ref[...] + hs2p_ref[...])
         + b2p_ref[...])
    outp_ref[...] = jax.nn.sigmoid(o)


def _k1a(xp, w1):
    return pl.pallas_call(
        _k1a_body,
        grid=(_NB,),
        in_specs=[
            pl.BlockSpec((_BM, D_IN), lambda i: (i, 0)),
            pl.BlockSpec((D_IN, D_HID), lambda i: (0, 0)),
        ],
        out_specs=pl.BlockSpec((_BM, D_HID), lambda i: (i, 0)),
        out_shape=jax.ShapeDtypeStruct((NP, D_HID), jnp.float32),
    )(xp, w1)


def _k1b(degv, h):
    return pl.pallas_call(
        _k1b_body,
        grid=(_NB,),
        in_specs=[
            pl.BlockSpec((_BM // 8, 128), lambda i: (i, 0)),
            pl.BlockSpec((_BM // 8, 128), lambda i: (i + _NB, 0)),
            pl.BlockSpec((_BM, D_HID), lambda i: (i, 0)),
        ],
        out_specs=[
            pl.BlockSpec((_BM, D_HID), lambda i: (i, 0)),
            pl.BlockSpec((_BM // 8, 128), lambda i: (i, 0)),
        ],
        out_shape=[
            jax.ShapeDtypeStruct((NP, D_HID), jnp.float32),
            jax.ShapeDtypeStruct((NP // 8, 128), jnp.float32),
        ],
    )(degv, degv, h)


def _k2(a, hs, disp, b1r, w2):
    return pl.pallas_call(
        _k2_body,
        grid=(_NB,),
        in_specs=[
            pl.BlockSpec((_BM, D_HID), lambda i: (i, 0)),
            pl.BlockSpec((_BM, D_HID), lambda i: (i, 0)),
            pl.BlockSpec((_BM // 8, 128), lambda i: (i, 0)),
            pl.BlockSpec((1, D_HID), lambda i: (0, 0)),
            pl.BlockSpec((D_HID, D_OUT), lambda i: (0, 0)),
        ],
        out_specs=pl.BlockSpec((_BM // 8, 128), lambda i: (i, 0)),
        out_shape=jax.ShapeDtypeStruct((NP // 8, 128), jnp.float32),
    )(a, hs, disp, b1r, w2)


def _k3(gv, hs2p, disp, b2p):
    return pl.pallas_call(
        _k3_body,
        grid=(_NB,),
        in_specs=[
            pl.BlockSpec((_BM // 8, 128), lambda i: (i, 0)),
            pl.BlockSpec((_BM // 8, 128), lambda i: (i + _NB, 0)),
            pl.BlockSpec((_BM // 8, 128), lambda i: (i, 0)),
            pl.BlockSpec((_BM // 8, 128), lambda i: (i, 0)),
            pl.BlockSpec((1, 128), lambda i: (0, 0)),
        ],
        out_specs=pl.BlockSpec((_BM // 8, 128), lambda i: (i, 0)),
        out_shape=jax.ShapeDtypeStruct((NP // 8, 128), jnp.float32),
    )(gv, gv, hs2p, disp, b2p)


def kernel(x, edge_index, W1, b1, W2, b2):
    src = edge_index[0].astype(jnp.int32)
    dst = edge_index[1].astype(jnp.int32)
    pad = EP - E
    pad_idx = N + jnp.arange(pad, dtype=jnp.int32) % (NP - N)
    srcp = jnp.concatenate([src, pad_idx])
    dstp = jnp.concatenate([dst, pad_idx])
    src2 = srcp.reshape(ER, CHUNK)
    dst2 = dstp.reshape(ER, CHUNK)
    src_cs = jnp.concatenate([src2 * 2, src2 * 2 + 1])

    xp = jnp.pad(x, ((0, NP - N), (0, 0)))
    ones16 = jnp.ones((CHUNK, D_OUT), jnp.float32)
    z16 = jnp.zeros((CHUNK, D_OUT), jnp.float32)
    z64 = jnp.zeros((CHUNK, 64), jnp.float32)
    b1r = b1.reshape(1, D_HID)
    b2p = jnp.tile(b2, 8).reshape(1, 128)

    degp = _make_deg()(ones16, dst.reshape(E // CHUNK, CHUNK), z16)
    h = _k1a(xp, W1)
    hs, disp = _k1b(degp.reshape(NC * NP // 8, 128), h)
    a = _agg1()(hs.reshape(NC * NP, 64), src_cs, dst2, z64)
    hs2p = _k2(a, hs, disp, b1r, W2)
    g = _agg2()(hs2p.reshape(NP, D_OUT), src2, dst2, z16)
    outp = _k3(g.reshape(NC * NP // 8, 128), hs2p, disp, b2p)
    return outp[:N // 8].reshape(N, D_OUT)

# --- scband reference (transcript-rebuilt; emitter-appended) ---
"""Pipeline reference for scband-simple-gnn-1460288881134 (READ-ONLY COPY).

The authoritative reference and input builder live on the scoring server;
editing this copy changes nothing except your own understanding.
"""

import jax, jax.numpy as jnp
import numpy as np

N_NODES = 10000
D_IN = 128
D_HID = 128
D_OUT = 16
N_EDGES = 320000


def _glorot(key, shape):
    fan_in, fan_out = shape[0], shape[1]
    limit = jnp.sqrt(6.0 / (fan_in + fan_out))
    return jax.random.uniform(key, shape, jnp.float32, -limit, limit)


def setup_inputs(seed: int = 0) -> dict:
    key = jax.random.key(seed)
    k_x, k_e, k_w1, k_w2 = jax.random.split(key, 4)
    x = jax.random.normal(k_x, (N_NODES, D_IN), dtype=jnp.float32)
    edge_index = jax.random.randint(k_e, (2, N_EDGES), 0, N_NODES, dtype=jnp.int64)
    W1 = _glorot(k_w1, (D_IN, D_HID))
    b1 = jnp.zeros((D_HID,), dtype=jnp.float32)
    W2 = _glorot(k_w2, (D_HID, D_OUT))
    b2 = jnp.zeros((D_OUT,), dtype=jnp.float32)
    return {"x": x, "edge_index": edge_index, "W1": W1, "b1": b1, "W2": W2, "b2": b2}


def _gcn_conv(x, edge_index, W, b):
    # Faithful PyG GCNConv: add self-loops, symmetric normalization, sum aggregation.
    n = x.shape[0]
    loop = jnp.arange(n, dtype=edge_index.dtype)
    src = jnp.concatenate([edge_index[0], loop])
    dst = jnp.concatenate([edge_index[1], loop])
    h = x @ W
    deg = jnp.zeros((n,), dtype=h.dtype).at[dst].add(1.0)
    deg_inv_sqrt = jnp.where(deg > 0, deg ** -0.5, 0.0)
    norm = deg_inv_sqrt[src] * deg_inv_sqrt[dst]
    msg = h[src] * norm[:, None]
    out = jnp.zeros((n, h.shape[1]), dtype=h.dtype).at[dst].add(msg)
    return out + b


def reference(x, edge_index, W1, b1, W2, b2):
    h = _gcn_conv(x, edge_index, W1, b1)
    h = jax.nn.relu(h)
    # dropout p=0.5 is identity in eval mode
    h = _gcn_conv(h, edge_index, W2, b2)
    return jax.nn.sigmoid(h)

if __name__ == "__main__":
    import jax
    _d = setup_inputs()
    print(jax.jit(kernel)(*tuple(_d.values())))

</pallas_src>

<mosaic_0001>
#map = affine_map<(d0, d1) -> (0, 0)>
module attributes {stable_mosaic.version = 14 : i64} {
  func.func @body(%arg0: i32, %arg1: i32, %arg2: memref<20480x64xf32, #tpu.memory_space<hbm>>, %arg3: memref<5120x128xi32, #tpu.memory_space<hbm>>, %arg4: memref<2560x128xi32, #tpu.memory_space<hbm>>, %arg5: memref<128x64xf32, #tpu.memory_space<hbm>>, %arg6: memref<10240x128xf32, #tpu.memory_space<hbm>>, %arg7: memref<160x128xi32, #tpu.memory_space<vmem>>, %arg8: memref<160x128xi32, #tpu.memory_space<vmem>>, %arg9: memref<128x64xf32, #tpu.memory_space<vmem>>, %arg10: memref<128x64xf32, #tpu.memory_space<vmem>>, %arg11: memref<128x64xf32, #tpu.memory_space<vmem>>, %arg12: memref<128x64xf32, #tpu.memory_space<vmem>>, %arg13: memref<10240x64xf32, #tpu.memory_space<vmem_shared>>, %arg14: memref<!tpu.dma_semaphore, #tpu.memory_space<semaphore_mem>>, %arg15: memref<!tpu.dma_semaphore, #tpu.memory_space<semaphore_mem>>, %arg16: memref<!tpu.dma_semaphore, #tpu.memory_space<semaphore_mem>>, %arg17: memref<!tpu.dma_semaphore, #tpu.memory_space<semaphore_mem>>, %arg18: memref<!tpu.dma_semaphore, #tpu.memory_space<semaphore_mem>>, %arg19: memref<!tpu.dma_semaphore, #tpu.memory_space<semaphore_mem>>, %arg20: memref<!tpu.dma_semaphore, #tpu.memory_space<semaphore_mem>>, %arg21: memref<!tpu.dma_semaphore, #tpu.memory_space<semaphore_mem>>) attributes {dimension_semantics = [#tpu.dimension_semantics<core_parallel>, #tpu.dimension_semantics<subcore_parallel>], iteration_bounds = array<i64: 2, 16>, scalar_prefetch = 0 : i64, scratch_operands = 15 : i64, tpu.core_type = #tpu.core_type<sc_vector_subcore>, window_params = [{transform_indices = #map}, {transform_indices = #map}, {transform_indices = #map}, {transform_indices = #map}, {transform_indices = #map}]} {
    %mul3A = arith.constant 2560 : i32
    %mul3A_0 = arith.muli %arg0, %mul3A : i32
    %mul3A_1 = arith.constant 160 : i32
    %mul3A_2 = arith.muli %arg1, %mul3A_1 : i32
    %add3A = arith.addi %mul3A_0, %mul3A_2 : i32
    "tpu.region"() ({
      %run_scoped3A_83 = tpu.sem_alloc : memref<!tpu.dma_semaphore, #tpu.memory_space<semaphore_mem>>
      %dma_start3A_84 = arith.constant 0 : i32
      %dma_start3A_85 = tpu.memref_slice %arg3[%add3A, %dma_start3A_84] : memref<5120x128xi32, #tpu.memory_space<hbm>> -> memref<160x128xi32, #tpu.memory_space<hbm>>
      %dma_start3A_86 = arith.constant 0 : i32
      %dma_start3A_87 = tpu.memref_slice %arg3[%add3A, %dma_start3A_86] : memref<5120x128xi32, #tpu.memory_space<hbm>> -> memref<160x128xi32, #tpu.memory_space<hbm>>
      tpu.enqueue_dma source(%dma_start3A_87 : memref<160x128xi32, #tpu.memory_space<hbm>>) target(%arg7 : memref<160x128xi32, #tpu.memory_space<vmem>>) target_semaphore(%run_scoped3A_83 : memref<!tpu.dma_semaphore, #tpu.memory_space<semaphore_mem>>)
      %dma_wait3A_88 = arith.constant 0 : i32
      %dma_wait3A_89 = tpu.memref_slice %arg3[%add3A, %dma_wait3A_88] : memref<5120x128xi32, #tpu.memory_space<hbm>> -> memref<160x128xi32, #tpu.memory_space<hbm>>
      %dma_wait3A_90 = arith.constant 0 : i32
      %dma_wait3A_91 = tpu.memref_slice %arg3[%add3A, %dma_wait3A_90] : memref<5120x128xi32, #tpu.memory_space<hbm>> -> memref<160x128xi32, #tpu.memory_space<hbm>>
      tpu.wait_dma2 semaphore(%run_scoped3A_83 : memref<!tpu.dma_semaphore, #tpu.memory_space<semaphore_mem>>) src(%dma_wait3A_91 : memref<160x128xi32, #tpu.memory_space<hbm>>) dst(%arg7 : memref<160x128xi32, #tpu.memory_space<vmem>>)
      tpu.yield
    }) : () -> ()
    %mul3A_3 = arith.constant 0 : i32
    %mul3A_4 = arith.muli %arg0, %mul3A_3 : i32
    %mul3A_5 = arith.constant 160 : i32
    %mul3A_6 = arith.muli %arg1, %mul3A_5 : i32
    %add3A_7 = arith.addi %mul3A_4, %mul3A_6 : i32
    "tpu.region"() ({
      %run_scoped3A_83 = tpu.sem_alloc : memref<!tpu.dma_semaphore, #tpu.memory_space<semaphore_mem>>
      %dma_start3A_84 = arith.constant 0 : i32
      %dma_start3A_85 = tpu.memref_slice %arg4[%add3A_7, %dma_start3A_84] : memref<2560x128xi32, #tpu.memory_space<hbm>> -> memref<160x128xi32, #tpu.memory_space<hbm>>
      %dma_start3A_86 = arith.constant 0 : i32
      %dma_start3A_87 = tpu.memref_slice %arg4[%add3A_7, %dma_start3A_86] : memref<2560x128xi32, #tpu.memory_space<hbm>> -> memref<160x128xi32, #tpu.memory_space<hbm>>
      tpu.enqueue_dma source(%dma_start3A_87 : memref<160x128xi32, #tpu.memory_space<hbm>>) target(%arg8 : memref<160x128xi32, #tpu.memory_space<vmem>>) target_semaphore(%run_scoped3A_83 : memref<!tpu.dma_semaphore, #tpu.memory_space<semaphore_mem>>)
      %dma_wait3A_88 = arith.constant 0 : i32
      %dma_wait3A_89 = tpu.memref_slice %arg4[%add3A_7, %dma_wait3A_88] : memref<2560x128xi32, #tpu.memory_space<hbm>> -> memref<160x128xi32, #tpu.memory_space<hbm>>
      %dma_wait3A_90 = arith.constant 0 : i32
      %dma_wait3A_91 = tpu.memref_slice %arg4[%add3A_7, %dma_wait3A_90] : memref<2560x128xi32, #tpu.memory_space<hbm>> -> memref<160x128xi32, #tpu.memory_space<hbm>>
      tpu.wait_dma2 semaphore(%run_scoped3A_83 : memref<!tpu.dma_semaphore, #tpu.memory_space<semaphore_mem>>) src(%dma_wait3A_91 : memref<160x128xi32, #tpu.memory_space<hbm>>) dst(%arg8 : memref<160x128xi32, #tpu.memory_space<vmem>>)
      tpu.yield
    }) : () -> ()
    "tpu.region"() ({
      %run_scoped3A_83 = tpu.sem_alloc : memref<!tpu.dma_semaphore, #tpu.memory_space<semaphore_mem>>
      tpu.enqueue_dma source(%arg5 : memref<128x64xf32, #tpu.memory_space<hbm>>) target(%arg9 : memref<128x64xf32, #tpu.memory_space<vmem>>) target_semaphore(%run_scoped3A_83 : memref<!tpu.dma_semaphore, #tpu.memory_space<semaphore_mem>>)
      tpu.wait_dma2 semaphore(%run_scoped3A_83 : memref<!tpu.dma_semaphore, #tpu.memory_space<semaphore_mem>>) src(%arg5 : memref<128x64xf32, #tpu.memory_space<hbm>>) dst(%arg9 : memref<128x64xf32, #tpu.memory_space<vmem>>)
      tpu.yield
    }) : () -> ()
    %scan3A = arith.constant 0 : i32
    %scan3A_8 = arith.constant 0 : i32
    %scan3A_9 = arith.constant 5 : i32
    %scan3A_10 = arith.addi %scan3A_8, %scan3A_9 : i32
    %scan3A_11 = arith.constant 1 : i32
    scf.for %scan3A_83 = %scan3A_8 to %scan3A_10 step %scan3A_11  : i32 {
      %mul3A_84 = arith.constant 640 : i32
      %mul3A_85 = arith.muli %arg1, %mul3A_84 : i32
      %mul3A_86 = arith.constant 128 : i32
      %mul3A_87 = arith.muli %scan3A_83, %mul3A_86 : i32
      %add3A_88 = arith.addi %mul3A_85, %mul3A_87 : i32
      "tpu.region"() ({
        %run_scoped3A_89 = tpu.sem_alloc : memref<!tpu.dma_semaphore, #tpu.memory_space<semaphore_mem>>
        %dma_start3A_90 = arith.constant 0 : i32
        %dma_start3A_91 = tpu.memref_slice %arg13[%add3A_88, %dma_start3A_90] : memref<10240x64xf32, #tpu.memory_space<vmem_shared>> -> memref<128x64xf32, #tpu.memory_space<vmem_shared>>
        %dma_start3A_92 = arith.constant 0 : i32
        %dma_start3A_93 = tpu.memref_slice %arg13[%add3A_88, %dma_start3A_92] : memref<10240x64xf32, #tpu.memory_space<vmem_shared>> -> memref<128x64xf32, #tpu.memory_space<vmem_shared>>
        tpu.enqueue_dma source(%arg9 : memref<128x64xf32, #tpu.memory_space<vmem>>) target(%dma_start3A_93 : memref<128x64xf32, #tpu.memory_space<vmem_shared>>) target_semaphore(%run_scoped3A_89 : memref<!tpu.dma_semaphore, #tpu.memory_space<semaphore_mem>>)
        %dma_wait3A_94 = arith.constant 0 : i32
        %dma_wait3A_95 = tpu.memref_slice %arg13[%add3A_88, %dma_wait3A_94] : memref<10240x64xf32, #tpu.memory_space<vmem_shared>> -> memref<128x64xf32, #tpu.memory_space<vmem_shared>>
        %dma_wait3A_96 = arith.constant 0 : i32
        %dma_wait3A_97 = tpu.memref_slice %arg13[%add3A_88, %dma_wait3A_96] : memref<10240x64xf32, #tpu.memory_space<vmem_shared>> -> memref<128x64xf32, #tpu.memory_space<vmem_shared>>
        tpu.wait_dma2 semaphore(%run_scoped3A_89 : memref<!tpu.dma_semaphore, #tpu.memory_space<semaphore_mem>>) src(%arg9 : memref<128x64xf32, #tpu.memory_space<vmem>>) dst(%dma_wait3A_97 : memref<128x64xf32, #tpu.memory_space<vmem_shared>>)
        tpu.yield
      }) : () -> ()
    }
    %scan3A_12 = arith.constant 5 : i32
    %barrier3A = arith.constant 0 : index
    tpu.barrier barrier_id(%barrier3A)
    %dma_start3A = arith.constant 0 : i32
    %dma_start3A_13 = arith.constant 0 : i32
    %dma_start3A_14 = tpu.memref_slice %arg7[%dma_start3A, %dma_start3A_13] : memref<160x128xi32, #tpu.memory_space<vmem>> -> memref<1x128xi32, #tpu.memory_space<vmem>>
    %dma_start3A_15 = tpu.memref_squeeze %dma_start3A_14 : memref<1x128xi32, #tpu.memory_space<vmem>> -> memref<128xi32, #tpu.memory_space<vmem>>
    %dma_start3A_16 = arith.constant 0 : i32
    %dma_start3A_17 = arith.constant 0 : i32
    %dma_start3A_18 = tpu.memref_slice %arg2[%dma_start3A_16, %dma_start3A_17] : memref<20480x64xf32, #tpu.memory_space<hbm>> -> memref<20480x64xf32, #tpu.memory_space<hbm>>
    tpu.enqueue_indirect_dma source(%dma_start3A_18 : memref<20480x64xf32, #tpu.memory_space<hbm>>) target(%arg9 : memref<128x64xf32, #tpu.memory_space<vmem>>) offsets(%dma_start3A_15 : memref<128xi32, #tpu.memory_space<vmem>>) semaphore(%arg14 : memref<!tpu.dma_semaphore, #tpu.memory_space<semaphore_mem>>)
    %dma_start3A_19 = arith.constant 1 : i32
    %dma_start3A_20 = arith.constant 0 : i32
    %dma_start3A_21 = tpu.memref_slice %arg7[%dma_start3A_19, %dma_start3A_20] : memref<160x128xi32, #tpu.memory_space<vmem>> -> memref<1x128xi32, #tpu.memory_space<vmem>>
    %dma_start3A_22 = tpu.memref_squeeze %dma_start3A_21 : memref<1x128xi32, #tpu.memory_space<vmem>> -> memref<128xi32, #tpu.memory_space<vmem>>
    %dma_start3A_23 = arith.constant 0 : i32
    %dma_start3A_24 = arith.constant 0 : i32
    %dma_start3A_25 = tpu.memref_slice %arg2[%dma_start3A_23, %dma_start3A_24] : memref<20480x64xf32, #tpu.memory_space<hbm>> -> memref<20480x64xf32, #tpu.memory_space<hbm>>
    tpu.enqueue_indirect_dma source(%dma_start3A_25 : memref<20480x64xf32, #tpu.memory_space<hbm>>) target(%arg10 : memref<128x64xf32, #tpu.memory_space<vmem>>) offsets(%dma_start3A_22 : memref<128xi32, #tpu.memory_space<vmem>>) semaphore(%arg15 : memref<!tpu.dma_semaphore, #tpu.memory_space<semaphore_mem>>)
    %dma_start3A_26 = arith.constant 2 : i32
    %dma_start3A_27 = arith.constant 0 : i32
    %dma_start3A_28 = tpu.memref_slice %arg7[%dma_start3A_26, %dma_start3A_27] : memref<160x128xi32, #tpu.memory_space<vmem>> -> memref<1x128xi32, #tpu.memory_space<vmem>>
    %dma_start3A_29 = tpu.memref_squeeze %dma_start3A_28 : memref<1x128xi32, #tpu.memory_space<vmem>> -> memref<128xi32, #tpu.memory_space<vmem>>
    %dma_start3A_30 = arith.constant 0 : i32
    %dma_start3A_31 = arith.constant 0 : i32
    %dma_start3A_32 = tpu.memref_slice %arg2[%dma_start3A_30, %dma_start3A_31] : memref<20480x64xf32, #tpu.memory_space<hbm>> -> memref<20480x64xf32, #tpu.memory_space<hbm>>
    tpu.enqueue_indirect_dma source(%dma_start3A_32 : memref<20480x64xf32, #tpu.memory_space<hbm>>) target(%arg11 : memref<128x64xf32, #tpu.memory_space<vmem>>) offsets(%dma_start3A_29 : memref<128xi32, #tpu.memory_space<vmem>>) semaphore(%arg16 : memref<!tpu.dma_semaphore, #tpu.memory_space<semaphore_mem>>)
    %dma_start3A_33 = arith.constant 3 : i32
    %dma_start3A_34 = arith.constant 0 : i32
    %dma_start3A_35 = tpu.memref_slice %arg7[%dma_start3A_33, %dma_start3A_34] : memref<160x128xi32, #tpu.memory_space<vmem>> -> memref<1x128xi32, #tpu.memory_space<vmem>>
    %dma_start3A_36 = tpu.memref_squeeze %dma_start3A_35 : memref<1x128xi32, #tpu.memory_space<vmem>> -> memref<128xi32, #tpu.memory_space<vmem>>
    %dma_start3A_37 = arith.constant 0 : i32
    %dma_start3A_38 = arith.constant 0 : i32
    %dma_start3A_39 = tpu.memref_slice %arg2[%dma_start3A_37, %dma_start3A_38] : memref<20480x64xf32, #tpu.memory_space<hbm>> -> memref<20480x64xf32, #tpu.memory_space<hbm>>
    tpu.enqueue_indirect_dma source(%dma_start3A_39 : memref<20480x64xf32, #tpu.memory_space<hbm>>) target(%arg12 : memref<128x64xf32, #tpu.memory_space<vmem>>) offsets(%dma_start3A_36 : memref<128xi32, #tpu.memory_space<vmem>>) semaphore(%arg17 : memref<!tpu.dma_semaphore, #tpu.memory_space<semaphore_mem>>)
    %dma_wait3A = arith.constant 0 : i32
    %dma_wait3A_40 = arith.constant 0 : i32
    %dma_wait3A_41 = tpu.memref_slice %arg7[%dma_wait3A, %dma_wait3A_40] : memref<160x128xi32, #tpu.memory_space<vmem>> -> memref<1x128xi32, #tpu.memory_space<vmem>>
    %dma_wait3A_42 = tpu.memref_squeeze %dma_wait3A_41 : memref<1x128xi32, #tpu.memory_space<vmem>> -> memref<128xi32, #tpu.memory_space<vmem>>
    %dma_wait3A_43 = arith.constant 0 : i32
    %dma_wait3A_44 = arith.constant 0 : i32
    %dma_wait3A_45 = tpu.memref_slice %arg2[%dma_wait3A_43, %dma_wait3A_44] : memref<20480x64xf32, #tpu.memory_space<hbm>> -> memref<20480x64xf32, #tpu.memory_space<hbm>>
    tpu.wait_indirect_dma semaphore(%arg14 : memref<!tpu.dma_semaphore, #tpu.memory_space<semaphore_mem>>) src(%dma_wait3A_45 : memref<20480x64xf32, #tpu.memory_space<hbm>>) dst(%arg9 : memref<128x64xf32, #tpu.memory_space<vmem>>)
    %run_scoped3A = arith.constant 0 : i32
    "tpu.region"() ({
      %run_scoped3A_83 = tpu.sem_alloc : memref<!tpu.dma_semaphore, #tpu.memory_space<semaphore_mem>>
      %dma_start3A_84 = arith.constant 0 : i32
      %dma_start3A_85 = tpu.memref_slice %arg8[%run_scoped3A, %dma_start3A_84] : memref<160x128xi32, #tpu.memory_space<vmem>> -> memref<1x128xi32, #tpu.memory_space<vmem>>
      %dma_start3A_86 = tpu.memref_squeeze %dma_start3A_85 : memref<1x128xi32, #tpu.memory_space<vmem>> -> memref<128xi32, #tpu.memory_space<vmem>>
      %dma_start3A_87 = arith.constant 0 : i32
      %dma_start3A_88 = arith.constant 0 : i32
      %dma_start3A_89 = tpu.memref_slice %arg13[%dma_start3A_87, %dma_start3A_88] : memref<10240x64xf32, #tpu.memory_space<vmem_shared>> -> memref<10240x64xf32, #tpu.memory_space<vmem_shared>>
      tpu.enqueue_indirect_dma source(%arg9 : memref<128x64xf32, #tpu.memory_space<vmem>>) target(%dma_start3A_89 : memref<10240x64xf32, #tpu.memory_space<vmem_shared>>) offsets(%dma_start3A_86 : memref<128xi32, #tpu.memory_space<vmem>>) semaphore(%run_scoped3A_83 : memref<!tpu.dma_semaphore, #tpu.memory_space<semaphore_mem>>) {add = true}
      %dma_wait3A_90 = arith.constant 0 : i32
      %dma_wait3A_91 = tpu.memref_slice %arg8[%run_scoped3A, %dma_wait3A_90] : memref<160x128xi32, #tpu.memory_space<vmem>> -> memref<1x128xi32, #tpu.memory_space<vmem>>
      %dma_wait3A_92 = tpu.memref_squeeze %dma_wait3A_91 : memref<1x128xi32, #tpu.memory_space<vmem>> -> memref<128xi32, #tpu.memory_space<vmem>>
      %dma_wait3A_93 = arith.constant 0 : i32
      %dma_wait3A_94 = arith.constant 0 : i32
      %dma_wait3A_95 = tpu.memref_slice %arg13[%dma_wait3A_93, %dma_wait3A_94] : memref<10240x64xf32, #tpu.memory_space<vmem_shared>> -> memref<10240x64xf32, #tpu.memory_space<vmem_shared>>
      tpu.wait_indirect_dma semaphore(%run_scoped3A_83 : memref<!tpu.dma_semaphore, #tpu.memory_space<semaphore_mem>>) src(%arg9 : memref<128x64xf32, #tpu.memory_space<vmem>>) dst(%dma_wait3A_95 : memref<10240x64xf32, #tpu.memory_space<vmem_shared>>)
      tpu.yield
    }) : () -> ()
    %dma_wait3A_46 = arith.constant 0 : i32
    %dma_wait3A_47 = arith.constant 0 : i32
    %dma_wait3A_48 = tpu.memref_slice %arg7[%dma_wait3A_46, %dma_wait3A_47] : memref<160x128xi32, #tpu.memory_space<vmem>> -> memref<1x128xi32, #tpu.memory_space<vmem>>
    %dma_wait3A_49 = tpu.memref_squeeze %dma_wait3A_48 : memref<1x128xi32, #tpu.memory_space<vmem>> -> memref<128xi32, #tpu.memory_space<vmem>>
    %dma_wait3A_50 = arith.constant 0 : i32
    %dma_wait3A_51 = arith.constant 0 : i32
    %dma_wait3A_52 = tpu.memref_slice %arg2[%dma_wait3A_50, %dma_wait3A_51] : memref<20480x64xf32, #tpu.memory_space<hbm>> -> memref<20480x64xf32, #tpu.memory_space<hbm>>
    tpu.wait_indirect_dma semaphore(%arg15 : memref<!tpu.dma_semaphore, #tpu.memory_space<semaphore_mem>>) src(%dma_wait3A_52 : memref<20480x64xf32, #tpu.memory_space<hbm>>) dst(%arg10 : memref<128x64xf32, #tpu.memory_space<vmem>>)
    %run_scoped3A_53 = arith.constant 1 : i32
    "tpu.region"() ({
      %run_scoped3A_83 = tpu.sem_alloc : memref<!tpu.dma_semaphore, #tpu.memory_space<semaphore_mem>>
      %dma_start3A_84 = arith.constant 0 : i32
      %dma_start3A_85 = tpu.memref_slice %arg8[%run_scoped3A_53, %dma_start3A_84] : memref<160x128xi32, #tpu.memory_space<vmem>> -> memref<1x128xi32, #tpu.memory_space<vmem>>
      %dma_start3A_86 = tpu.memref_squeeze %dma_start3A_85 : memref<1x128xi32, #tpu.memory_space<vmem>> -> memref<128xi32, #tpu.memory_space<vmem>>
      %dma_start3A_87 = arith.constant 0 : i32
      %dma_start3A_88 = arith.constant 0 : i32
      %dma_start3A_89 = tpu.memref_slice %arg13[%dma_start3A_87, %dma_start3A_88] : memref<10240x64xf32, #tpu.memory_space<vmem_shared>> -> memref<10240x64xf32, #tpu.memory_space<vmem_shared>>
      tpu.enqueue_indirect_dma source(%arg10 : memref<128x64xf32, #tpu.memory_space<vmem>>) target(%dma_start3A_89 : memref<10240x64xf32, #tpu.memory_space<vmem_shared>>) offsets(%dma_start3A_86 : memref<128xi32, #tpu.memory_space<vmem>>) semaphore(%run_scoped3A_83 : memref<!tpu.dma_semaphore, #tpu.memory_space<semaphore_mem>>) {add = true}
      %dma_wait3A_90 = arith.constant 0 : i32
      %dma_wait3A_91 = tpu.memref_slice %arg8[%run_scoped3A_53, %dma_wait3A_90] : memref<160x128xi32, #tpu.memory_space<vmem>> -> memref<1x128xi32, #tpu.memory_space<vmem>>
      %dma_wait3A_92 = tpu.memref_squeeze %dma_wait3A_91 : memref<1x128xi32, #tpu.memory_space<vmem>> -> memref<128xi32, #tpu.memory_space<vmem>>
      %dma_wait3A_93 = arith.constant 0 : i32
      %dma_wait3A_94 = arith.constant 0 : i32
      %dma_wait3A_95 = tpu.memref_slice %arg13[%dma_wait3A_93, %dma_wait3A_94] : memref<10240x64xf32, #tpu.memory_space<vmem_shared>> -> memref<10240x64xf32, #tpu.memory_space<vmem_shared>>
      tpu.wait_indirect_dma semaphore(%run_scoped3A_83 : memref<!tpu.dma_semaphore, #tpu.memory_space<semaphore_mem>>) src(%arg10 : memref<128x64xf32, #tpu.memory_space<vmem>>) dst(%dma_wait3A_95 : memref<10240x64xf32, #tpu.memory_space<vmem_shared>>)
      tpu.yield
    }) : () -> ()
    %scan3A_54 = arith.constant 0 : i32
    %scan3A_55 = arith.constant 1 : i32
    %scan3A_56 = arith.constant 39 : i32
    %scan3A_57 = arith.addi %scan3A_55, %scan3A_56 : i32
    %scan3A_58 = arith.constant 1 : i32
    scf.for %scan3A_83 = %scan3A_55 to %scan3A_57 step %scan3A_58  : i32 {
      %mul3A_84 = arith.constant 4 : i32
      %mul3A_85 = arith.muli %mul3A_84, %scan3A_83 : i32
      %add3A_86 = arith.constant 0 : i32
      %add3A_87 = arith.addi %mul3A_85, %add3A_86 : i32
      %dma_start3A_88 = arith.constant 0 : i32
      %dma_start3A_89 = tpu.memref_slice %arg7[%add3A_87, %dma_start3A_88] : memref<160x128xi32, #tpu.memory_space<vmem>> -> memref<1x128xi32, #tpu.memory_space<vmem>>
      %dma_start3A_90 = tpu.memref_squeeze %dma_start3A_89 : memref<1x128xi32, #tpu.memory_space<vmem>> -> memref<128xi32, #tpu.memory_space<vmem>>
      %dma_start3A_91 = arith.constant 0 : i32
      %dma_start3A_92 = arith.constant 0 : i32
      %dma_start3A_93 = tpu.memref_slice %arg2[%dma_start3A_91, %dma_start3A_92] : memref<20480x64xf32, #tpu.memory_space<hbm>> -> memref<20480x64xf32, #tpu.memory_space<hbm>>
      tpu.enqueue_indirect_dma source(%dma_start3A_93 : memref<20480x64xf32, #tpu.memory_space<hbm>>) target(%arg9 : memref<128x64xf32, #tpu.memory_space<vmem>>) offsets(%dma_start3A_90 : memref<128xi32, #tpu.memory_space<vmem>>) semaphore(%arg14 : memref<!tpu.dma_semaphore, #tpu.memory_space<semaphore_mem>>)
      %dma_wait3A_94 = arith.constant 0 : i32
      %dma_wait3A_95 = arith.constant 0 : i32
      %dma_wait3A_96 = tpu.memref_slice %arg7[%dma_wait3A_94, %dma_wait3A_95] : memref<160x128xi32, #tpu.memory_space<vmem>> -> memref<1x128xi32, #tpu.memory_space<vmem>>
      %dma_wait3A_97 = tpu.memref_squeeze %dma_wait3A_96 : memref<1x128xi32, #tpu.memory_space<vmem>> -> memref<128xi32, #tpu.memory_space<vmem>>
      %dma_wait3A_98 = arith.constant 0 : i32
      %dma_wait3A_99 = arith.constant 0 : i32
      %dma_wait3A_100 = tpu.memref_slice %arg2[%dma_wait3A_98, %dma_wait3A_99] : memref<20480x64xf32, #tpu.memory_space<hbm>> -> memref<20480x64xf32, #tpu.memory_space<hbm>>
      tpu.wait_indirect_dma semaphore(%arg16 : memref<!tpu.dma_semaphore, #tpu.memory_space<semaphore_mem>>) src(%dma_wait3A_100 : memref<20480x64xf32, #tpu.memory_space<hbm>>) dst(%arg11 : memref<128x64xf32, #tpu.memory_space<vmem>>)
      %sub3A = arith.constant 2 : i32
      %sub3A_101 = arith.subi %add3A_87, %sub3A : i32
      "tpu.region"() ({
        %run_scoped3A_159 = tpu.sem_alloc : memref<!tpu.dma_semaphore, #tpu.memory_space<semaphore_mem>>
        %dma_start3A_160 = arith.constant 0 : i32
        %dma_start3A_161 = tpu.memref_slice %arg8[%sub3A_101, %dma_start3A_160] : memref<160x128xi32, #tpu.memory_space<vmem>> -> memref<1x128xi32, #tpu.memory_space<vmem>>
        %dma_start3A_162 = tpu.memref_squeeze %dma_start3A_161 : memref<1x128xi32, #tpu.memory_space<vmem>> -> memref<128xi32, #tpu.memory_space<vmem>>
        %dma_start3A_163 = arith.constant 0 : i32
        %dma_start3A_164 = arith.constant 0 : i32
        %dma_start3A_165 = tpu.memref_slice %arg13[%dma_start3A_163, %dma_start3A_164] : memref<10240x64xf32, #tpu.memory_space<vmem_shared>> -> memref<10240x64xf32, #tpu.memory_space<vmem_shared>>
        tpu.enqueue_indirect_dma source(%arg11 : memref<128x64xf32, #tpu.memory_space<vmem>>) target(%dma_start3A_165 : memref<10240x64xf32, #tpu.memory_space<vmem_shared>>) offsets(%dma_start3A_162 : memref<128xi32, #tpu.memory_space<vmem>>) semaphore(%run_scoped3A_159 : memref<!tpu.dma_semaphore, #tpu.memory_space<semaphore_mem>>) {add = true}
        %dma_wait3A_166 = arith.constant 0 : i32
        %dma_wait3A_167 = tpu.memref_slice %arg8[%sub3A_101, %dma_wait3A_166] : memref<160x128xi32, #tpu.memory_space<vmem>> -> memref<1x128xi32, #tpu.memory_space<vmem>>
        %dma_wait3A_168 = tpu.memref_squeeze %dma_wait3A_167 : memref<1x128xi32, #tpu.memory_space<vmem>> -> memref<128xi32, #tpu.memory_space<vmem>>
        %dma_wait3A_169 = arith.constant 0 : i32
        %dma_wait3A_170 = arith.constant 0 : i32
        %dma_wait3A_171 = tpu.memref_slice %arg13[%dma_wait3A_169, %dma_wait3A_170] : memref<10240x64xf32, #tpu.memory_space<vmem_shared>> -> memref<10240x64xf32, #tpu.memory_space<vmem_shared>>
        tpu.wait_indirect_dma semaphore(%run_scoped3A_159 : memref<!tpu.dma_semaphore, #tpu.memory_space<semaphore_mem>>) src(%arg11 : memref<128x64xf32, #tpu.memory_space<vmem>>) dst(%dma_wait3A_171 : memref<10240x64xf32, #tpu.memory_space<vmem_shared>>)
        tpu.yield
      }) : () -> ()
      %mul3A_102 = arith.constant 4 : i32
      %mul3A_103 = arith.muli %mul3A_102, %scan3A_83 : i32
      %add3A_104 = arith.constant 1 : i32
      %add3A_105 = arith.addi %mul3A_103, %add3A_104 : i32
      %dma_start3A_106 = arith.constant 0 : i32
      %dma_start3A_107 = tpu.memref_slice %arg7[%add3A_105, %dma_start3A_106] : memref<160x128xi32, #tpu.memory_space<vmem>> -> memref<1x128xi32, #tpu.memory_space<vmem>>
      %dma_start3A_108 = tpu.memref_squeeze %dma_start3A_107 : memref<1x128xi32, #tpu.memory_space<vmem>> -> memref<128xi32, #tpu.memory_space<vmem>>
      %dma_start3A_109 = arith.constant 0 : i32
      %dma_start3A_110 = arith.constant 0 : i32
      %dma_start3A_111 = tpu.memref_slice %arg2[%dma_start3A_109, %dma_start3A_110] : memref<20480x64xf32, #tpu.memory_space<hbm>> -> memref<20480x64xf32, #tpu.memory_space<hbm>>
      tpu.enqueue_indirect_dma source(%dma_start3A_111 : memref<20480x64xf32, #tpu.memory_space<hbm>>) target(%arg10 : memref<128x64xf32, #tpu.memory_space<vmem>>) offsets(%dma_start3A_108 : memref<128xi32, #tpu.memory_space<vmem>>) semaphore(%arg15 : memref<!tpu.dma_semaphore, #tpu.memory_space<semaphore_mem>>)
      %dma_wait3A_112 = arith.constant 0 : i32
      %dma_wait3A_113 = arith.constant 0 : i32
      %dma_wait3A_114 = tpu.memref_slice %arg7[%dma_wait3A_112, %dma_wait3A_113] : memref<160x128xi32, #tpu.memory_space<vmem>> -> memref<1x128xi32, #tpu.memory_space<vmem>>
      %dma_wait3A_115 = tpu.memref_squeeze %dma_wait3A_114 : memref<1x128xi32, #tpu.memory_space<vmem>> -> memref<128xi32, #tpu.memory_space<vmem>>
      %dma_wait3A_116 = arith.constant 0 : i32
      %dma_wait3A_117 = arith.constant 0 : i32
      %dma_wait3A_118 = tpu.memref_slice %arg2[%dma_wait3A_116, %dma_wait3A_117] : memref<20480x64xf32, #tpu.memory_space<hbm>> -> memref<20480x64xf32, #tpu.memory_space<hbm>>
      tpu.wait_indirect_dma semaphore(%arg17 : memref<!tpu.dma_semaphore, #tpu.memory_space<semaphore_mem>>) src(%dma_wait3A_118 : memref<20480x64xf32, #tpu.memory_space<hbm>>) dst(%arg12 : memref<128x64xf32, #tpu.memory_space<vmem>>)
      %sub3A_119 = arith.constant 2 : i32
      %sub3A_120 = arith.subi %add3A_105, %sub3A_119 : i32
      "tpu.region"() ({
        %run_scoped3A_159 = tpu.sem_alloc : memref<!tpu.dma_semaphore, #tpu.memory_space<semaphore_mem>>
        %dma_start3A_160 = arith.constant 0 : i32
        %dma_start3A_161 = tpu.memref_slice %arg8[%sub3A_120, %dma_start3A_160] : memref<160x128xi32, #tpu.memory_space<vmem>> -> memref<1x128xi32, #tpu.memory_space<vmem>>
        %dma_start3A_162 = tpu.memref_squeeze %dma_start3A_161 : memref<1x128xi32, #tpu.memory_space<vmem>> -> memref<128xi32, #tpu.memory_space<vmem>>
        %dma_start3A_163 = arith.constant 0 : i32
        %dma_start3A_164 = arith.constant 0 : i32
        %dma_start3A_165 = tpu.memref_slice %arg13[%dma_start3A_163, %dma_start3A_164] : memref<10240x64xf32, #tpu.memory_space<vmem_shared>> -> memref<10240x64xf32, #tpu.memory_space<vmem_shared>>
        tpu.enqueue_indirect_dma source(%arg12 : memref<128x64xf32, #tpu.memory_space<vmem>>) target(%dma_start3A_165 : memref<10240x64xf32, #tpu.memory_space<vmem_shared>>) offsets(%dma_start3A_162 : memref<128xi32, #tpu.memory_space<vmem>>) semaphore(%run_scoped3A_159 : memref<!tpu.dma_semaphore, #tpu.memory_space<semaphore_mem>>) {add = true}
        %dma_wait3A_166 = arith.constant 0 : i32
        %dma_wait3A_167 = tpu.memref_slice %arg8[%sub3A_120, %dma_wait3A_166] : memref<160x128xi32, #tpu.memory_space<vmem>> -> memref<1x128xi32, #tpu.memory_space<vmem>>
        %dma_wait3A_168 = tpu.memref_squeeze %dma_wait3A_167 : memref<1x128xi32, #tpu.memory_space<vmem>> -> memref<128xi32, #tpu.memory_space<vmem>>
        %dma_wait3A_169 = arith.constant 0 : i32
        %dma_wait3A_170 = arith.constant 0 : i32
        %dma_wait3A_171 = tpu.memref_slice %arg13[%dma_wait3A_169, %dma_wait3A_170] : memref<10240x64xf32, #tpu.memory_space<vmem_shared>> -> memref<10240x64xf32, #tpu.memory_space<vmem_shared>>
        tpu.wait_indirect_dma semaphore(%run_scoped3A_159 : memref<!tpu.dma_semaphore, #tpu.memory_space<semaphore_mem>>) src(%arg12 : memref<128x64xf32, #tpu.memory_space<vmem>>) dst(%dma_wait3A_171 : memref<10240x64xf32, #tpu.memory_space<vmem_shared>>)
        tpu.yield
      }) : () -> ()
      %mul3A_121 = arith.constant 4 : i32
      %mul3A_122 = arith.muli %mul3A_121, %scan3A_83 : i32
      %add3A_123 = arith.constant 2 : i32
      %add3A_124 = arith.addi %mul3A_122, %add3A_123 : i32
      %dma_start3A_125 = arith.constant 0 : i32
      %dma_start3A_126 = tpu.memref_slice %arg7[%add3A_124, %dma_start3A_125] : memref<160x128xi32, #tpu.memory_space<vmem>> -> memref<1x128xi32, #tpu.memory_space<vmem>>
      %dma_start3A_127 = tpu.memref_squeeze %dma_start3A_126 : memref<1x128xi32, #tpu.memory_space<vmem>> -> memref<128xi32, #tpu.memory_space<vmem>>
      %dma_start3A_128 = arith.constant 0 : i32
      %dma_start3A_129 = arith.constant 0 : i32
      %dma_start3A_130 = tpu.memref_slice %arg2[%dma_start3A_128, %dma_start3A_129] : memref<20480x64xf32, #tpu.memory_space<hbm>> -> memref<20480x64xf32, #tpu.memory_space<hbm>>
      tpu.enqueue_indirect_dma source(%dma_start3A_130 : memref<20480x64xf32, #tpu.memory_space<hbm>>) target(%arg11 : memref<128x64xf32, #tpu.memory_space<vmem>>) offsets(%dma_start3A_127 : memref<128xi32, #tpu.memory_space<vmem>>) semaphore(%arg16 : memref<!tpu.dma_semaphore, #tpu.memory_space<semaphore_mem>>)
      %dma_wait3A_131 = arith.constant 0 : i32
      %dma_wait3A_132 = arith.constant 0 : i32
      %dma_wait3A_133 = tpu.memref_slice %arg7[%dma_wait3A_131, %dma_wait3A_132] : memref<160x128xi32, #tpu.memory_space<vmem>> -> memref<1x128xi32, #tpu.memory_space<vmem>>
      %dma_wait3A_134 = tpu.memref_squeeze %dma_wait3A_133 : memref<1x128xi32, #tpu.memory_space<vmem>> -> memref<128xi32, #tpu.memory_space<vmem>>
      %dma_wait3A_135 = arith.constant 0 : i32
      %dma_wait3A_136 = arith.constant 0 : i32
      %dma_wait3A_137 = tpu.memref_slice %arg2[%dma_wait3A_135, %dma_wait3A_136] : memref<20480x64xf32, #tpu.memory_space<hbm>> -> memref<20480x64xf32, #tpu.memory_space<hbm>>
      tpu.wait_indirect_dma semaphore(%arg14 : memref<!tpu.dma_semaphore, #tpu.memory_space<semaphore_mem>>) src(%dma_wait3A_137 : memref<20480x64xf32, #tpu.memory_space<hbm>>) dst(%arg9 : memref<128x64xf32, #tpu.memory_space<vmem>>)
      %sub3A_138 = arith.constant 2 : i32
      %sub3A_139 = arith.subi %add3A_124, %sub3A_138 : i32
      "tpu.region"() ({
        %run_scoped3A_159 = tpu.sem_alloc : memref<!tpu.dma_semaphore, #tpu.memory_space<semaphore_mem>>
        %dma_start3A_160 = arith.constant 0 : i32
        %dma_start3A_161 = tpu.memref_slice %arg8[%sub3A_139, %dma_start3A_160] : memref<160x128xi32, #tpu.memory_space<vmem>> -> memref<1x128xi32, #tpu.memory_space<vmem>>
        %dma_start3A_162 = tpu.memref_squeeze %dma_start3A_161 : memref<1x128xi32, #tpu.memory_space<vmem>> -> memref<128xi32, #tpu.memory_space<vmem>>
        %dma_start3A_163 = arith.constant 0 : i32
        %dma_start3A_164 = arith.constant 0 : i32
        %dma_start3A_165 = tpu.memref_slice %arg13[%dma_start3A_163, %dma_start3A_164] : memref<10240x64xf32, #tpu.memory_space<vmem_shared>> -> memref<10240x64xf32, #tpu.memory_space<vmem_shared>>
        tpu.enqueue_indirect_dma source(%arg9 : memref<128x64xf32, #tpu.memory_space<vmem>>) target(%dma_start3A_165 : memref<10240x64xf32, #tpu.memory_space<vmem_shared>>) offsets(%dma_start3A_162 : memref<128xi32, #tpu.memory_space<vmem>>) semaphore(%run_scoped3A_159 : memref<!tpu.dma_semaphore, #tpu.memory_space<semaphore_mem>>) {add = true}
        %dma_wait3A_166 = arith.constant 0 : i32
        %dma_wait3A_167 = tpu.memref_slice %arg8[%sub3A_139, %dma_wait3A_166] : memref<160x128xi32, #tpu.memory_space<vmem>> -> memref<1x128xi32, #tpu.memory_space<vmem>>
        %dma_wait3A_168 = tpu.memref_squeeze %dma_wait3A_167 : memref<1x128xi32, #tpu.memory_space<vmem>> -> memref<128xi32, #tpu.memory_space<vmem>>
        %dma_wait3A_169 = arith.constant 0 : i32
        %dma_wait3A_170 = arith.constant 0 : i32
        %dma_wait3A_171 = tpu.memref_slice %arg13[%dma_wait3A_169, %dma_wait3A_170] : memref<10240x64xf32, #tpu.memory_space<vmem_shared>> -> memref<10240x64xf32, #tpu.memory_space<vmem_shared>>
        tpu.wait_indirect_dma semaphore(%run_scoped3A_159 : memref<!tpu.dma_semaphore, #tpu.memory_space<semaphore_mem>>) src(%arg9 : memref<128x64xf32, #tpu.memory_space<vmem>>) dst(%dma_wait3A_171 : memref<10240x64xf32, #tpu.memory_space<vmem_shared>>)
        tpu.yield
      }) : () -> ()
      %mul3A_140 = arith.constant 4 : i32
      %mul3A_141 = arith.muli %mul3A_140, %scan3A_83 : i32
      %add3A_142 = arith.constant 3 : i32
      %add3A_143 = arith.addi %mul3A_141, %add3A_142 : i32
      %dma_start3A_144 = arith.constant 0 : i32
      %dma_start3A_145 = tpu.memref_slice %arg7[%add3A_143, %dma_start3A_144] : memref<160x128xi32, #tpu.memory_space<vmem>> -> memref<1x128xi32, #tpu.memory_space<vmem>>
      %dma_start3A_146 = tpu.memref_squeeze %dma_start3A_145 : memref<1x128xi32, #tpu.memory_space<vmem>> -> memref<128xi32, #tpu.memory_space<vmem>>
      %dma_start3A_147 = arith.constant 0 : i32
      %dma_start3A_148 = arith.constant 0 : i32
      %dma_start3A_149 = tpu.memref_slice %arg2[%dma_start3A_147, %dma_start3A_148] : memref<20480x64xf32, #tpu.memory_space<hbm>> -> memref<20480x64xf32, #tpu.memory_space<hbm>>
      tpu.enqueue_indirect_dma source(%dma_start3A_149 : memref<20480x64xf32, #tpu.memory_space<hbm>>) target(%arg12 : memref<128x64xf32, #tpu.memory_space<vmem>>) offsets(%dma_start3A_146 : memref<128xi32, #tpu.memory_space<vmem>>) semaphore(%arg17 : memref<!tpu.dma_semaphore, #tpu.memory_space<semaphore_mem>>)
      %dma_wait3A_150 = arith.constant 0 : i32
      %dma_wait3A_151 = arith.constant 0 : i32
      %dma_wait3A_152 = tpu.memref_slice %arg7[%dma_wait3A_150, %dma_wait3A_151] : memref<160x128xi32, #tpu.memory_space<vmem>> -> memref<1x128xi32, #tpu.memory_space<vmem>>
      %dma_wait3A_153 = tpu.memref_squeeze %dma_wait3A_152 : memref<1x128xi32, #tpu.memory_space<vmem>> -> memref<128xi32, #tpu.memory_space<vmem>>
      %dma_wait3A_154 = arith.constant 0 : i32
      %dma_wait3A_155 = arith.constant 0 : i32
      %dma_wait3A_156 = tpu.memref_slice %arg2[%dma_wait3A_154, %dma_wait3A_155] : memref<20480x64xf32, #tpu.memory_space<hbm>> -> memref<20480x64xf32, #tpu.memory_space<hbm>>
      tpu.wait_indirect_dma semaphore(%arg15 : memref<!tpu.dma_semaphore, #tpu.memory_space<semaphore_mem>>) src(%dma_wait3A_156 : memref<20480x64xf32, #tpu.memory_space<hbm>>) dst(%arg10 : memref<128x64xf32, #tpu.memory_space<vmem>>)
      %sub3A_157 = arith.constant 2 : i32
      %sub3A_158 = arith.subi %add3A_143, %sub3A_157 : i32
      "tpu.region"() ({
        %run_scoped3A_159 = tpu.sem_alloc : memref<!tpu.dma_semaphore, #tpu.memory_space<semaphore_mem>>
        %dma_start3A_160 = arith.constant 0 : i32
        %dma_start3A_161 = tpu.memref_slice %arg8[%sub3A_158, %dma_start3A_160] : memref<160x128xi32, #tpu.memory_space<vmem>> -> memref<1x128xi32, #tpu.memory_space<vmem>>
        %dma_start3A_162 = tpu.memref_squeeze %dma_start3A_161 : memref<1x128xi32, #tpu.memory_space<vmem>> -> memref<128xi32, #tpu.memory_space<vmem>>
        %dma_start3A_163 = arith.constant 0 : i32
        %dma_start3A_164 = arith.constant 0 : i32
        %dma_start3A_165 = tpu.memref_slice %arg13[%dma_start3A_163, %dma_start3A_164] : memref<10240x64xf32, #tpu.memory_space<vmem_shared>> -> memref<10240x64xf32, #tpu.memory_space<vmem_shared>>
        tpu.enqueue_indirect_dma source(%arg10 : memref<128x64xf32, #tpu.memory_space<vmem>>) target(%dma_start3A_165 : memref<10240x64xf32, #tpu.memory_space<vmem_shared>>) offsets(%dma_start3A_162 : memref<128xi32, #tpu.memory_space<vmem>>) semaphore(%run_scoped3A_159 : memref<!tpu.dma_semaphore, #tpu.memory_space<semaphore_mem>>) {add = true}
        %dma_wait3A_166 = arith.constant 0 : i32
        %dma_wait3A_167 = tpu.memref_slice %arg8[%sub3A_158, %dma_wait3A_166] : memref<160x128xi32, #tpu.memory_space<vmem>> -> memref<1x128xi32, #tpu.memory_space<vmem>>
        %dma_wait3A_168 = tpu.memref_squeeze %dma_wait3A_167 : memref<1x128xi32, #tpu.memory_space<vmem>> -> memref<128xi32, #tpu.memory_space<vmem>>
        %dma_wait3A_169 = arith.constant 0 : i32
        %dma_wait3A_170 = arith.constant 0 : i32
        %dma_wait3A_171 = tpu.memref_slice %arg13[%dma_wait3A_169, %dma_wait3A_170] : memref<10240x64xf32, #tpu.memory_space<vmem_shared>> -> memref<10240x64xf32, #tpu.memory_space<vmem_shared>>
        tpu.wait_indirect_dma semaphore(%run_scoped3A_159 : memref<!tpu.dma_semaphore, #tpu.memory_space<semaphore_mem>>) src(%arg10 : memref<128x64xf32, #tpu.memory_space<vmem>>) dst(%dma_wait3A_171 : memref<10240x64xf32, #tpu.memory_space<vmem_shared>>)
        tpu.yield
      }) : () -> ()
    }
    %scan3A_59 = arith.constant 39 : i32
    %dma_wait3A_60 = arith.constant 0 : i32
    %dma_wait3A_61 = arith.constant 0 : i32
    %dma_wait3A_62 = tpu.memref_slice %arg7[%dma_wait3A_60, %dma_wait3A_61] : memref<160x128xi32, #tpu.memory_space<vmem>> -> memref<1x128xi32, #tpu.memory_space<vmem>>
    %dma_wait3A_63 = tpu.memref_squeeze %dma_wait3A_62 : memref<1x128xi32, #tpu.memory_space<vmem>> -> memref<128xi32, #tpu.memory_space<vmem>>
    %dma_wait3A_64 = arith.constant 0 : i32
    %dma_wait3A_65 = arith.constant 0 : i32
    %dma_wait3A_66 = tpu.memref_slice %arg2[%dma_wait3A_64, %dma_wait3A_65] : memref<20480x64xf32, #tpu.memory_space<hbm>> -> memref<20480x64xf32, #tpu.memory_space<hbm>>
    tpu.wait_indirect_dma semaphore(%arg16 : memref<!tpu.dma_semaphore, #tpu.memory_space<semaphore_mem>>) src(%dma_wait3A_66 : memref<20480x64xf32, #tpu.memory_space<hbm>>) dst(%arg11 : memref<128x64xf32, #tpu.memory_space<vmem>>)
    %run_scoped3A_67 = arith.constant 158 : i32
    "tpu.region"() ({
      %run_scoped3A_83 = tpu.sem_alloc : memref<!tpu.dma_semaphore, #tpu.memory_space<semaphore_mem>>
      %dma_start3A_84 = arith.constant 0 : i32
      %dma_start3A_85 = tpu.memref_slice %arg8[%run_scoped3A_67, %dma_start3A_84] : memref<160x128xi32, #tpu.memory_space<vmem>> -> memref<1x128xi32, #tpu.memory_space<vmem>>
      %dma_start3A_86 = tpu.memref_squeeze %dma_start3A_85 : memref<1x128xi32, #tpu.memory_space<vmem>> -> memref<128xi32, #tpu.memory_space<vmem>>
      %dma_start3A_87 = arith.constant 0 : i32
      %dma_start3A_88 = arith.constant 0 : i32
      %dma_start3A_89 = tpu.memref_slice %arg13[%dma_start3A_87, %dma_start3A_88] : memref<10240x64xf32, #tpu.memory_space<vmem_shared>> -> memref<10240x64xf32, #tpu.memory_space<vmem_shared>>
      tpu.enqueue_indirect_dma source(%arg11 : memref<128x64xf32, #tpu.memory_space<vmem>>) target(%dma_start3A_89 : memref<10240x64xf32, #tpu.memory_space<vmem_shared>>) offsets(%dma_start3A_86 : memref<128xi32, #tpu.memory_space<vmem>>) semaphore(%run_scoped3A_83 : memref<!tpu.dma_semaphore, #tpu.memory_space<semaphore_mem>>) {add = true}
      %dma_wait3A_90 = arith.constant 0 : i32
      %dma_wait3A_91 = tpu.memref_slice %arg8[%run_scoped3A_67, %dma_wait3A_90] : memref<160x128xi32, #tpu.memory_space<vmem>> -> memref<1x128xi32, #tpu.memory_space<vmem>>
      %dma_wait3A_92 = tpu.memref_squeeze %dma_wait3A_91 : memref<1x128xi32, #tpu.memory_space<vmem>> -> memref<128xi32, #tpu.memory_space<vmem>>
      %dma_wait3A_93 = arith.constant 0 : i32
      %dma_wait3A_94 = arith.constant 0 : i32
      %dma_wait3A_95 = tpu.memref_slice %arg13[%dma_wait3A_93, %dma_wait3A_94] : memref<10240x64xf32, #tpu.memory_space<vmem_shared>> -> memref<10240x64xf32, #tpu.memory_space<vmem_shared>>
      tpu.wait_indirect_dma semaphore(%run_scoped3A_83 : memref<!tpu.dma_semaphore, #tpu.memory_space<semaphore_mem>>) src(%arg11 : memref<128x64xf32, #tpu.memory_space<vmem>>) dst(%dma_wait3A_95 : memref<10240x64xf32, #tpu.memory_space<vmem_shared>>)
      tpu.yield
    }) : () -> ()
    %dma_wait3A_68 = arith.constant 0 : i32
    %dma_wait3A_69 = arith.constant 0 : i32
    %dma_wait3A_70 = tpu.memref_slice %arg7[%dma_wait3A_68, %dma_wait3A_69] : memref<160x128xi32, #tpu.memory_space<vmem>> -> memref<1x128xi32, #tpu.memory_space<vmem>>
    %dma_wait3A_71 = tpu.memref_squeeze %dma_wait3A_70 : memref<1x128xi32, #tpu.memory_space<vmem>> -> memref<128xi32, #tpu.memory_space<vmem>>
    %dma_wait3A_72 = arith.constant 0 : i32
    %dma_wait3A_73 = arith.constant 0 : i32
    %dma_wait3A_74 = tpu.memref_slice %arg2[%dma_wait3A_72, %dma_wait3A_73] : memref<20480x64xf32, #tpu.memory_space<hbm>> -> memref<20480x64xf32, #tpu.memory_space<hbm>>
    tpu.wait_indirect_dma semaphore(%arg17 : memref<!tpu.dma_semaphore, #tpu.memory_space<semaphore_mem>>) src(%dma_wait3A_74 : memref<20480x64xf32, #tpu.memory_space<hbm>>) dst(%arg12 : memref<128x64xf32, #tpu.memory_space<vmem>>)
    %run_scoped3A_75 = arith.constant 159 : i32
    "tpu.region"() ({
      %run_scoped3A_83 = tpu.sem_alloc : memref<!tpu.dma_semaphore, #tpu.memory_space<semaphore_mem>>
      %dma_start3A_84 = arith.constant 0 : i32
      %dma_start3A_85 = tpu.memref_slice %arg8[%run_scoped3A_75, %dma_start3A_84] : memref<160x128xi32, #tpu.memory_space<vmem>> -> memref<1x128xi32, #tpu.memory_space<vmem>>
      %dma_start3A_86 = tpu.memref_squeeze %dma_start3A_85 : memref<1x128xi32, #tpu.memory_space<vmem>> -> memref<128xi32, #tpu.memory_space<vmem>>
      %dma_start3A_87 = arith.constant 0 : i32
      %dma_start3A_88 = arith.constant 0 : i32
      %dma_start3A_89 = tpu.memref_slice %arg13[%dma_start3A_87, %dma_start3A_88] : memref<10240x64xf32, #tpu.memory_space<vmem_shared>> -> memref<10240x64xf32, #tpu.memory_space<vmem_shared>>
      tpu.enqueue_indirect_dma source(%arg12 : memref<128x64xf32, #tpu.memory_space<vmem>>) target(%dma_start3A_89 : memref<10240x64xf32, #tpu.memory_space<vmem_shared>>) offsets(%dma_start3A_86 : memref<128xi32, #tpu.memory_space<vmem>>) semaphore(%run_scoped3A_83 : memref<!tpu.dma_semaphore, #tpu.memory_space<semaphore_mem>>) {add = true}
      %dma_wait3A_90 = arith.constant 0 : i32
      %dma_wait3A_91 = tpu.memref_slice %arg8[%run_scoped3A_75, %dma_wait3A_90] : memref<160x128xi32, #tpu.memory_space<vmem>> -> memref<1x128xi32, #tpu.memory_space<vmem>>
      %dma_wait3A_92 = tpu.memref_squeeze %dma_wait3A_91 : memref<1x128xi32, #tpu.memory_space<vmem>> -> memref<128xi32, #tpu.memory_space<vmem>>
      %dma_wait3A_93 = arith.constant 0 : i32
      %dma_wait3A_94 = arith.constant 0 : i32
      %dma_wait3A_95 = tpu.memref_slice %arg13[%dma_wait3A_93, %dma_wait3A_94] : memref<10240x64xf32, #tpu.memory_space<vmem_shared>> -> memref<10240x64xf32, #tpu.memory_space<vmem_shared>>
      tpu.wait_indirect_dma semaphore(%run_scoped3A_83 : memref<!tpu.dma_semaphore, #tpu.memory_space<semaphore_mem>>) src(%arg12 : memref<128x64xf32, #tpu.memory_space<vmem>>) dst(%dma_wait3A_95 : memref<10240x64xf32, #tpu.memory_space<vmem_shared>>)
      tpu.yield
    }) : () -> ()
    %barrier3A_76 = arith.constant 0 : index
    tpu.barrier barrier_id(%barrier3A_76)
    %scan3A_77 = arith.constant 0 : i32
    %scan3A_78 = arith.constant 0 : i32
    %scan3A_79 = arith.constant 5 : i32
    %scan3A_80 = arith.addi %scan3A_78, %scan3A_79 : i32
    %scan3A_81 = arith.constant 1 : i32
    scf.for %scan3A_83 = %scan3A_78 to %scan3A_80 step %scan3A_81  : i32 {
      %mul3A_84 = arith.constant 640 : i32
      %mul3A_85 = arith.muli %arg1, %mul3A_84 : i32
      %mul3A_86 = arith.constant 128 : i32
      %mul3A_87 = arith.muli %scan3A_83, %mul3A_86 : i32
      %add3A_88 = arith.addi %mul3A_85, %mul3A_87 : i32
      "tpu.region"() ({
        %run_scoped3A_91 = tpu.sem_alloc : memref<!tpu.dma_semaphore, #tpu.memory_space<semaphore_mem>>
        %dma_start3A_92 = arith.constant 0 : i32
        %dma_start3A_93 = tpu.memref_slice %arg13[%add3A_88, %dma_start3A_92] : memref<10240x64xf32, #tpu.memory_space<vmem_shared>> -> memref<128x64xf32, #tpu.memory_space<vmem_shared>>
        %dma_start3A_94 = arith.constant 0 : i32
        %dma_start3A_95 = tpu.memref_slice %arg13[%add3A_88, %dma_start3A_94] : memref<10240x64xf32, #tpu.memory_space<vmem_shared>> -> memref<128x64xf32, #tpu.memory_space<vmem_shared>>
        tpu.enqueue_dma source(%dma_start3A_95 : memref<128x64xf32, #tpu.memory_space<vmem_shared>>) target(%arg9 : memref<128x64xf32, #tpu.memory_space<vmem>>) target_semaphore(%run_scoped3A_91 : memref<!tpu.dma_semaphore, #tpu.memory_space<semaphore_mem>>)
        %dma_wait3A_96 = arith.constant 0 : i32
        %dma_wait3A_97 = tpu.memref_slice %arg13[%add3A_88, %dma_wait3A_96] : memref<10240x64xf32, #tpu.memory_space<vmem_shared>> -> memref<128x64xf32, #tpu.memory_space<vmem_shared>>
        %dma_wait3A_98 = arith.constant 0 : i32
        %dma_wait3A_99 = tpu.memref_slice %arg13[%add3A_88, %dma_wait3A_98] : memref<10240x64xf32, #tpu.memory_space<vmem_shared>> -> memref<128x64xf32, #tpu.memory_space<vmem_shared>>
        tpu.wait_dma2 semaphore(%run_scoped3A_91 : memref<!tpu.dma_semaphore, #tpu.memory_space<semaphore_mem>>) src(%dma_wait3A_99 : memref<128x64xf32, #tpu.memory_space<vmem_shared>>) dst(%arg9 : memref<128x64xf32, #tpu.memory_space<vmem>>)
        tpu.yield
      }) : () -> ()
      %mul3A_89 = arith.constant 64 : i32
      %mul3A_90 = arith.muli %arg0, %mul3A_89 : i32
      "tpu.region"() ({
        %run_scoped3A_91 = tpu.sem_alloc : memref<!tpu.dma_semaphore, #tpu.memory_space<semaphore_mem>>
        %dma_start3A_92 = tpu.memref_slice %arg6[%add3A_88, %mul3A_90] : memref<10240x128xf32, #tpu.memory_space<hbm>> -> memref<128x64xf32, #tpu.memory_space<hbm>>
        %dma_start3A_93 = tpu.memref_slice %arg6[%add3A_88, %mul3A_90] : memref<10240x128xf32, #tpu.memory_space<hbm>> -> memref<128x64xf32, #tpu.memory_space<hbm>>
        tpu.enqueue_dma source(%arg9 : memref<128x64xf32, #tpu.memory_space<vmem>>) target(%dma_start3A_93 : memref<128x64xf32, #tpu.memory_space<hbm>>) target_semaphore(%run_scoped3A_91 : memref<!tpu.dma_semaphore, #tpu.memory_space<semaphore_mem>>)
        %dma_wait3A_94 = tpu.memref_slice %arg6[%add3A_88, %mul3A_90] : memref<10240x128xf32, #tpu.memory_space<hbm>> -> memref<128x64xf32, #tpu.memory_space<hbm>>
        %dma_wait3A_95 = tpu.memref_slice %arg6[%add3A_88, %mul3A_90] : memref<10240x128xf32, #tpu.memory_space<hbm>> -> memref<128x64xf32, #tpu.memory_space<hbm>>
        tpu.wait_dma2 semaphore(%run_scoped3A_91 : memref<!tpu.dma_semaphore, #tpu.memory_space<semaphore_mem>>) src(%arg9 : memref<128x64xf32, #tpu.memory_space<vmem>>) dst(%dma_wait3A_95 : memref<128x64xf32, #tpu.memory_space<hbm>>)
        tpu.yield
      }) : () -> ()
    }
    %scan3A_82 = arith.constant 5 : i32
    return
  }
}

#map = affine_map<(d0, d1) -> (0, 0)>
module attributes {stable_mosaic.version = 14 : i64} {
  func.func @_deg_body(%arg0: i32, %arg1: i32, %arg2: memref<128x16xf32, #tpu.memory_space<hbm>>, %arg3: memref<2500x128xi32, #tpu.memory_space<hbm>>, %arg4: memref<128x16xf32, #tpu.memory_space<hbm>>, %arg5: memref<20480x16xf32, #tpu.memory_space<hbm>>, %arg6: memref<79x128xi32, #tpu.memory_space<vmem>>, %arg7: memref<128x16xf32, #tpu.memory_space<vmem>>, %arg8: memref<10240x16xf32, #tpu.memory_space<vmem_shared>>, %arg9: memref<!tpu.dma_semaphore, #tpu.memory_space<semaphore_mem>>) attributes {dimension_semantics = [#tpu.dimension_semantics<core_parallel>, #tpu.dimension_semantics<subcore_parallel>], iteration_bounds = array<i64: 2, 16>, scalar_prefetch = 0 : i64, scratch_operands = 4 : i64, tpu.core_type = #tpu.core_type<sc_vector_subcore>, window_params = [{transform_indices = #map}, {transform_indices = #map}, {transform_indices = #map}, {transform_indices = #map}]} {
    %mul3A = arith.constant 16 : i32
    %mul3A_0 = arith.muli %arg0, %mul3A : i32
    %add3A = arith.addi %mul3A_0, %arg1 : i32
    %mul3A_1 = arith.constant 78 : i32
    %mul3A_2 = arith.muli %mul3A_1, %add3A : i32
    %min3A = arith.constant 4 : i32
    %min3A_3 = arith.minsi %add3A, %min3A : i32
    %add3A_4 = arith.addi %mul3A_2, %min3A_3 : i32
    %lt3A = arith.constant 4 : i32
    %lt3A_5 = arith.cmpi slt, %add3A, %lt3A : i32
    %jit3A = arith.constant 1 : i32
    %jit3A_6 = arith.constant 0 : i32
    %select_n3A = arith.select %lt3A_5, %jit3A, %jit3A_6 : i32
    %add3A_7 = arith.constant 78 : i32
    %add3A_8 = arith.addi %add3A_7, %select_n3A : i32
    "tpu.region"() ({
      %run_scoped3A = tpu.sem_alloc : memref<!tpu.dma_semaphore, #tpu.memory_space<semaphore_mem>>
      %dma_start3A = arith.constant 0 : i32
      %dma_start3A_33 = arith.constant 0 : i32
      %dma_start3A_34 = tpu.memref_slice %arg6[%dma_start3A, %dma_start3A_33] : memref<79x128xi32, #tpu.memory_space<vmem>> -> memref<78x128xi32, #tpu.memory_space<vmem>>
      %dma_start3A_35 = arith.constant 0 : i32
      %dma_start3A_36 = tpu.memref_slice %arg3[%add3A_4, %dma_start3A_35] : memref<2500x128xi32, #tpu.memory_space<hbm>> -> memref<78x128xi32, #tpu.memory_space<hbm>>
      %dma_start3A_37 = arith.constant 0 : i32
      %dma_start3A_38 = arith.constant 0 : i32
      %dma_start3A_39 = tpu.memref_slice %arg6[%dma_start3A_37, %dma_start3A_38] : memref<79x128xi32, #tpu.memory_space<vmem>> -> memref<78x128xi32, #tpu.memory_space<vmem>>
      %dma_start3A_40 = arith.constant 0 : i32
      %dma_start3A_41 = tpu.memref_slice %arg3[%add3A_4, %dma_start3A_40] : memref<2500x128xi32, #tpu.memory_space<hbm>> -> memref<78x128xi32, #tpu.memory_space<hbm>>
      tpu.enqueue_dma source(%dma_start3A_41 : memref<78x128xi32, #tpu.memory_space<hbm>>) target(%dma_start3A_39 : memref<78x128xi32, #tpu.memory_space<vmem>>) target_semaphore(%run_scoped3A : memref<!tpu.dma_semaphore, #tpu.memory_space<semaphore_mem>>)
      %dma_wait3A = arith.constant 0 : i32
      %dma_wait3A_42 = arith.constant 0 : i32
      %dma_wait3A_43 = tpu.memref_slice %arg6[%dma_wait3A, %dma_wait3A_42] : memref<79x128xi32, #tpu.memory_space<vmem>> -> memref<78x128xi32, #tpu.memory_space<vmem>>
      %dma_wait3A_44 = arith.constant 0 : i32
      %dma_wait3A_45 = tpu.memref_slice %arg3[%add3A_4, %dma_wait3A_44] : memref<2500x128xi32, #tpu.memory_space<hbm>> -> memref<78x128xi32, #tpu.memory_space<hbm>>
      %dma_wait3A_46 = arith.constant 0 : i32
      %dma_wait3A_47 = arith.constant 0 : i32
      %dma_wait3A_48 = tpu.memref_slice %arg6[%dma_wait3A_46, %dma_wait3A_47] : memref<79x128xi32, #tpu.memory_space<vmem>> -> memref<78x128xi32, #tpu.memory_space<vmem>>
      %dma_wait3A_49 = arith.constant 0 : i32
      %dma_wait3A_50 = tpu.memref_slice %arg3[%add3A_4, %dma_wait3A_49] : memref<2500x128xi32, #tpu.memory_space<hbm>> -> memref<78x128xi32, #tpu.memory_space<hbm>>
      tpu.wait_dma2 semaphore(%run_scoped3A : memref<!tpu.dma_semaphore, #tpu.memory_space<semaphore_mem>>) src(%dma_wait3A_50 : memref<78x128xi32, #tpu.memory_space<hbm>>) dst(%dma_wait3A_48 : memref<78x128xi32, #tpu.memory_space<vmem>>)
      tpu.yield
    }) : () -> ()
    %lt3A_9 = arith.constant 4 : i32
    %lt3A_10 = arith.cmpi slt, %add3A, %lt3A_9 : i32
    %convert_element_type3A = arith.extui %lt3A_10 : i1 to i32
    %cond3A = arith.constant 0 : i32
    %cond3A_11 = arith.cmpi ne, %convert_element_type3A, %cond3A : i32
    scf.if %cond3A_11 {
      %add3A_33 = arith.constant 78 : i32
      %add3A_34 = arith.addi %add3A_4, %add3A_33 : i32
      "tpu.region"() ({
        %run_scoped3A = tpu.sem_alloc : memref<!tpu.dma_semaphore, #tpu.memory_space<semaphore_mem>>
        %dma_start3A = arith.constant 78 : i32
        %dma_start3A_35 = arith.constant 0 : i32
        %dma_start3A_36 = tpu.memref_slice %arg6[%dma_start3A, %dma_start3A_35] : memref<79x128xi32, #tpu.memory_space<vmem>> -> memref<1x128xi32, #tpu.memory_space<vmem>>
        %dma_start3A_37 = arith.constant 0 : i32
        %dma_start3A_38 = tpu.memref_slice %arg3[%add3A_34, %dma_start3A_37] : memref<2500x128xi32, #tpu.memory_space<hbm>> -> memref<1x128xi32, #tpu.memory_space<hbm>>
        %dma_start3A_39 = arith.constant 78 : i32
        %dma_start3A_40 = arith.constant 0 : i32
        %dma_start3A_41 = tpu.memref_slice %arg6[%dma_start3A_39, %dma_start3A_40] : memref<79x128xi32, #tpu.memory_space<vmem>> -> memref<1x128xi32, #tpu.memory_space<vmem>>
        %dma_start3A_42 = arith.constant 0 : i32
        %dma_start3A_43 = tpu.memref_slice %arg3[%add3A_34, %dma_start3A_42] : memref<2500x128xi32, #tpu.memory_space<hbm>> -> memref<1x128xi32, #tpu.memory_space<hbm>>
        tpu.enqueue_dma source(%dma_start3A_43 : memref<1x128xi32, #tpu.memory_space<hbm>>) target(%dma_start3A_41 : memref<1x128xi32, #tpu.memory_space<vmem>>) target_semaphore(%run_scoped3A : memref<!tpu.dma_semaphore, #tpu.memory_space<semaphore_mem>>)
        %dma_wait3A = arith.constant 78 : i32
        %dma_wait3A_44 = arith.constant 0 : i32
        %dma_wait3A_45 = tpu.memref_slice %arg6[%dma_wait3A, %dma_wait3A_44] : memref<79x128xi32, #tpu.memory_space<vmem>> -> memref<1x128xi32, #tpu.memory_space<vmem>>
        %dma_wait3A_46 = arith.constant 0 : i32
        %dma_wait3A_47 = tpu.memref_slice %arg3[%add3A_34, %dma_wait3A_46] : memref<2500x128xi32, #tpu.memory_space<hbm>> -> memref<1x128xi32, #tpu.memory_space<hbm>>
        %dma_wait3A_48 = arith.constant 78 : i32
        %dma_wait3A_49 = arith.constant 0 : i32
        %dma_wait3A_50 = tpu.memref_slice %arg6[%dma_wait3A_48, %dma_wait3A_49] : memref<79x128xi32, #tpu.memory_space<vmem>> -> memref<1x128xi32, #tpu.memory_space<vmem>>
        %dma_wait3A_51 = arith.constant 0 : i32
        %dma_wait3A_52 = tpu.memref_slice %arg3[%add3A_34, %dma_wait3A_51] : memref<2500x128xi32, #tpu.memory_space<hbm>> -> memref<1x128xi32, #tpu.memory_space<hbm>>
        tpu.wait_dma2 semaphore(%run_scoped3A : memref<!tpu.dma_semaphore, #tpu.memory_space<semaphore_mem>>) src(%dma_wait3A_52 : memref<1x128xi32, #tpu.memory_space<hbm>>) dst(%dma_wait3A_50 : memref<1x128xi32, #tpu.memory_space<vmem>>)
        tpu.yield
      }) : () -> ()
    } else {
    }
    "tpu.region"() ({
      %run_scoped3A = tpu.sem_alloc : memref<!tpu.dma_semaphore, #tpu.memory_space<semaphore_mem>>
      tpu.enqueue_dma source(%arg4 : memref<128x16xf32, #tpu.memory_space<hbm>>) target(%arg7 : memref<128x16xf32, #tpu.memory_space<vmem>>) target_semaphore(%run_scoped3A : memref<!tpu.dma_semaphore, #tpu.memory_space<semaphore_mem>>)
      tpu.wait_dma2 semaphore(%run_scoped3A : memref<!tpu.dma_semaphore, #tpu.memory_space<semaphore_mem>>) src(%arg4 : memref<128x16xf32, #tpu.memory_space<hbm>>) dst(%arg7 : memref<128x16xf32, #tpu.memory_space<vmem>>)
      tpu.yield
    }) : () -> ()
    %scan3A = arith.constant 0 : i32
    %scan3A_12 = arith.constant 0 : i32
    %scan3A_13 = arith.constant 5 : i32
    %scan3A_14 = arith.addi %scan3A_12, %scan3A_13 : i32
    %scan3A_15 = arith.constant 1 : i32
    scf.for %scan3A_33 = %scan3A_12 to %scan3A_14 step %scan3A_15  : i32 {
      %mul3A_34 = arith.constant 640 : i32
      %mul3A_35 = arith.muli %arg1, %mul3A_34 : i32
      %mul3A_36 = arith.constant 128 : i32
      %mul3A_37 = arith.muli %scan3A_33, %mul3A_36 : i32
      %add3A_38 = arith.addi %mul3A_35, %mul3A_37 : i32
      "tpu.region"() ({
        %run_scoped3A = tpu.sem_alloc : memref<!tpu.dma_semaphore, #tpu.memory_space<semaphore_mem>>
        %dma_start3A = arith.constant 0 : i32
        %dma_start3A_39 = tpu.memref_slice %arg8[%add3A_38, %dma_start3A] : memref<10240x16xf32, #tpu.memory_space<vmem_shared>> -> memref<128x16xf32, #tpu.memory_space<vmem_shared>>
        %dma_start3A_40 = arith.constant 0 : i32
        %dma_start3A_41 = tpu.memref_slice %arg8[%add3A_38, %dma_start3A_40] : memref<10240x16xf32, #tpu.memory_space<vmem_shared>> -> memref<128x16xf32, #tpu.memory_space<vmem_shared>>
        tpu.enqueue_dma source(%arg7 : memref<128x16xf32, #tpu.memory_space<vmem>>) target(%dma_start3A_41 : memref<128x16xf32, #tpu.memory_space<vmem_shared>>) target_semaphore(%run_scoped3A : memref<!tpu.dma_semaphore, #tpu.memory_space<semaphore_mem>>)
        %dma_wait3A = arith.constant 0 : i32
        %dma_wait3A_42 = tpu.memref_slice %arg8[%add3A_38, %dma_wait3A] : memref<10240x16xf32, #tpu.memory_space<vmem_shared>> -> memref<128x16xf32, #tpu.memory_space<vmem_shared>>
        %dma_wait3A_43 = arith.constant 0 : i32
        %dma_wait3A_44 = tpu.memref_slice %arg8[%add3A_38, %dma_wait3A_43] : memref<10240x16xf32, #tpu.memory_space<vmem_shared>> -> memref<128x16xf32, #tpu.memory_space<vmem_shared>>
        tpu.wait_dma2 semaphore(%run_scoped3A : memref<!tpu.dma_semaphore, #tpu.memory_space<semaphore_mem>>) src(%arg7 : memref<128x16xf32, #tpu.memory_space<vmem>>) dst(%dma_wait3A_44 : memref<128x16xf32, #tpu.memory_space<vmem_shared>>)
        tpu.yield
      }) : () -> ()
    }
    %scan3A_16 = arith.constant 5 : i32
    %barrier3A = arith.constant 0 : index
    tpu.barrier barrier_id(%barrier3A)
    "tpu.region"() ({
      %run_scoped3A = tpu.sem_alloc : memref<!tpu.dma_semaphore, #tpu.memory_space<semaphore_mem>>
      tpu.enqueue_dma source(%arg2 : memref<128x16xf32, #tpu.memory_space<hbm>>) target(%arg7 : memref<128x16xf32, #tpu.memory_space<vmem>>) target_semaphore(%run_scoped3A : memref<!tpu.dma_semaphore, #tpu.memory_space<semaphore_mem>>)
      tpu.wait_dma2 semaphore(%run_scoped3A : memref<!tpu.dma_semaphore, #tpu.memory_space<semaphore_mem>>) src(%arg2 : memref<128x16xf32, #tpu.memory_space<hbm>>) dst(%arg7 : memref<128x16xf32, #tpu.memory_space<vmem>>)
      tpu.yield
    }) : () -> ()
    %while3A = arith.constant 0 : i32
    %while3A_17 = arith.constant 0 : i32
    %while3A_18 = arith.subi %add3A_8, %while3A_17 : i32
    %while3A_19 = arith.addi %while3A_17, %while3A_18 : i32
    %while3A_20 = arith.constant 1 : i32
    %while3A_21 = arith.divsi %while3A_18, %while3A_20 : i32
    %while3A_22 = arith.muli %while3A_21, %while3A_20 : i32
    %while3A_23 = arith.addi %while3A_17, %while3A_22 : i32
    %while3A_24 = arith.constant 1 : i32
    scf.for %while3A_33 = %while3A_17 to %while3A_23 step %while3A_24  : i32 {
      "tpu.region"() ({
        %run_scoped3A = tpu.sem_alloc : memref<!tpu.dma_semaphore, #tpu.memory_space<semaphore_mem>>
        %dma_start3A = arith.constant 0 : i32
        %dma_start3A_34 = tpu.memref_slice %arg6[%while3A_33, %dma_start3A] : memref<79x128xi32, #tpu.memory_space<vmem>> -> memref<1x128xi32, #tpu.memory_space<vmem>>
        %dma_start3A_35 = tpu.memref_squeeze %dma_start3A_34 : memref<1x128xi32, #tpu.memory_space<vmem>> -> memref<128xi32, #tpu.memory_space<vmem>>
        %dma_start3A_36 = arith.constant 0 : i32
        %dma_start3A_37 = arith.constant 0 : i32
        %dma_start3A_38 = tpu.memref_slice %arg8[%dma_start3A_36, %dma_start3A_37] : memref<10240x16xf32, #tpu.memory_space<vmem_shared>> -> memref<10240x16xf32, #tpu.memory_space<vmem_shared>>
        tpu.enqueue_indirect_dma source(%arg7 : memref<128x16xf32, #tpu.memory_space<vmem>>) target(%dma_start3A_38 : memref<10240x16xf32, #tpu.memory_space<vmem_shared>>) offsets(%dma_start3A_35 : memref<128xi32, #tpu.memory_space<vmem>>) semaphore(%run_scoped3A : memref<!tpu.dma_semaphore, #tpu.memory_space<semaphore_mem>>) {add = true}
        %dma_wait3A = arith.constant 0 : i32
        %dma_wait3A_39 = tpu.memref_slice %arg6[%while3A_33, %dma_wait3A] : memref<79x128xi32, #tpu.memory_space<vmem>> -> memref<1x128xi32, #tpu.memory_space<vmem>>
        %dma_wait3A_40 = tpu.memref_squeeze %dma_wait3A_39 : memref<1x128xi32, #tpu.memory_space<vmem>> -> memref<128xi32, #tpu.memory_space<vmem>>
        %dma_wait3A_41 = arith.constant 0 : i32
        %dma_wait3A_42 = arith.constant 0 : i32
        %dma_wait3A_43 = tpu.memref_slice %arg8[%dma_wait3A_41, %dma_wait3A_42] : memref<10240x16xf32, #tpu.memory_space<vmem_shared>> -> memref<10240x16xf32, #tpu.memory_space<vmem_shared>>
        tpu.wait_indirect_dma semaphore(%run_scoped3A : memref<!tpu.dma_semaphore, #tpu.memory_space<semaphore_mem>>) src(%arg7 : memref<128x16xf32, #tpu.memory_space<vmem>>) dst(%dma_wait3A_43 : memref<10240x16xf32, #tpu.memory_space<vmem_shared>>)
        tpu.yield
      }) : () -> ()
    }
    %while3A_25 = arith.constant 1 : i32
    scf.for %while3A_33 = %while3A_23 to %while3A_19 step %while3A_25  : i32 {
      "tpu.region"() ({
        %run_scoped3A = tpu.sem_alloc : memref<!tpu.dma_semaphore, #tpu.memory_space<semaphore_mem>>
        %dma_start3A = arith.constant 0 : i32
        %dma_start3A_34 = tpu.memref_slice %arg6[%while3A_33, %dma_start3A] : memref<79x128xi32, #tpu.memory_space<vmem>> -> memref<1x128xi32, #tpu.memory_space<vmem>>
        %dma_start3A_35 = tpu.memref_squeeze %dma_start3A_34 : memref<1x128xi32, #tpu.memory_space<vmem>> -> memref<128xi32, #tpu.memory_space<vmem>>
        %dma_start3A_36 = arith.constant 0 : i32
        %dma_start3A_37 = arith.constant 0 : i32
        %dma_start3A_38 = tpu.memref_slice %arg8[%dma_start3A_36, %dma_start3A_37] : memref<10240x16xf32, #tpu.memory_space<vmem_shared>> -> memref<10240x16xf32, #tpu.memory_space<vmem_shared>>
        tpu.enqueue_indirect_dma source(%arg7 : memref<128x16xf32, #tpu.memory_space<vmem>>) target(%dma_start3A_38 : memref<10240x16xf32, #tpu.memory_space<vmem_shared>>) offsets(%dma_start3A_35 : memref<128xi32, #tpu.memory_space<vmem>>) semaphore(%run_scoped3A : memref<!tpu.dma_semaphore, #tpu.memory_space<semaphore_mem>>) {add = true}
        %dma_wait3A = arith.constant 0 : i32
        %dma_wait3A_39 = tpu.memref_slice %arg6[%while3A_33, %dma_wait3A] : memref<79x128xi32, #tpu.memory_space<vmem>> -> memref<1x128xi32, #tpu.memory_space<vmem>>
        %dma_wait3A_40 = tpu.memref_squeeze %dma_wait3A_39 : memref<1x128xi32, #tpu.memory_space<vmem>> -> memref<128xi32, #tpu.memory_space<vmem>>
        %dma_wait3A_41 = arith.constant 0 : i32
        %dma_wait3A_42 = arith.constant 0 : i32
        %dma_wait3A_43 = tpu.memref_slice %arg8[%dma_wait3A_41, %dma_wait3A_42] : memref<10240x16xf32, #tpu.memory_space<vmem_shared>> -> memref<10240x16xf32, #tpu.memory_space<vmem_shared>>
        tpu.wait_indirect_dma semaphore(%run_scoped3A : memref<!tpu.dma_semaphore, #tpu.memory_space<semaphore_mem>>) src(%arg7 : memref<128x16xf32, #tpu.memory_space<vmem>>) dst(%dma_wait3A_43 : memref<10240x16xf32, #tpu.memory_space<vmem_shared>>)
        tpu.yield
      }) : () -> ()
    }
    %barrier3A_26 = arith.constant 0 : index
    tpu.barrier barrier_id(%barrier3A_26)
    %scan3A_27 = arith.constant 0 : i32
    %scan3A_28 = arith.constant 0 : i32
    %scan3A_29 = arith.constant 5 : i32
    %scan3A_30 = arith.addi %scan3A_28, %scan3A_29 : i32
    %scan3A_31 = arith.constant 1 : i32
    scf.for %scan3A_33 = %scan3A_28 to %scan3A_30 step %scan3A_31  : i32 {
      %mul3A_34 = arith.constant 640 : i32
      %mul3A_35 = arith.muli %arg1, %mul3A_34 : i32
      %mul3A_36 = arith.constant 128 : i32
      %mul3A_37 = arith.muli %scan3A_33, %mul3A_36 : i32
      %add3A_38 = arith.addi %mul3A_35, %mul3A_37 : i32
      "tpu.region"() ({
        %run_scoped3A = tpu.sem_alloc : memref<!tpu.dma_semaphore, #tpu.memory_space<semaphore_mem>>
        %dma_start3A = arith.constant 0 : i32
        %dma_start3A_42 = tpu.memref_slice %arg8[%add3A_38, %dma_start3A] : memref<10240x16xf32, #tpu.memory_space<vmem_shared>> -> memref<128x16xf32, #tpu.memory_space<vmem_shared>>
        %dma_start3A_43 = arith.constant 0 : i32
        %dma_start3A_44 = tpu.memref_slice %arg8[%add3A_38, %dma_start3A_43] : memref<10240x16xf32, #tpu.memory_space<vmem_shared>> -> memref<128x16xf32, #tpu.memory_space<vmem_shared>>
        tpu.enqueue_dma source(%dma_start3A_44 : memref<128x16xf32, #tpu.memory_space<vmem_shared>>) target(%arg7 : memref<128x16xf32, #tpu.memory_space<vmem>>) target_semaphore(%run_scoped3A : memref<!tpu.dma_semaphore, #tpu.memory_space<semaphore_mem>>)
        %dma_wait3A = arith.constant 0 : i32
        %dma_wait3A_45 = tpu.memref_slice %arg8[%add3A_38, %dma_wait3A] : memref<10240x16xf32, #tpu.memory_space<vmem_shared>> -> memref<128x16xf32, #tpu.memory_space<vmem_shared>>
        %dma_wait3A_46 = arith.constant 0 : i32
        %dma_wait3A_47 = tpu.memref_slice %arg8[%add3A_38, %dma_wait3A_46] : memref<10240x16xf32, #tpu.memory_space<vmem_shared>> -> memref<128x16xf32, #tpu.memory_space<vmem_shared>>
        tpu.wait_dma2 semaphore(%run_scoped3A : memref<!tpu.dma_semaphore, #tpu.memory_space<semaphore_mem>>) src(%dma_wait3A_47 : memref<128x16xf32, #tpu.memory_space<vmem_shared>>) dst(%arg7 : memref<128x16xf32, #tpu.memory_space<vmem>>)
        tpu.yield
      }) : () -> ()
      %mul3A_39 = arith.constant 10240 : i32
      %mul3A_40 = arith.muli %arg0, %mul3A_39 : i32
      %add3A_41 = arith.addi %mul3A_40, %add3A_38 : i32
      "tpu.region"() ({
        %run_scoped3A = tpu.sem_alloc : memref<!tpu.dma_semaphore, #tpu.memory_space<semaphore_mem>>
        %dma_start3A = arith.constant 0 : i32
        %dma_start3A_42 = tpu.memref_slice %arg5[%add3A_41, %dma_start3A] : memref<20480x16xf32, #tpu.memory_space<hbm>> -> memref<128x16xf32, #tpu.memory_space<hbm>>
        %dma_start3A_43 = arith.constant 0 : i32
        %dma_start3A_44 = tpu.memref_slice %arg5[%add3A_41, %dma_start3A_43] : memref<20480x16xf32, #tpu.memory_space<hbm>> -> memref<128x16xf32, #tpu.memory_space<hbm>>
        tpu.enqueue_dma source(%arg7 : memref<128x16xf32, #tpu.memory_space<vmem>>) target(%dma_start3A_44 : memref<128x16xf32, #tpu.memory_space<hbm>>) target_semaphore(%run_scoped3A : memref<!tpu.dma_semaphore, #tpu.memory_space<semaphore_mem>>)
        %dma_wait3A = arith.constant 0 : i32
        %dma_wait3A_45 = tpu.memref_slice %arg5[%add3A_41, %dma_wait3A] : memref<20480x16xf32, #tpu.memory_space<hbm>> -> memref<128x16xf32, #tpu.memory_space<hbm>>
        %dma_wait3A_46 = arith.constant 0 : i32
        %dma_wait3A_47 = tpu.memref_slice %arg5[%add3A_41, %dma_wait3A_46] : memref<20480x16xf32, #tpu.memory_space<hbm>> -> memref<128x16xf32, #tpu.memory_space<hbm>>
        tpu.wait_dma2 semaphore(%run_scoped3A : memref<!tpu.dma_semaphore, #tpu.memory_space<semaphore_mem>>) src(%arg7 : memref<128x16xf32, #tpu.memory_space<vmem>>) dst(%dma_wait3A_47 : memref<128x16xf32, #tpu.memory_space<hbm>>)
        tpu.yield
      }) : () -> ()
    }
    %scan3A_32 = arith.constant 5 : i32
    return
  }
}

#map = affine_map<(d0, d1) -> (0, 0)>
module attributes {stable_mosaic.version = 14 : i64} {
  func.func @body(%arg0: i32, %arg1: i32, %arg2: memref<10240x16xf32, #tpu.memory_space<hbm>>, %arg3: memref<2560x128xi32, #tpu.memory_space<hbm>>, %arg4: memref<2560x128xi32, #tpu.memory_space<hbm>>, %arg5: memref<128x16xf32, #tpu.memory_space<hbm>>, %arg6: memref<20480x16xf32, #tpu.memory_space<hbm>>, %arg7: memref<80x128xi32, #tpu.memory_space<vmem>>, %arg8: memref<80x128xi32, #tpu.memory_space<vmem>>, %arg9: memref<128x16xf32, #tpu.memory_space<vmem>>, %arg10: memref<128x16xf32, #tpu.memory_space<vmem>>, %arg11: memref<128x16xf32, #tpu.memory_space<vmem>>, %arg12: memref<128x16xf32, #tpu.memory_space<vmem>>, %arg13: memref<10240x16xf32, #tpu.memory_space<vmem_shared>>, %arg14: memref<!tpu.dma_semaphore, #tpu.memory_space<semaphore_mem>>, %arg15: memref<!tpu.dma_semaphore, #tpu.memory_space<semaphore_mem>>, %arg16: memref<!tpu.dma_semaphore, #tpu.memory_space<semaphore_mem>>, %arg17: memref<!tpu.dma_semaphore, #tpu.memory_space<semaphore_mem>>, %arg18: memref<!tpu.dma_semaphore, #tpu.memory_space<semaphore_mem>>, %arg19: memref<!tpu.dma_semaphore, #tpu.memory_space<semaphore_mem>>, %arg20: memref<!tpu.dma_semaphore, #tpu.memory_space<semaphore_mem>>, %arg21: memref<!tpu.dma_semaphore, #tpu.memory_space<semaphore_mem>>) attributes {dimension_semantics = [#tpu.dimension_semantics<core_parallel>, #tpu.dimension_semantics<subcore_parallel>], iteration_bounds = array<i64: 2, 16>, scalar_prefetch = 0 : i64, scratch_operands = 15 : i64, tpu.core_type = #tpu.core_type<sc_vector_subcore>, window_params = [{transform_indices = #map}, {transform_indices = #map}, {transform_indices = #map}, {transform_indices = #map}, {transform_indices = #map}]} {
    %mul3A = arith.constant 1280 : i32
    %mul3A_0 = arith.muli %arg0, %mul3A : i32
    %mul3A_1 = arith.constant 80 : i32
    %mul3A_2 = arith.muli %arg1, %mul3A_1 : i32
    %add3A = arith.addi %mul3A_0, %mul3A_2 : i32
    "tpu.region"() ({
      %run_scoped3A_83 = tpu.sem_alloc : memref<!tpu.dma_semaphore, #tpu.memory_space<semaphore_mem>>
      %dma_start3A_84 = arith.constant 0 : i32
      %dma_start3A_85 = tpu.memref_slice %arg3[%add3A, %dma_start3A_84] : memref<2560x128xi32, #tpu.memory_space<hbm>> -> memref<80x128xi32, #tpu.memory_space<hbm>>
      %dma_start3A_86 = arith.constant 0 : i32
      %dma_start3A_87 = tpu.memref_slice %arg3[%add3A, %dma_start3A_86] : memref<2560x128xi32, #tpu.memory_space<hbm>> -> memref<80x128xi32, #tpu.memory_space<hbm>>
      tpu.enqueue_dma source(%dma_start3A_87 : memref<80x128xi32, #tpu.memory_space<hbm>>) target(%arg7 : memref<80x128xi32, #tpu.memory_space<vmem>>) target_semaphore(%run_scoped3A_83 : memref<!tpu.dma_semaphore, #tpu.memory_space<semaphore_mem>>)
      %dma_wait3A_88 = arith.constant 0 : i32
      %dma_wait3A_89 = tpu.memref_slice %arg3[%add3A, %dma_wait3A_88] : memref<2560x128xi32, #tpu.memory_space<hbm>> -> memref<80x128xi32, #tpu.memory_space<hbm>>
      %dma_wait3A_90 = arith.constant 0 : i32
      %dma_wait3A_91 = tpu.memref_slice %arg3[%add3A, %dma_wait3A_90] : memref<2560x128xi32, #tpu.memory_space<hbm>> -> memref<80x128xi32, #tpu.memory_space<hbm>>
      tpu.wait_dma2 semaphore(%run_scoped3A_83 : memref<!tpu.dma_semaphore, #tpu.memory_space<semaphore_mem>>) src(%dma_wait3A_91 : memref<80x128xi32, #tpu.memory_space<hbm>>) dst(%arg7 : memref<80x128xi32, #tpu.memory_space<vmem>>)
      tpu.yield
    }) : () -> ()
    %mul3A_3 = arith.constant 1280 : i32
    %mul3A_4 = arith.muli %arg0, %mul3A_3 : i32
    %mul3A_5 = arith.constant 80 : i32
    %mul3A_6 = arith.muli %arg1, %mul3A_5 : i32
    %add3A_7 = arith.addi %mul3A_4, %mul3A_6 : i32
    "tpu.region"() ({
      %run_scoped3A_83 = tpu.sem_alloc : memref<!tpu.dma_semaphore, #tpu.memory_space<semaphore_mem>>
      %dma_start3A_84 = arith.constant 0 : i32
      %dma_start3A_85 = tpu.memref_slice %arg4[%add3A_7, %dma_start3A_84] : memref<2560x128xi32, #tpu.memory_space<hbm>> -> memref<80x128xi32, #tpu.memory_space<hbm>>
      %dma_start3A_86 = arith.constant 0 : i32
      %dma_start3A_87 = tpu.memref_slice %arg4[%add3A_7, %dma_start3A_86] : memref<2560x128xi32, #tpu.memory_space<hbm>> -> memref<80x128xi32, #tpu.memory_space<hbm>>
      tpu.enqueue_dma source(%dma_start3A_87 : memref<80x128xi32, #tpu.memory_space<hbm>>) target(%arg8 : memref<80x128xi32, #tpu.memory_space<vmem>>) target_semaphore(%run_scoped3A_83 : memref<!tpu.dma_semaphore, #tpu.memory_space<semaphore_mem>>)
      %dma_wait3A_88 = arith.constant 0 : i32
      %dma_wait3A_89 = tpu.memref_slice %arg4[%add3A_7, %dma_wait3A_88] : memref<2560x128xi32, #tpu.memory_space<hbm>> -> memref<80x128xi32, #tpu.memory_space<hbm>>
      %dma_wait3A_90 = arith.constant 0 : i32
      %dma_wait3A_91 = tpu.memref_slice %arg4[%add3A_7, %dma_wait3A_90] : memref<2560x128xi32, #tpu.memory_space<hbm>> -> memref<80x128xi32, #tpu.memory_space<hbm>>
      tpu.wait_dma2 semaphore(%run_scoped3A_83 : memref<!tpu.dma_semaphore, #tpu.memory_space<semaphore_mem>>) src(%dma_wait3A_91 : memref<80x128xi32, #tpu.memory_space<hbm>>) dst(%arg8 : memref<80x128xi32, #tpu.memory_space<vmem>>)
      tpu.yield
    }) : () -> ()
    "tpu.region"() ({
      %run_scoped3A_83 = tpu.sem_alloc : memref<!tpu.dma_semaphore, #tpu.memory_space<semaphore_mem>>
      tpu.enqueue_dma source(%arg5 : memref<128x16xf32, #tpu.memory_space<hbm>>) target(%arg9 : memref<128x16xf32, #tpu.memory_space<vmem>>) target_semaphore(%run_scoped3A_83 : memref<!tpu.dma_semaphore, #tpu.memory_space<semaphore_mem>>)
      tpu.wait_dma2 semaphore(%run_scoped3A_83 : memref<!tpu.dma_semaphore, #tpu.memory_space<semaphore_mem>>) src(%arg5 : memref<128x16xf32, #tpu.memory_space<hbm>>) dst(%arg9 : memref<128x16xf32, #tpu.memory_space<vmem>>)
      tpu.yield
    }) : () -> ()
    %scan3A = arith.constant 0 : i32
    %scan3A_8 = arith.constant 0 : i32
    %scan3A_9 = arith.constant 5 : i32
    %scan3A_10 = arith.addi %scan3A_8, %scan3A_9 : i32
    %scan3A_11 = arith.constant 1 : i32
    scf.for %scan3A_83 = %scan3A_8 to %scan3A_10 step %scan3A_11  : i32 {
      %mul3A_84 = arith.constant 640 : i32
      %mul3A_85 = arith.muli %arg1, %mul3A_84 : i32
      %mul3A_86 = arith.constant 128 : i32
      %mul3A_87 = arith.muli %scan3A_83, %mul3A_86 : i32
      %add3A_88 = arith.addi %mul3A_85, %mul3A_87 : i32
      "tpu.region"() ({
        %run_scoped3A_89 = tpu.sem_alloc : memref<!tpu.dma_semaphore, #tpu.memory_space<semaphore_mem>>
        %dma_start3A_90 = arith.constant 0 : i32
        %dma_start3A_91 = tpu.memref_slice %arg13[%add3A_88, %dma_start3A_90] : memref<10240x16xf32, #tpu.memory_space<vmem_shared>> -> memref<128x16xf32, #tpu.memory_space<vmem_shared>>
        %dma_start3A_92 = arith.constant 0 : i32
        %dma_start3A_93 = tpu.memref_slice %arg13[%add3A_88, %dma_start3A_92] : memref<10240x16xf32, #tpu.memory_space<vmem_shared>> -> memref<128x16xf32, #tpu.memory_space<vmem_shared>>
        tpu.enqueue_dma source(%arg9 : memref<128x16xf32, #tpu.memory_space<vmem>>) target(%dma_start3A_93 : memref<128x16xf32, #tpu.memory_space<vmem_shared>>) target_semaphore(%run_scoped3A_89 : memref<!tpu.dma_semaphore, #tpu.memory_space<semaphore_mem>>)
        %dma_wait3A_94 = arith.constant 0 : i32
        %dma_wait3A_95 = tpu.memref_slice %arg13[%add3A_88, %dma_wait3A_94] : memref<10240x16xf32, #tpu.memory_space<vmem_shared>> -> memref<128x16xf32, #tpu.memory_space<vmem_shared>>
        %dma_wait3A_96 = arith.constant 0 : i32
        %dma_wait3A_97 = tpu.memref_slice %arg13[%add3A_88, %dma_wait3A_96] : memref<10240x16xf32, #tpu.memory_space<vmem_shared>> -> memref<128x16xf32, #tpu.memory_space<vmem_shared>>
        tpu.wait_dma2 semaphore(%run_scoped3A_89 : memref<!tpu.dma_semaphore, #tpu.memory_space<semaphore_mem>>) src(%arg9 : memref<128x16xf32, #tpu.memory_space<vmem>>) dst(%dma_wait3A_97 : memref<128x16xf32, #tpu.memory_space<vmem_shared>>)
        tpu.yield
      }) : () -> ()
    }
    %scan3A_12 = arith.constant 5 : i32
    %barrier3A = arith.constant 0 : index
    tpu.barrier barrier_id(%barrier3A)
    %dma_start3A = arith.constant 0 : i32
    %dma_start3A_13 = arith.constant 0 : i32
    %dma_start3A_14 = tpu.memref_slice %arg7[%dma_start3A, %dma_start3A_13] : memref<80x128xi32, #tpu.memory_space<vmem>> -> memref<1x128xi32, #tpu.memory_space<vmem>>
    %dma_start3A_15 = tpu.memref_squeeze %dma_start3A_14 : memref<1x128xi32, #tpu.memory_space<vmem>> -> memref<128xi32, #tpu.memory_space<vmem>>
    %dma_start3A_16 = arith.constant 0 : i32
    %dma_start3A_17 = arith.constant 0 : i32
    %dma_start3A_18 = tpu.memref_slice %arg2[%dma_start3A_16, %dma_start3A_17] : memref<10240x16xf32, #tpu.memory_space<hbm>> -> memref<10240x16xf32, #tpu.memory_space<hbm>>
    tpu.enqueue_indirect_dma source(%dma_start3A_18 : memref<10240x16xf32, #tpu.memory_space<hbm>>) target(%arg9 : memref<128x16xf32, #tpu.memory_space<vmem>>) offsets(%dma_start3A_15 : memref<128xi32, #tpu.memory_space<vmem>>) semaphore(%arg14 : memref<!tpu.dma_semaphore, #tpu.memory_space<semaphore_mem>>)
    %dma_start3A_19 = arith.constant 1 : i32
    %dma_start3A_20 = arith.constant 0 : i32
    %dma_start3A_21 = tpu.memref_slice %arg7[%dma_start3A_19, %dma_start3A_20] : memref<80x128xi32, #tpu.memory_space<vmem>> -> memref<1x128xi32, #tpu.memory_space<vmem>>
    %dma_start3A_22 = tpu.memref_squeeze %dma_start3A_21 : memref<1x128xi32, #tpu.memory_space<vmem>> -> memref<128xi32, #tpu.memory_space<vmem>>
    %dma_start3A_23 = arith.constant 0 : i32
    %dma_start3A_24 = arith.constant 0 : i32
    %dma_start3A_25 = tpu.memref_slice %arg2[%dma_start3A_23, %dma_start3A_24] : memref<10240x16xf32, #tpu.memory_space<hbm>> -> memref<10240x16xf32, #tpu.memory_space<hbm>>
    tpu.enqueue_indirect_dma source(%dma_start3A_25 : memref<10240x16xf32, #tpu.memory_space<hbm>>) target(%arg10 : memref<128x16xf32, #tpu.memory_space<vmem>>) offsets(%dma_start3A_22 : memref<128xi32, #tpu.memory_space<vmem>>) semaphore(%arg15 : memref<!tpu.dma_semaphore, #tpu.memory_space<semaphore_mem>>)
    %dma_start3A_26 = arith.constant 2 : i32
    %dma_start3A_27 = arith.constant 0 : i32
    %dma_start3A_28 = tpu.memref_slice %arg7[%dma_start3A_26, %dma_start3A_27] : memref<80x128xi32, #tpu.memory_space<vmem>> -> memref<1x128xi32, #tpu.memory_space<vmem>>
    %dma_start3A_29 = tpu.memref_squeeze %dma_start3A_28 : memref<1x128xi32, #tpu.memory_space<vmem>> -> memref<128xi32, #tpu.memory_space<vmem>>
    %dma_start3A_30 = arith.constant 0 : i32
    %dma_start3A_31 = arith.constant 0 : i32
    %dma_start3A_32 = tpu.memref_slice %arg2[%dma_start3A_30, %dma_start3A_31] : memref<10240x16xf32, #tpu.memory_space<hbm>> -> memref<10240x16xf32, #tpu.memory_space<hbm>>
    tpu.enqueue_indirect_dma source(%dma_start3A_32 : memref<10240x16xf32, #tpu.memory_space<hbm>>) target(%arg11 : memref<128x16xf32, #tpu.memory_space<vmem>>) offsets(%dma_start3A_29 : memref<128xi32, #tpu.memory_space<vmem>>) semaphore(%arg16 : memref<!tpu.dma_semaphore, #tpu.memory_space<semaphore_mem>>)
    %dma_start3A_33 = arith.constant 3 : i32
    %dma_start3A_34 = arith.constant 0 : i32
    %dma_start3A_35 = tpu.memref_slice %arg7[%dma_start3A_33, %dma_start3A_34] : memref<80x128xi32, #tpu.memory_space<vmem>> -> memref<1x128xi32, #tpu.memory_space<vmem>>
    %dma_start3A_36 = tpu.memref_squeeze %dma_start3A_35 : memref<1x128xi32, #tpu.memory_space<vmem>> -> memref<128xi32, #tpu.memory_space<vmem>>
    %dma_start3A_37 = arith.constant 0 : i32
    %dma_start3A_38 = arith.constant 0 : i32
    %dma_start3A_39 = tpu.memref_slice %arg2[%dma_start3A_37, %dma_start3A_38] : memref<10240x16xf32, #tpu.memory_space<hbm>> -> memref<10240x16xf32, #tpu.memory_space<hbm>>
    tpu.enqueue_indirect_dma source(%dma_start3A_39 : memref<10240x16xf32, #tpu.memory_space<hbm>>) target(%arg12 : memref<128x16xf32, #tpu.memory_space<vmem>>) offsets(%dma_start3A_36 : memref<128xi32, #tpu.memory_space<vmem>>) semaphore(%arg17 : memref<!tpu.dma_semaphore, #tpu.memory_space<semaphore_mem>>)
    %dma_wait3A = arith.constant 0 : i32
    %dma_wait3A_40 = arith.constant 0 : i32
    %dma_wait3A_41 = tpu.memref_slice %arg7[%dma_wait3A, %dma_wait3A_40] : memref<80x128xi32, #tpu.memory_space<vmem>> -> memref<1x128xi32, #tpu.memory_space<vmem>>
    %dma_wait3A_42 = tpu.memref_squeeze %dma_wait3A_41 : memref<1x128xi32, #tpu.memory_space<vmem>> -> memref<128xi32, #tpu.memory_space<vmem>>
    %dma_wait3A_43 = arith.constant 0 : i32
    %dma_wait3A_44 = arith.constant 0 : i32
    %dma_wait3A_45 = tpu.memref_slice %arg2[%dma_wait3A_43, %dma_wait3A_44] : memref<10240x16xf32, #tpu.memory_space<hbm>> -> memref<10240x16xf32, #tpu.memory_space<hbm>>
    tpu.wait_indirect_dma semaphore(%arg14 : memref<!tpu.dma_semaphore, #tpu.memory_space<semaphore_mem>>) src(%dma_wait3A_45 : memref<10240x16xf32, #tpu.memory_space<hbm>>) dst(%arg9 : memref<128x16xf32, #tpu.memory_space<vmem>>)
    %run_scoped3A = arith.constant 0 : i32
    "tpu.region"() ({
      %run_scoped3A_83 = tpu.sem_alloc : memref<!tpu.dma_semaphore, #tpu.memory_space<semaphore_mem>>
      %dma_start3A_84 = arith.constant 0 : i32
      %dma_start3A_85 = tpu.memref_slice %arg8[%run_scoped3A, %dma_start3A_84] : memref<80x128xi32, #tpu.memory_space<vmem>> -> memref<1x128xi32, #tpu.memory_space<vmem>>
      %dma_start3A_86 = tpu.memref_squeeze %dma_start3A_85 : memref<1x128xi32, #tpu.memory_space<vmem>> -> memref<128xi32, #tpu.memory_space<vmem>>
      %dma_start3A_87 = arith.constant 0 : i32
      %dma_start3A_88 = arith.constant 0 : i32
      %dma_start3A_89 = tpu.memref_slice %arg13[%dma_start3A_87, %dma_start3A_88] : memref<10240x16xf32, #tpu.memory_space<vmem_shared>> -> memref<10240x16xf32, #tpu.memory_space<vmem_shared>>
      tpu.enqueue_indirect_dma source(%arg9 : memref<128x16xf32, #tpu.memory_space<vmem>>) target(%dma_start3A_89 : memref<10240x16xf32, #tpu.memory_space<vmem_shared>>) offsets(%dma_start3A_86 : memref<128xi32, #tpu.memory_space<vmem>>) semaphore(%run_scoped3A_83 : memref<!tpu.dma_semaphore, #tpu.memory_space<semaphore_mem>>) {add = true}
      %dma_wait3A_90 = arith.constant 0 : i32
      %dma_wait3A_91 = tpu.memref_slice %arg8[%run_scoped3A, %dma_wait3A_90] : memref<80x128xi32, #tpu.memory_space<vmem>> -> memref<1x128xi32, #tpu.memory_space<vmem>>
      %dma_wait3A_92 = tpu.memref_squeeze %dma_wait3A_91 : memref<1x128xi32, #tpu.memory_space<vmem>> -> memref<128xi32, #tpu.memory_space<vmem>>
      %dma_wait3A_93 = arith.constant 0 : i32
      %dma_wait3A_94 = arith.constant 0 : i32
      %dma_wait3A_95 = tpu.memref_slice %arg13[%dma_wait3A_93, %dma_wait3A_94] : memref<10240x16xf32, #tpu.memory_space<vmem_shared>> -> memref<10240x16xf32, #tpu.memory_space<vmem_shared>>
      tpu.wait_indirect_dma semaphore(%run_scoped3A_83 : memref<!tpu.dma_semaphore, #tpu.memory_space<semaphore_mem>>) src(%arg9 : memref<128x16xf32, #tpu.memory_space<vmem>>) dst(%dma_wait3A_95 : memref<10240x16xf32, #tpu.memory_space<vmem_shared>>)
      tpu.yield
    }) : () -> ()
    %dma_wait3A_46 = arith.constant 0 : i32
    %dma_wait3A_47 = arith.constant 0 : i32
    %dma_wait3A_48 = tpu.memref_slice %arg7[%dma_wait3A_46, %dma_wait3A_47] : memref<80x128xi32, #tpu.memory_space<vmem>> -> memref<1x128xi32, #tpu.memory_space<vmem>>
    %dma_wait3A_49 = tpu.memref_squeeze %dma_wait3A_48 : memref<1x128xi32, #tpu.memory_space<vmem>> -> memref<128xi32, #tpu.memory_space<vmem>>
    %dma_wait3A_50 = arith.constant 0 : i32
    %dma_wait3A_51 = arith.constant 0 : i32
    %dma_wait3A_52 = tpu.memref_slice %arg2[%dma_wait3A_50, %dma_wait3A_51] : memref<10240x16xf32, #tpu.memory_space<hbm>> -> memref<10240x16xf32, #tpu.memory_space<hbm>>
    tpu.wait_indirect_dma semaphore(%arg15 : memref<!tpu.dma_semaphore, #tpu.memory_space<semaphore_mem>>) src(%dma_wait3A_52 : memref<10240x16xf32, #tpu.memory_space<hbm>>) dst(%arg10 : memref<128x16xf32, #tpu.memory_space<vmem>>)
    %run_scoped3A_53 = arith.constant 1 : i32
    "tpu.region"() ({
      %run_scoped3A_83 = tpu.sem_alloc : memref<!tpu.dma_semaphore, #tpu.memory_space<semaphore_mem>>
      %dma_start3A_84 = arith.constant 0 : i32
      %dma_start3A_85 = tpu.memref_slice %arg8[%run_scoped3A_53, %dma_start3A_84] : memref<80x128xi32, #tpu.memory_space<vmem>> -> memref<1x128xi32, #tpu.memory_space<vmem>>
      %dma_start3A_86 = tpu.memref_squeeze %dma_start3A_85 : memref<1x128xi32, #tpu.memory_space<vmem>> -> memref<128xi32, #tpu.memory_space<vmem>>
      %dma_start3A_87 = arith.constant 0 : i32
      %dma_start3A_88 = arith.constant 0 : i32
      %dma_start3A_89 = tpu.memref_slice %arg13[%dma_start3A_87, %dma_start3A_88] : memref<10240x16xf32, #tpu.memory_space<vmem_shared>> -> memref<10240x16xf32, #tpu.memory_space<vmem_shared>>
      tpu.enqueue_indirect_dma source(%arg10 : memref<128x16xf32, #tpu.memory_space<vmem>>) target(%dma_start3A_89 : memref<10240x16xf32, #tpu.memory_space<vmem_shared>>) offsets(%dma_start3A_86 : memref<128xi32, #tpu.memory_space<vmem>>) semaphore(%run_scoped3A_83 : memref<!tpu.dma_semaphore, #tpu.memory_space<semaphore_mem>>) {add = true}
      %dma_wait3A_90 = arith.constant 0 : i32
      %dma_wait3A_91 = tpu.memref_slice %arg8[%run_scoped3A_53, %dma_wait3A_90] : memref<80x128xi32, #tpu.memory_space<vmem>> -> memref<1x128xi32, #tpu.memory_space<vmem>>
      %dma_wait3A_92 = tpu.memref_squeeze %dma_wait3A_91 : memref<1x128xi32, #tpu.memory_space<vmem>> -> memref<128xi32, #tpu.memory_space<vmem>>
      %dma_wait3A_93 = arith.constant 0 : i32
      %dma_wait3A_94 = arith.constant 0 : i32
      %dma_wait3A_95 = tpu.memref_slice %arg13[%dma_wait3A_93, %dma_wait3A_94] : memref<10240x16xf32, #tpu.memory_space<vmem_shared>> -> memref<10240x16xf32, #tpu.memory_space<vmem_shared>>
      tpu.wait_indirect_dma semaphore(%run_scoped3A_83 : memref<!tpu.dma_semaphore, #tpu.memory_space<semaphore_mem>>) src(%arg10 : memref<128x16xf32, #tpu.memory_space<vmem>>) dst(%dma_wait3A_95 : memref<10240x16xf32, #tpu.memory_space<vmem_shared>>)
      tpu.yield
    }) : () -> ()
    %scan3A_54 = arith.constant 0 : i32
    %scan3A_55 = arith.constant 1 : i32
    %scan3A_56 = arith.constant 19 : i32
    %scan3A_57 = arith.addi %scan3A_55, %scan3A_56 : i32
    %scan3A_58 = arith.constant 1 : i32
    scf.for %scan3A_83 = %scan3A_55 to %scan3A_57 step %scan3A_58  : i32 {
      %mul3A_84 = arith.constant 4 : i32
      %mul3A_85 = arith.muli %mul3A_84, %scan3A_83 : i32
      %add3A_86 = arith.constant 0 : i32
      %add3A_87 = arith.addi %mul3A_85, %add3A_86 : i32
      %dma_start3A_88 = arith.constant 0 : i32
      %dma_start3A_89 = tpu.memref_slice %arg7[%add3A_87, %dma_start3A_88] : memref<80x128xi32, #tpu.memory_space<vmem>> -> memref<1x128xi32, #tpu.memory_space<vmem>>
      %dma_start3A_90 = tpu.memref_squeeze %dma_start3A_89 : memref<1x128xi32, #tpu.memory_space<vmem>> -> memref<128xi32, #tpu.memory_space<vmem>>
      %dma_start3A_91 = arith.constant 0 : i32
      %dma_start3A_92 = arith.constant 0 : i32
      %dma_start3A_93 = tpu.memref_slice %arg2[%dma_start3A_91, %dma_start3A_92] : memref<10240x16xf32, #tpu.memory_space<hbm>> -> memref<10240x16xf32, #tpu.memory_space<hbm>>
      tpu.enqueue_indirect_dma source(%dma_start3A_93 : memref<10240x16xf32, #tpu.memory_space<hbm>>) target(%arg9 : memref<128x16xf32, #tpu.memory_space<vmem>>) offsets(%dma_start3A_90 : memref<128xi32, #tpu.memory_space<vmem>>) semaphore(%arg14 : memref<!tpu.dma_semaphore, #tpu.memory_space<semaphore_mem>>)
      %dma_wait3A_94 = arith.constant 0 : i32
      %dma_wait3A_95 = arith.constant 0 : i32
      %dma_wait3A_96 = tpu.memref_slice %arg7[%dma_wait3A_94, %dma_wait3A_95] : memref<80x128xi32, #tpu.memory_space<vmem>> -> memref<1x128xi32, #tpu.memory_space<vmem>>
      %dma_wait3A_97 = tpu.memref_squeeze %dma_wait3A_96 : memref<1x128xi32, #tpu.memory_space<vmem>> -> memref<128xi32, #tpu.memory_space<vmem>>
      %dma_wait3A_98 = arith.constant 0 : i32
      %dma_wait3A_99 = arith.constant 0 : i32
      %dma_wait3A_100 = tpu.memref_slice %arg2[%dma_wait3A_98, %dma_wait3A_99] : memref<10240x16xf32, #tpu.memory_space<hbm>> -> memref<10240x16xf32, #tpu.memory_space<hbm>>
      tpu.wait_indirect_dma semaphore(%arg16 : memref<!tpu.dma_semaphore, #tpu.memory_space<semaphore_mem>>) src(%dma_wait3A_100 : memref<10240x16xf32, #tpu.memory_space<hbm>>) dst(%arg11 : memref<128x16xf32, #tpu.memory_space<vmem>>)
      %sub3A = arith.constant 2 : i32
      %sub3A_101 = arith.subi %add3A_87, %sub3A : i32
      "tpu.region"() ({
        %run_scoped3A_159 = tpu.sem_alloc : memref<!tpu.dma_semaphore, #tpu.memory_space<semaphore_mem>>
        %dma_start3A_160 = arith.constant 0 : i32
        %dma_start3A_161 = tpu.memref_slice %arg8[%sub3A_101, %dma_start3A_160] : memref<80x128xi32, #tpu.memory_space<vmem>> -> memref<1x128xi32, #tpu.memory_space<vmem>>
        %dma_start3A_162 = tpu.memref_squeeze %dma_start3A_161 : memref<1x128xi32, #tpu.memory_space<vmem>> -> memref<128xi32, #tpu.memory_space<vmem>>
        %dma_start3A_163 = arith.constant 0 : i32
        %dma_start3A_164 = arith.constant 0 : i32
        %dma_start3A_165 = tpu.memref_slice %arg13[%dma_start3A_163, %dma_start3A_164] : memref<10240x16xf32, #tpu.memory_space<vmem_shared>> -> memref<10240x16xf32, #tpu.memory_space<vmem_shared>>
        tpu.enqueue_indirect_dma source(%arg11 : memref<128x16xf32, #tpu.memory_space<vmem>>) target(%dma_start3A_165 : memref<10240x16xf32, #tpu.memory_space<vmem_shared>>) offsets(%dma_start3A_162 : memref<128xi32, #tpu.memory_space<vmem>>) semaphore(%run_scoped3A_159 : memref<!tpu.dma_semaphore, #tpu.memory_space<semaphore_mem>>) {add = true}
        %dma_wait3A_166 = arith.constant 0 : i32
        %dma_wait3A_167 = tpu.memref_slice %arg8[%sub3A_101, %dma_wait3A_166] : memref<80x128xi32, #tpu.memory_space<vmem>> -> memref<1x128xi32, #tpu.memory_space<vmem>>
        %dma_wait3A_168 = tpu.memref_squeeze %dma_wait3A_167 : memref<1x128xi32, #tpu.memory_space<vmem>> -> memref<128xi32, #tpu.memory_space<vmem>>
        %dma_wait3A_169 = arith.constant 0 : i32
        %dma_wait3A_170 = arith.constant 0 : i32
        %dma_wait3A_171 = tpu.memref_slice %arg13[%dma_wait3A_169, %dma_wait3A_170] : memref<10240x16xf32, #tpu.memory_space<vmem_shared>> -> memref<10240x16xf32, #tpu.memory_space<vmem_shared>>
        tpu.wait_indirect_dma semaphore(%run_scoped3A_159 : memref<!tpu.dma_semaphore, #tpu.memory_space<semaphore_mem>>) src(%arg11 : memref<128x16xf32, #tpu.memory_space<vmem>>) dst(%dma_wait3A_171 : memref<10240x16xf32, #tpu.memory_space<vmem_shared>>)
        tpu.yield
      }) : () -> ()
      %mul3A_102 = arith.constant 4 : i32
      %mul3A_103 = arith.muli %mul3A_102, %scan3A_83 : i32
      %add3A_104 = arith.constant 1 : i32
      %add3A_105 = arith.addi %mul3A_103, %add3A_104 : i32
      %dma_start3A_106 = arith.constant 0 : i32
      %dma_start3A_107 = tpu.memref_slice %arg7[%add3A_105, %dma_start3A_106] : memref<80x128xi32, #tpu.memory_space<vmem>> -> memref<1x128xi32, #tpu.memory_space<vmem>>
      %dma_start3A_108 = tpu.memref_squeeze %dma_start3A_107 : memref<1x128xi32, #tpu.memory_space<vmem>> -> memref<128xi32, #tpu.memory_space<vmem>>
      %dma_start3A_109 = arith.constant 0 : i32
      %dma_start3A_110 = arith.constant 0 : i32
      %dma_start3A_111 = tpu.memref_slice %arg2[%dma_start3A_109, %dma_start3A_110] : memref<10240x16xf32, #tpu.memory_space<hbm>> -> memref<10240x16xf32, #tpu.memory_space<hbm>>
      tpu.enqueue_indirect_dma source(%dma_start3A_111 : memref<10240x16xf32, #tpu.memory_space<hbm>>) target(%arg10 : memref<128x16xf32, #tpu.memory_space<vmem>>) offsets(%dma_start3A_108 : memref<128xi32, #tpu.memory_space<vmem>>) semaphore(%arg15 : memref<!tpu.dma_semaphore, #tpu.memory_space<semaphore_mem>>)
      %dma_wait3A_112 = arith.constant 0 : i32
      %dma_wait3A_113 = arith.constant 0 : i32
      %dma_wait3A_114 = tpu.memref_slice %arg7[%dma_wait3A_112, %dma_wait3A_113] : memref<80x128xi32, #tpu.memory_space<vmem>> -> memref<1x128xi32, #tpu.memory_space<vmem>>
      %dma_wait3A_115 = tpu.memref_squeeze %dma_wait3A_114 : memref<1x128xi32, #tpu.memory_space<vmem>> -> memref<128xi32, #tpu.memory_space<vmem>>
      %dma_wait3A_116 = arith.constant 0 : i32
      %dma_wait3A_117 = arith.constant 0 : i32
      %dma_wait3A_118 = tpu.memref_slice %arg2[%dma_wait3A_116, %dma_wait3A_117] : memref<10240x16xf32, #tpu.memory_space<hbm>> -> memref<10240x16xf32, #tpu.memory_space<hbm>>
      tpu.wait_indirect_dma semaphore(%arg17 : memref<!tpu.dma_semaphore, #tpu.memory_space<semaphore_mem>>) src(%dma_wait3A_118 : memref<10240x16xf32, #tpu.memory_space<hbm>>) dst(%arg12 : memref<128x16xf32, #tpu.memory_space<vmem>>)
      %sub3A_119 = arith.constant 2 : i32
      %sub3A_120 = arith.subi %add3A_105, %sub3A_119 : i32
      "tpu.region"() ({
        %run_scoped3A_159 = tpu.sem_alloc : memref<!tpu.dma_semaphore, #tpu.memory_space<semaphore_mem>>
        %dma_start3A_160 = arith.constant 0 : i32
        %dma_start3A_161 = tpu.memref_slice %arg8[%sub3A_120, %dma_start3A_160] : memref<80x128xi32, #tpu.memory_space<vmem>> -> memref<1x128xi32, #tpu.memory_space<vmem>>
        %dma_start3A_162 = tpu.memref_squeeze %dma_start3A_161 : memref<1x128xi32, #tpu.memory_space<vmem>> -> memref<128xi32, #tpu.memory_space<vmem>>
        %dma_start3A_163 = arith.constant 0 : i32
        %dma_start3A_164 = arith.constant 0 : i32
        %dma_start3A_165 = tpu.memref_slice %arg13[%dma_start3A_163, %dma_start3A_164] : memref<10240x16xf32, #tpu.memory_space<vmem_shared>> -> memref<10240x16xf32, #tpu.memory_space<vmem_shared>>
        tpu.enqueue_indirect_dma source(%arg12 : memref<128x16xf32, #tpu.memory_space<vmem>>) target(%dma_start3A_165 : memref<10240x16xf32, #tpu.memory_space<vmem_shared>>) offsets(%dma_start3A_162 : memref<128xi32, #tpu.memory_space<vmem>>) semaphore(%run_scoped3A_159 : memref<!tpu.dma_semaphore, #tpu.memory_space<semaphore_mem>>) {add = true}
        %dma_wait3A_166 = arith.constant 0 : i32
        %dma_wait3A_167 = tpu.memref_slice %arg8[%sub3A_120, %dma_wait3A_166] : memref<80x128xi32, #tpu.memory_space<vmem>> -> memref<1x128xi32, #tpu.memory_space<vmem>>
        %dma_wait3A_168 = tpu.memref_squeeze %dma_wait3A_167 : memref<1x128xi32, #tpu.memory_space<vmem>> -> memref<128xi32, #tpu.memory_space<vmem>>
        %dma_wait3A_169 = arith.constant 0 : i32
        %dma_wait3A_170 = arith.constant 0 : i32
        %dma_wait3A_171 = tpu.memref_slice %arg13[%dma_wait3A_169, %dma_wait3A_170] : memref<10240x16xf32, #tpu.memory_space<vmem_shared>> -> memref<10240x16xf32, #tpu.memory_space<vmem_shared>>
        tpu.wait_indirect_dma semaphore(%run_scoped3A_159 : memref<!tpu.dma_semaphore, #tpu.memory_space<semaphore_mem>>) src(%arg12 : memref<128x16xf32, #tpu.memory_space<vmem>>) dst(%dma_wait3A_171 : memref<10240x16xf32, #tpu.memory_space<vmem_shared>>)
        tpu.yield
      }) : () -> ()
      %mul3A_121 = arith.constant 4 : i32
      %mul3A_122 = arith.muli %mul3A_121, %scan3A_83 : i32
      %add3A_123 = arith.constant 2 : i32
      %add3A_124 = arith.addi %mul3A_122, %add3A_123 : i32
      %dma_start3A_125 = arith.constant 0 : i32
      %dma_start3A_126 = tpu.memref_slice %arg7[%add3A_124, %dma_start3A_125] : memref<80x128xi32, #tpu.memory_space<vmem>> -> memref<1x128xi32, #tpu.memory_space<vmem>>
      %dma_start3A_127 = tpu.memref_squeeze %dma_start3A_126 : memref<1x128xi32, #tpu.memory_space<vmem>> -> memref<128xi32, #tpu.memory_space<vmem>>
      %dma_start3A_128 = arith.constant 0 : i32
      %dma_start3A_129 = arith.constant 0 : i32
      %dma_start3A_130 = tpu.memref_slice %arg2[%dma_start3A_128, %dma_start3A_129] : memref<10240x16xf32, #tpu.memory_space<hbm>> -> memref<10240x16xf32, #tpu.memory_space<hbm>>
      tpu.enqueue_indirect_dma source(%dma_start3A_130 : memref<10240x16xf32, #tpu.memory_space<hbm>>) target(%arg11 : memref<128x16xf32, #tpu.memory_space<vmem>>) offsets(%dma_start3A_127 : memref<128xi32, #tpu.memory_space<vmem>>) semaphore(%arg16 : memref<!tpu.dma_semaphore, #tpu.memory_space<semaphore_mem>>)
      %dma_wait3A_131 = arith.constant 0 : i32
      %dma_wait3A_132 = arith.constant 0 : i32
      %dma_wait3A_133 = tpu.memref_slice %arg7[%dma_wait3A_131, %dma_wait3A_132] : memref<80x128xi32, #tpu.memory_space<vmem>> -> memref<1x128xi32, #tpu.memory_space<vmem>>
      %dma_wait3A_134 = tpu.memref_squeeze %dma_wait3A_133 : memref<1x128xi32, #tpu.memory_space<vmem>> -> memref<128xi32, #tpu.memory_space<vmem>>
      %dma_wait3A_135 = arith.constant 0 : i32
      %dma_wait3A_136 = arith.constant 0 : i32
      %dma_wait3A_137 = tpu.memref_slice %arg2[%dma_wait3A_135, %dma_wait3A_136] : memref<10240x16xf32, #tpu.memory_space<hbm>> -> memref<10240x16xf32, #tpu.memory_space<hbm>>
      tpu.wait_indirect_dma semaphore(%arg14 : memref<!tpu.dma_semaphore, #tpu.memory_space<semaphore_mem>>) src(%dma_wait3A_137 : memref<10240x16xf32, #tpu.memory_space<hbm>>) dst(%arg9 : memref<128x16xf32, #tpu.memory_space<vmem>>)
      %sub3A_138 = arith.constant 2 : i32
      %sub3A_139 = arith.subi %add3A_124, %sub3A_138 : i32
      "tpu.region"() ({
        %run_scoped3A_159 = tpu.sem_alloc : memref<!tpu.dma_semaphore, #tpu.memory_space<semaphore_mem>>
        %dma_start3A_160 = arith.constant 0 : i32
        %dma_start3A_161 = tpu.memref_slice %arg8[%sub3A_139, %dma_start3A_160] : memref<80x128xi32, #tpu.memory_space<vmem>> -> memref<1x128xi32, #tpu.memory_space<vmem>>
        %dma_start3A_162 = tpu.memref_squeeze %dma_start3A_161 : memref<1x128xi32, #tpu.memory_space<vmem>> -> memref<128xi32, #tpu.memory_space<vmem>>
        %dma_start3A_163 = arith.constant 0 : i32
        %dma_start3A_164 = arith.constant 0 : i32
        %dma_start3A_165 = tpu.memref_slice %arg13[%dma_start3A_163, %dma_start3A_164] : memref<10240x16xf32, #tpu.memory_space<vmem_shared>> -> memref<10240x16xf32, #tpu.memory_space<vmem_shared>>
        tpu.enqueue_indirect_dma source(%arg9 : memref<128x16xf32, #tpu.memory_space<vmem>>) target(%dma_start3A_165 : memref<10240x16xf32, #tpu.memory_space<vmem_shared>>) offsets(%dma_start3A_162 : memref<128xi32, #tpu.memory_space<vmem>>) semaphore(%run_scoped3A_159 : memref<!tpu.dma_semaphore, #tpu.memory_space<semaphore_mem>>) {add = true}
        %dma_wait3A_166 = arith.constant 0 : i32
        %dma_wait3A_167 = tpu.memref_slice %arg8[%sub3A_139, %dma_wait3A_166] : memref<80x128xi32, #tpu.memory_space<vmem>> -> memref<1x128xi32, #tpu.memory_space<vmem>>
        %dma_wait3A_168 = tpu.memref_squeeze %dma_wait3A_167 : memref<1x128xi32, #tpu.memory_space<vmem>> -> memref<128xi32, #tpu.memory_space<vmem>>
        %dma_wait3A_169 = arith.constant 0 : i32
        %dma_wait3A_170 = arith.constant 0 : i32
        %dma_wait3A_171 = tpu.memref_slice %arg13[%dma_wait3A_169, %dma_wait3A_170] : memref<10240x16xf32, #tpu.memory_space<vmem_shared>> -> memref<10240x16xf32, #tpu.memory_space<vmem_shared>>
        tpu.wait_indirect_dma semaphore(%run_scoped3A_159 : memref<!tpu.dma_semaphore, #tpu.memory_space<semaphore_mem>>) src(%arg9 : memref<128x16xf32, #tpu.memory_space<vmem>>) dst(%dma_wait3A_171 : memref<10240x16xf32, #tpu.memory_space<vmem_shared>>)
        tpu.yield
      }) : () -> ()
      %mul3A_140 = arith.constant 4 : i32
      %mul3A_141 = arith.muli %mul3A_140, %scan3A_83 : i32
      %add3A_142 = arith.constant 3 : i32
      %add3A_143 = arith.addi %mul3A_141, %add3A_142 : i32
      %dma_start3A_144 = arith.constant 0 : i32
      %dma_start3A_145 = tpu.memref_slice %arg7[%add3A_143, %dma_start3A_144] : memref<80x128xi32, #tpu.memory_space<vmem>> -> memref<1x128xi32, #tpu.memory_space<vmem>>
      %dma_start3A_146 = tpu.memref_squeeze %dma_start3A_145 : memref<1x128xi32, #tpu.memory_space<vmem>> -> memref<128xi32, #tpu.memory_space<vmem>>
      %dma_start3A_147 = arith.constant 0 : i32
      %dma_start3A_148 = arith.constant 0 : i32
      %dma_start3A_149 = tpu.memref_slice %arg2[%dma_start3A_147, %dma_start3A_148] : memref<10240x16xf32, #tpu.memory_space<hbm>> -> memref<10240x16xf32, #tpu.memory_space<hbm>>
      tpu.enqueue_indirect_dma source(%dma_start3A_149 : memref<10240x16xf32, #tpu.memory_space<hbm>>) target(%arg12 : memref<128x16xf32, #tpu.memory_space<vmem>>) offsets(%dma_start3A_146 : memref<128xi32, #tpu.memory_space<vmem>>) semaphore(%arg17 : memref<!tpu.dma_semaphore, #tpu.memory_space<semaphore_mem>>)
      %dma_wait3A_150 = arith.constant 0 : i32
      %dma_wait3A_151 = arith.constant 0 : i32
      %dma_wait3A_152 = tpu.memref_slice %arg7[%dma_wait3A_150, %dma_wait3A_151] : memref<80x128xi32, #tpu.memory_space<vmem>> -> memref<1x128xi32, #tpu.memory_space<vmem>>
      %dma_wait3A_153 = tpu.memref_squeeze %dma_wait3A_152 : memref<1x128xi32, #tpu.memory_space<vmem>> -> memref<128xi32, #tpu.memory_space<vmem>>
      %dma_wait3A_154 = arith.constant 0 : i32
      %dma_wait3A_155 = arith.constant 0 : i32
      %dma_wait3A_156 = tpu.memref_slice %arg2[%dma_wait3A_154, %dma_wait3A_155] : memref<10240x16xf32, #tpu.memory_space<hbm>> -> memref<10240x16xf32, #tpu.memory_space<hbm>>
      tpu.wait_indirect_dma semaphore(%arg15 : memref<!tpu.dma_semaphore, #tpu.memory_space<semaphore_mem>>) src(%dma_wait3A_156 : memref<10240x16xf32, #tpu.memory_space<hbm>>) dst(%arg10 : memref<128x16xf32, #tpu.memory_space<vmem>>)
      %sub3A_157 = arith.constant 2 : i32
      %sub3A_158 = arith.subi %add3A_143, %sub3A_157 : i32
      "tpu.region"() ({
        %run_scoped3A_159 = tpu.sem_alloc : memref<!tpu.dma_semaphore, #tpu.memory_space<semaphore_mem>>
        %dma_start3A_160 = arith.constant 0 : i32
        %dma_start3A_161 = tpu.memref_slice %arg8[%sub3A_158, %dma_start3A_160] : memref<80x128xi32, #tpu.memory_space<vmem>> -> memref<1x128xi32, #tpu.memory_space<vmem>>
        %dma_start3A_162 = tpu.memref_squeeze %dma_start3A_161 : memref<1x128xi32, #tpu.memory_space<vmem>> -> memref<128xi32, #tpu.memory_space<vmem>>
        %dma_start3A_163 = arith.constant 0 : i32
        %dma_start3A_164 = arith.constant 0 : i32
        %dma_start3A_165 = tpu.memref_slice %arg13[%dma_start3A_163, %dma_start3A_164] : memref<10240x16xf32, #tpu.memory_space<vmem_shared>> -> memref<10240x16xf32, #tpu.memory_space<vmem_shared>>
        tpu.enqueue_indirect_dma source(%arg10 : memref<128x16xf32, #tpu.memory_space<vmem>>) target(%dma_start3A_165 : memref<10240x16xf32, #tpu.memory_space<vmem_shared>>) offsets(%dma_start3A_162 : memref<128xi32, #tpu.memory_space<vmem>>) semaphore(%run_scoped3A_159 : memref<!tpu.dma_semaphore, #tpu.memory_space<semaphore_mem>>) {add = true}
        %dma_wait3A_166 = arith.constant 0 : i32
        %dma_wait3A_167 = tpu.memref_slice %arg8[%sub3A_158, %dma_wait3A_166] : memref<80x128xi32, #tpu.memory_space<vmem>> -> memref<1x128xi32, #tpu.memory_space<vmem>>
        %dma_wait3A_168 = tpu.memref_squeeze %dma_wait3A_167 : memref<1x128xi32, #tpu.memory_space<vmem>> -> memref<128xi32, #tpu.memory_space<vmem>>
        %dma_wait3A_169 = arith.constant 0 : i32
        %dma_wait3A_170 = arith.constant 0 : i32
        %dma_wait3A_171 = tpu.memref_slice %arg13[%dma_wait3A_169, %dma_wait3A_170] : memref<10240x16xf32, #tpu.memory_space<vmem_shared>> -> memref<10240x16xf32, #tpu.memory_space<vmem_shared>>
        tpu.wait_indirect_dma semaphore(%run_scoped3A_159 : memref<!tpu.dma_semaphore, #tpu.memory_space<semaphore_mem>>) src(%arg10 : memref<128x16xf32, #tpu.memory_space<vmem>>) dst(%dma_wait3A_171 : memref<10240x16xf32, #tpu.memory_space<vmem_shared>>)
        tpu.yield
      }) : () -> ()
    }
    %scan3A_59 = arith.constant 19 : i32
    %dma_wait3A_60 = arith.constant 0 : i32
    %dma_wait3A_61 = arith.constant 0 : i32
    %dma_wait3A_62 = tpu.memref_slice %arg7[%dma_wait3A_60, %dma_wait3A_61] : memref<80x128xi32, #tpu.memory_space<vmem>> -> memref<1x128xi32, #tpu.memory_space<vmem>>
    %dma_wait3A_63 = tpu.memref_squeeze %dma_wait3A_62 : memref<1x128xi32, #tpu.memory_space<vmem>> -> memref<128xi32, #tpu.memory_space<vmem>>
    %dma_wait3A_64 = arith.constant 0 : i32
    %dma_wait3A_65 = arith.constant 0 : i32
    %dma_wait3A_66 = tpu.memref_slice %arg2[%dma_wait3A_64, %dma_wait3A_65] : memref<10240x16xf32, #tpu.memory_space<hbm>> -> memref<10240x16xf32, #tpu.memory_space<hbm>>
    tpu.wait_indirect_dma semaphore(%arg16 : memref<!tpu.dma_semaphore, #tpu.memory_space<semaphore_mem>>) src(%dma_wait3A_66 : memref<10240x16xf32, #tpu.memory_space<hbm>>) dst(%arg11 : memref<128x16xf32, #tpu.memory_space<vmem>>)
    %run_scoped3A_67 = arith.constant 78 : i32
    "tpu.region"() ({
      %run_scoped3A_83 = tpu.sem_alloc : memref<!tpu.dma_semaphore, #tpu.memory_space<semaphore_mem>>
      %dma_start3A_84 = arith.constant 0 : i32
      %dma_start3A_85 = tpu.memref_slice %arg8[%run_scoped3A_67, %dma_start3A_84] : memref<80x128xi32, #tpu.memory_space<vmem>> -> memref<1x128xi32, #tpu.memory_space<vmem>>
      %dma_start3A_86 = tpu.memref_squeeze %dma_start3A_85 : memref<1x128xi32, #tpu.memory_space<vmem>> -> memref<128xi32, #tpu.memory_space<vmem>>
      %dma_start3A_87 = arith.constant 0 : i32
      %dma_start3A_88 = arith.constant 0 : i32
      %dma_start3A_89 = tpu.memref_slice %arg13[%dma_start3A_87, %dma_start3A_88] : memref<10240x16xf32, #tpu.memory_space<vmem_shared>> -> memref<10240x16xf32, #tpu.memory_space<vmem_shared>>
      tpu.enqueue_indirect_dma source(%arg11 : memref<128x16xf32, #tpu.memory_space<vmem>>) target(%dma_start3A_89 : memref<10240x16xf32, #tpu.memory_space<vmem_shared>>) offsets(%dma_start3A_86 : memref<128xi32, #tpu.memory_space<vmem>>) semaphore(%run_scoped3A_83 : memref<!tpu.dma_semaphore, #tpu.memory_space<semaphore_mem>>) {add = true}
      %dma_wait3A_90 = arith.constant 0 : i32
      %dma_wait3A_91 = tpu.memref_slice %arg8[%run_scoped3A_67, %dma_wait3A_90] : memref<80x128xi32, #tpu.memory_space<vmem>> -> memref<1x128xi32, #tpu.memory_space<vmem>>
      %dma_wait3A_92 = tpu.memref_squeeze %dma_wait3A_91 : memref<1x128xi32, #tpu.memory_space<vmem>> -> memref<128xi32, #tpu.memory_space<vmem>>
      %dma_wait3A_93 = arith.constant 0 : i32
      %dma_wait3A_94 = arith.constant 0 : i32
      %dma_wait3A_95 = tpu.memref_slice %arg13[%dma_wait3A_93, %dma_wait3A_94] : memref<10240x16xf32, #tpu.memory_space<vmem_shared>> -> memref<10240x16xf32, #tpu.memory_space<vmem_shared>>
      tpu.wait_indirect_dma semaphore(%run_scoped3A_83 : memref<!tpu.dma_semaphore, #tpu.memory_space<semaphore_mem>>) src(%arg11 : memref<128x16xf32, #tpu.memory_space<vmem>>) dst(%dma_wait3A_95 : memref<10240x16xf32, #tpu.memory_space<vmem_shared>>)
      tpu.yield
    }) : () -> ()
    %dma_wait3A_68 = arith.constant 0 : i32
    %dma_wait3A_69 = arith.constant 0 : i32
    %dma_wait3A_70 = tpu.memref_slice %arg7[%dma_wait3A_68, %dma_wait3A_69] : memref<80x128xi32, #tpu.memory_space<vmem>> -> memref<1x128xi32, #tpu.memory_space<vmem>>
    %dma_wait3A_71 = tpu.memref_squeeze %dma_wait3A_70 : memref<1x128xi32, #tpu.memory_space<vmem>> -> memref<128xi32, #tpu.memory_space<vmem>>
    %dma_wait3A_72 = arith.constant 0 : i32
    %dma_wait3A_73 = arith.constant 0 : i32
    %dma_wait3A_74 = tpu.memref_slice %arg2[%dma_wait3A_72, %dma_wait3A_73] : memref<10240x16xf32, #tpu.memory_space<hbm>> -> memref<10240x16xf32, #tpu.memory_space<hbm>>
    tpu.wait_indirect_dma semaphore(%arg17 : memref<!tpu.dma_semaphore, #tpu.memory_space<semaphore_mem>>) src(%dma_wait3A_74 : memref<10240x16xf32, #tpu.memory_space<hbm>>) dst(%arg12 : memref<128x16xf32, #tpu.memory_space<vmem>>)
    %run_scoped3A_75 = arith.constant 79 : i32
    "tpu.region"() ({
      %run_scoped3A_83 = tpu.sem_alloc : memref<!tpu.dma_semaphore, #tpu.memory_space<semaphore_mem>>
      %dma_start3A_84 = arith.constant 0 : i32
      %dma_start3A_85 = tpu.memref_slice %arg8[%run_scoped3A_75, %dma_start3A_84] : memref<80x128xi32, #tpu.memory_space<vmem>> -> memref<1x128xi32, #tpu.memory_space<vmem>>
      %dma_start3A_86 = tpu.memref_squeeze %dma_start3A_85 : memref<1x128xi32, #tpu.memory_space<vmem>> -> memref<128xi32, #tpu.memory_space<vmem>>
      %dma_start3A_87 = arith.constant 0 : i32
      %dma_start3A_88 = arith.constant 0 : i32
      %dma_start3A_89 = tpu.memref_slice %arg13[%dma_start3A_87, %dma_start3A_88] : memref<10240x16xf32, #tpu.memory_space<vmem_shared>> -> memref<10240x16xf32, #tpu.memory_space<vmem_shared>>
      tpu.enqueue_indirect_dma source(%arg12 : memref<128x16xf32, #tpu.memory_space<vmem>>) target(%dma_start3A_89 : memref<10240x16xf32, #tpu.memory_space<vmem_shared>>) offsets(%dma_start3A_86 : memref<128xi32, #tpu.memory_space<vmem>>) semaphore(%run_scoped3A_83 : memref<!tpu.dma_semaphore, #tpu.memory_space<semaphore_mem>>) {add = true}
      %dma_wait3A_90 = arith.constant 0 : i32
      %dma_wait3A_91 = tpu.memref_slice %arg8[%run_scoped3A_75, %dma_wait3A_90] : memref<80x128xi32, #tpu.memory_space<vmem>> -> memref<1x128xi32, #tpu.memory_space<vmem>>
      %dma_wait3A_92 = tpu.memref_squeeze %dma_wait3A_91 : memref<1x128xi32, #tpu.memory_space<vmem>> -> memref<128xi32, #tpu.memory_space<vmem>>
      %dma_wait3A_93 = arith.constant 0 : i32
      %dma_wait3A_94 = arith.constant 0 : i32
      %dma_wait3A_95 = tpu.memref_slice %arg13[%dma_wait3A_93, %dma_wait3A_94] : memref<10240x16xf32, #tpu.memory_space<vmem_shared>> -> memref<10240x16xf32, #tpu.memory_space<vmem_shared>>
      tpu.wait_indirect_dma semaphore(%run_scoped3A_83 : memref<!tpu.dma_semaphore, #tpu.memory_space<semaphore_mem>>) src(%arg12 : memref<128x16xf32, #tpu.memory_space<vmem>>) dst(%dma_wait3A_95 : memref<10240x16xf32, #tpu.memory_space<vmem_shared>>)
      tpu.yield
    }) : () -> ()
    %barrier3A_76 = arith.constant 0 : index
    tpu.barrier barrier_id(%barrier3A_76)
    %scan3A_77 = arith.constant 0 : i32
    %scan3A_78 = arith.constant 0 : i32
    %scan3A_79 = arith.constant 5 : i32
    %scan3A_80 = arith.addi %scan3A_78, %scan3A_79 : i32
    %scan3A_81 = arith.constant 1 : i32
    scf.for %scan3A_83 = %scan3A_78 to %scan3A_80 step %scan3A_81  : i32 {
      %mul3A_84 = arith.constant 640 : i32
      %mul3A_85 = arith.muli %arg1, %mul3A_84 : i32
      %mul3A_86 = arith.constant 128 : i32
      %mul3A_87 = arith.muli %scan3A_83, %mul3A_86 : i32
      %add3A_88 = arith.addi %mul3A_85, %mul3A_87 : i32
      "tpu.region"() ({
        %run_scoped3A_92 = tpu.sem_alloc : memref<!tpu.dma_semaphore, #tpu.memory_space<semaphore_mem>>
        %dma_start3A_93 = arith.constant 0 : i32
        %dma_start3A_94 = tpu.memref_slice %arg13[%add3A_88, %dma_start3A_93] : memref<10240x16xf32, #tpu.memory_space<vmem_shared>> -> memref<128x16xf32, #tpu.memory_space<vmem_shared>>
        %dma_start3A_95 = arith.constant 0 : i32
        %dma_start3A_96 = tpu.memref_slice %arg13[%add3A_88, %dma_start3A_95] : memref<10240x16xf32, #tpu.memory_space<vmem_shared>> -> memref<128x16xf32, #tpu.memory_space<vmem_shared>>
        tpu.enqueue_dma source(%dma_start3A_96 : memref<128x16xf32, #tpu.memory_space<vmem_shared>>) target(%arg9 : memref<128x16xf32, #tpu.memory_space<vmem>>) target_semaphore(%run_scoped3A_92 : memref<!tpu.dma_semaphore, #tpu.memory_space<semaphore_mem>>)
        %dma_wait3A_97 = arith.constant 0 : i32
        %dma_wait3A_98 = tpu.memref_slice %arg13[%add3A_88, %dma_wait3A_97] : memref<10240x16xf32, #tpu.memory_space<vmem_shared>> -> memref<128x16xf32, #tpu.memory_space<vmem_shared>>
        %dma_wait3A_99 = arith.constant 0 : i32
        %dma_wait3A_100 = tpu.memref_slice %arg13[%add3A_88, %dma_wait3A_99] : memref<10240x16xf32, #tpu.memory_space<vmem_shared>> -> memref<128x16xf32, #tpu.memory_space<vmem_shared>>
        tpu.wait_dma2 semaphore(%run_scoped3A_92 : memref<!tpu.dma_semaphore, #tpu.memory_space<semaphore_mem>>) src(%dma_wait3A_100 : memref<128x16xf32, #tpu.memory_space<vmem_shared>>) dst(%arg9 : memref<128x16xf32, #tpu.memory_space<vmem>>)
        tpu.yield
      }) : () -> ()
      %mul3A_89 = arith.constant 10240 : i32
      %mul3A_90 = arith.muli %arg0, %mul3A_89 : i32
      %add3A_91 = arith.addi %mul3A_90, %add3A_88 : i32
      "tpu.region"() ({
        %run_scoped3A_92 = tpu.sem_alloc : memref<!tpu.dma_semaphore, #tpu.memory_space<semaphore_mem>>
        %dma_start3A_93 = arith.constant 0 : i32
        %dma_start3A_94 = tpu.memref_slice %arg6[%add3A_91, %dma_start3A_93] : memref<20480x16xf32, #tpu.memory_space<hbm>> -> memref<128x16xf32, #tpu.memory_space<hbm>>
        %dma_start3A_95 = arith.constant 0 : i32
        %dma_start3A_96 = tpu.memref_slice %arg6[%add3A_91, %dma_start3A_95] : memref<20480x16xf32, #tpu.memory_space<hbm>> -> memref<128x16xf32, #tpu.memory_space<hbm>>
        tpu.enqueue_dma source(%arg9 : memref<128x16xf32, #tpu.memory_space<vmem>>) target(%dma_start3A_96 : memref<128x16xf32, #tpu.memory_space<hbm>>) target_semaphore(%run_scoped3A_92 : memref<!tpu.dma_semaphore, #tpu.memory_space<semaphore_mem>>)
        %dma_wait3A_97 = arith.constant 0 : i32
        %dma_wait3A_98 = tpu.memref_slice %arg6[%add3A_91, %dma_wait3A_97] : memref<20480x16xf32, #tpu.memory_space<hbm>> -> memref<128x16xf32, #tpu.memory_space<hbm>>
        %dma_wait3A_99 = arith.constant 0 : i32
        %dma_wait3A_100 = tpu.memref_slice %arg6[%add3A_91, %dma_wait3A_99] : memref<20480x16xf32, #tpu.memory_space<hbm>> -> memref<128x16xf32, #tpu.memory_space<hbm>>
        tpu.wait_dma2 semaphore(%run_scoped3A_92 : memref<!tpu.dma_semaphore, #tpu.memory_space<semaphore_mem>>) src(%arg9 : memref<128x16xf32, #tpu.memory_space<vmem>>) dst(%dma_wait3A_100 : memref<128x16xf32, #tpu.memory_space<hbm>>)
        tpu.yield
      }) : () -> ()
    }
    %scan3A_82 = arith.constant 5 : i32
    return
  }
}

module attributes {stable_mosaic.version = 14 : i64} {
  func.func @_k1a_body(%arg0: i32, %arg1: memref<1024x128xf32, #tpu.memory_space<vmem>>, %arg2: memref<128x128xf32, #tpu.memory_space<vmem>>, %arg3: memref<1024x128xf32, #tpu.memory_space<vmem>>) attributes {dimension_semantics = [#tpu.dimension_semantics<arbitrary>], iteration_bounds = array<i64: 10>, scalar_prefetch = 0 : i64, scratch_operands = 0 : i64, tpu.core_type = #tpu.core_type<tc>, window_params = [{transform_indices = @transform_0, window_bounds = array<i64: 1024, 128>}, {pipeline_mode = #tpu.pipeline_mode<synchronous>, transform_indices = @transform_1, window_bounds = array<i64: 128, 128>}, {transform_indices = @transform_2, window_bounds = array<i64: 1024, 128>}]} {
    %get3A = arith.constant 0 : index
    %get3A_0 = arith.constant 0 : index
    %get3A_1 = vector.load %arg1[%get3A, %get3A_0] : memref<1024x128xf32, #tpu.memory_space<vmem>>, vector<1024x128xf32>
    %get3A_2 = arith.constant 0 : index
    %get3A_3 = arith.constant 0 : index
    %get3A_4 = vector.load %arg2[%get3A_2, %get3A_3] : memref<128x128xf32, #tpu.memory_space<vmem>>, vector<128x128xf32>
    %dot_general3A = arith.constant dense<0.000000e+00> : vector<1024x128xf32>
    %dot_general3A_5 = tpu.matmul %get3A_1, %get3A_4, %dot_general3A {dimension_numbers = #tpu.dot_dimension_numbers<[1], [0], [0], [1], [0, 0, 1, 1], [], []>, transpose_lhs_hint = false} : vector<1024x128xf32>, vector<128x128xf32>, vector<1024x128xf32> -> vector<1024x128xf32>
    %swap3A = arith.constant 0 : index
    %swap3A_6 = arith.constant 0 : index
    %swap3A_7 = vector.load %arg3[%swap3A, %swap3A_6] : memref<1024x128xf32, #tpu.memory_space<vmem>>, vector<1024x128xf32>
    tpu.vector_store %arg3[%swap3A, %swap3A_6], %dot_general3A_5 {strides = array<i32>} : memref<1024x128xf32, #tpu.memory_space<vmem>>, vector<1024x128xf32>,
    return
  }
  func.func @transform_0(%arg0: i32) -> (i32, i32) {
    %c0_i32 = arith.constant 0 : i32
    %c0_i32_0 = arith.constant 0 : i32
    return %arg0, %c0_i32 : i32, i32
  }
  func.func @transform_1(%arg0: i32) -> (i32, i32) {
    %c0_i32 = arith.constant 0 : i32
    %c0_i32_0 = arith.constant 0 : i32
    %c0_i32_1 = arith.constant 0 : i32
    return %c0_i32, %c0_i32_0 : i32, i32
  }
  func.func @transform_2(%arg0: i32) -> (i32, i32) {
    %c0_i32 = arith.constant 0 : i32
    %c0_i32_0 = arith.constant 0 : i32
    return %arg0, %c0_i32 : i32, i32
  }
}

module attributes {stable_mosaic.version = 14 : i64} {
  func.func @_k2_body(%arg0: i32, %arg1: memref<1024x128xf32, #tpu.memory_space<vmem>>, %arg2: memref<1024x128xf32, #tpu.memory_space<vmem>>, %arg3: memref<128x128xf32, #tpu.memory_space<vmem>>, %arg4: memref<1x128xf32, #tpu.memory_space<vmem>>, %arg5: memref<128x16xf32, #tpu.memory_space<vmem>>, %arg6: memref<128x128xf32, #tpu.memory_space<vmem>>) attributes {dimension_semantics = [#tpu.dimension_semantics<arbitrary>], iteration_bounds = array<i64: 10>, scalar_prefetch = 0 : i64, scratch_operands = 0 : i64, tpu.core_type = #tpu.core_type<tc>, window_params = [{transform_indices = @transform_0, window_bounds = array<i64: 1024, 128>}, {transform_indices = @transform_1, window_bounds = array<i64: 1024, 128>}, {transform_indices = @transform_2, window_bounds = array<i64: 128, 128>}, {pipeline_mode = #tpu.pipeline_mode<synchronous>, transform_indices = @transform_3, window_bounds = array<i64: 1, 128>}, {pipeline_mode = #tpu.pipeline_mode<synchronous>, transform_indices = @transform_4, window_bounds = array<i64: 128, 16>}, {transform_indices = @transform_5, window_bounds = array<i64: 128, 128>}]} {
    %get3A = arith.constant 0 : index
    %get3A_0 = arith.constant 0 : index
    %get3A_1 = vector.load %arg3[%get3A, %get3A_0] : memref<128x128xf32, #tpu.memory_space<vmem>>, vector<128x128xf32>
    %slice3A = vector.extract_strided_slice %get3A_1 {offsets = [0, 0], sizes = [128, 1], strides = [1, 1]} : vector<128x128xf32> to vector<128x1xf32>
    %broadcast_in_dim3A = vector.shape_cast %slice3A : vector<128x1xf32> to vector<128x1x1xf32>
    %slice3A_2 = vector.extract_strided_slice %get3A_1 {offsets = [0, 16], sizes = [128, 1], strides = [1, 1]} : vector<128x128xf32> to vector<128x1xf32>
    %broadcast_in_dim3A_3 = vector.shape_cast %slice3A_2 : vector<128x1xf32> to vector<128x1x1xf32>
    %slice3A_4 = vector.extract_strided_slice %get3A_1 {offsets = [0, 32], sizes = [128, 1], strides = [1, 1]} : vector<128x128xf32> to vector<128x1xf32>
    %broadcast_in_dim3A_5 = vector.shape_cast %slice3A_4 : vector<128x1xf32> to vector<128x1x1xf32>
    %slice3A_6 = vector.extract_strided_slice %get3A_1 {offsets = [0, 48], sizes = [128, 1], strides = [1, 1]} : vector<128x128xf32> to vector<128x1xf32>
    %broadcast_in_dim3A_7 = vector.shape_cast %slice3A_6 : vector<128x1xf32> to vector<128x1x1xf32>
    %slice3A_8 = vector.extract_strided_slice %get3A_1 {offsets = [0, 64], sizes = [128, 1], strides = [1, 1]} : vector<128x128xf32> to vector<128x1xf32>
    %broadcast_in_dim3A_9 = vector.shape_cast %slice3A_8 : vector<128x1xf32> to vector<128x1x1xf32>
    %slice3A_10 = vector.extract_strided_slice %get3A_1 {offsets = [0, 80], sizes = [128, 1], strides = [1, 1]} : vector<128x128xf32> to vector<128x1xf32>
    %broadcast_in_dim3A_11 = vector.shape_cast %slice3A_10 : vector<128x1xf32> to vector<128x1x1xf32>
    %slice3A_12 = vector.extract_strided_slice %get3A_1 {offsets = [0, 96], sizes = [128, 1], strides = [1, 1]} : vector<128x128xf32> to vector<128x1xf32>
    %broadcast_in_dim3A_13 = vector.shape_cast %slice3A_12 : vector<128x1xf32> to vector<128x1x1xf32>
    %slice3A_14 = vector.extract_strided_slice %get3A_1 {offsets = [0, 112], sizes = [128, 1], strides = [1, 1]} : vector<128x128xf32> to vector<128x1xf32>
    %broadcast_in_dim3A_15 = vector.shape_cast %slice3A_14 : vector<128x1xf32> to vector<128x1x1xf32>
    %concatenate3A = tpu.concatenate %broadcast_in_dim3A, %broadcast_in_dim3A_3, %broadcast_in_dim3A_5, %broadcast_in_dim3A_7, %broadcast_in_dim3A_9, %broadcast_in_dim3A_11, %broadcast_in_dim3A_13, %broadcast_in_dim3A_15 in 1 : vector<128x1x1xf32>, vector<128x1x1xf32>, vector<128x1x1xf32>, vector<128x1x1xf32>, vector<128x1x1xf32>, vector<128x1x1xf32>, vector<128x1x1xf32>, vector<128x1x1xf32> -> vector<128x8x1xf32>
    %reshape3A = vector.shape_cast %concatenate3A : vector<128x8x1xf32> to vector<1024x1xf32>
    %broadcast_in_dim3A_16 = arith.constant 1.000000e+00 : f32
    %broadcast_in_dim3A_17 = vector.broadcast %broadcast_in_dim3A_16 : f32 to vector<1x128xf32>
    %dot_general3A = arith.constant dense<0.000000e+00> : vector<1024x128xf32>
    %dot_general3A_18 = tpu.matmul %reshape3A, %broadcast_in_dim3A_17, %dot_general3A {dimension_numbers = #tpu.dot_dimension_numbers<[1], [0], [0], [1], [0, 0, 1, 1], [], []>, transpose_lhs_hint = false} : vector<1024x1xf32>, vector<1x128xf32>, vector<1024x128xf32> -> vector<1024x128xf32>
    %get3A_19 = arith.constant 0 : index
    %get3A_20 = arith.constant 0 : index
    %get3A_21 = vector.load %arg1[%get3A_19, %get3A_20] : memref<1024x128xf32, #tpu.memory_space<vmem>>, vector<1024x128xf32>
    %get3A_22 = arith.constant 0 : index
    %get3A_23 = arith.constant 0 : index
    %get3A_24 = vector.load %arg2[%get3A_22, %get3A_23] : memref<1024x128xf32, #tpu.memory_space<vmem>>, vector<1024x128xf32>
    %add3A = arith.addf %get3A_21, %get3A_24 : vector<1024x128xf32>
    %mul3A = arith.mulf %dot_general3A_18, %add3A : vector<1024x128xf32>
    %get3A_25 = arith.constant 0 : index
    %get3A_26 = arith.constant 0 : index
    %get3A_27 = vector.load %arg4[%get3A_25, %get3A_26] : memref<1x128xf32, #tpu.memory_space<vmem>>, vector<1x128xf32>
    %add3A_28 = vector.broadcast %get3A_27 : vector<1x128xf32> to vector<1024x128xf32>
    %add3A_29 = arith.addf %mul3A, %add3A_28 : vector<1024x128xf32>
    %max3A = arith.constant 0.000000e+00 : f32
    %max3A_30 = vector.broadcast %max3A : f32 to vector<1024x128xf32>
    %max3A_31 = arith.maximumf %add3A_29, %max3A_30 : vector<1024x128xf32>
    %get3A_32 = arith.constant 0 : index
    %get3A_33 = arith.constant 0 : index
    %get3A_34 = vector.load %arg5[%get3A_32, %get3A_33] : memref<128x16xf32, #tpu.memory_space<vmem>>, vector<128x16xf32>
    %dot_general3A_35 = arith.constant dense<0.000000e+00> : vector<1024x16xf32>
    %dot_general3A_36 = tpu.matmul %max3A_31, %get3A_34, %dot_general3A_35 {dimension_numbers = #tpu.dot_dimension_numbers<[1], [0], [0], [1], [0, 0, 1, 1], [], []>, transpose_lhs_hint = false} : vector<1024x128xf32>, vector<128x16xf32>, vector<1024x16xf32> -> vector<1024x16xf32>
    %slice3A_37 = vector.extract_strided_slice %dot_general3A_18 {offsets = [0, 0], sizes = [1024, 16], strides = [1, 1]} : vector<1024x128xf32> to vector<1024x16xf32>
    %mul3A_38 = arith.mulf %dot_general3A_36, %slice3A_37 : vector<1024x16xf32>
    %reshape3A_39 = vector.shape_cast %mul3A_38 : vector<1024x16xf32> to vector<128x8x16xf32>
    %slice3A_40 = vector.extract_strided_slice %reshape3A_39 {offsets = [0, 0, 0], sizes = [128, 1, 16], strides = [1, 1, 1]} : vector<128x8x16xf32> to vector<128x1x16xf32>
    %squeeze3A = vector.shape_cast %slice3A_40 : vector<128x1x16xf32> to vector<128x16xf32>
    %slice3A_41 = vector.extract_strided_slice %reshape3A_39 {offsets = [0, 1, 0], sizes = [128, 1, 16], strides = [1, 1, 1]} : vector<128x8x16xf32> to vector<128x1x16xf32>
    %squeeze3A_42 = vector.shape_cast %slice3A_41 : vector<128x1x16xf32> to vector<128x16xf32>
    %slice3A_43 = vector.extract_strided_slice %reshape3A_39 {offsets = [0, 2, 0], sizes = [128, 1, 16], strides = [1, 1, 1]} : vector<128x8x16xf32> to vector<128x1x16xf32>
    %squeeze3A_44 = vector.shape_cast %slice3A_43 : vector<128x1x16xf32> to vector<128x16xf32>
    %slice3A_45 = vector.extract_strided_slice %reshape3A_39 {offsets = [0, 3, 0], sizes = [128, 1, 16], strides = [1, 1, 1]} : vector<128x8x16xf32> to vector<128x1x16xf32>
    %squeeze3A_46 = vector.shape_cast %slice3A_45 : vector<128x1x16xf32> to vector<128x16xf32>
    %slice3A_47 = vector.extract_strided_slice %reshape3A_39 {offsets = [0, 4, 0], sizes = [128, 1, 16], strides = [1, 1, 1]} : vector<128x8x16xf32> to vector<128x1x16xf32>
    %squeeze3A_48 = vector.shape_cast %slice3A_47 : vector<128x1x16xf32> to vector<128x16xf32>
    %slice3A_49 = vector.extract_strided_slice %reshape3A_39 {offsets = [0, 5, 0], sizes = [128, 1, 16], strides = [1, 1, 1]} : vector<128x8x16xf32> to vector<128x1x16xf32>
    %squeeze3A_50 = vector.shape_cast %slice3A_49 : vector<128x1x16xf32> to vector<128x16xf32>
    %slice3A_51 = vector.extract_strided_slice %reshape3A_39 {offsets = [0, 6, 0], sizes = [128, 1, 16], strides = [1, 1, 1]} : vector<128x8x16xf32> to vector<128x1x16xf32>
    %squeeze3A_52 = vector.shape_cast %slice3A_51 : vector<128x1x16xf32> to vector<128x16xf32>
    %slice3A_53 = vector.extract_strided_slice %reshape3A_39 {offsets = [0, 7, 0], sizes = [128, 1, 16], strides = [1, 1, 1]} : vector<128x8x16xf32> to vector<128x1x16xf32>
    %squeeze3A_54 = vector.shape_cast %slice3A_53 : vector<128x1x16xf32> to vector<128x16xf32>
    %concatenate3A_55 = tpu.concatenate %squeeze3A, %squeeze3A_42, %squeeze3A_44, %squeeze3A_46, %squeeze3A_48, %squeeze3A_50, %squeeze3A_52, %squeeze3A_54 in 1 : vector<128x16xf32>, vector<128x16xf32>, vector<128x16xf32>, vector<128x16xf32>, vector<128x16xf32>, vector<128x16xf32>, vector<128x16xf32>, vector<128x16xf32> -> vector<128x128xf32>
    %swap3A = arith.constant 0 : index
    %swap3A_56 = arith.constant 0 : index
    %swap3A_57 = vector.load %arg6[%swap3A, %swap3A_56] : memref<128x128xf32, #tpu.memory_space<vmem>>, vector<128x128xf32>
    tpu.vector_store %arg6[%swap3A, %swap3A_56], %concatenate3A_55 {strides = array<i32>} : memref<128x128xf32, #tpu.memory_space<vmem>>, vector<128x128xf32>,
    return
  }
  func.func @transform_0(%arg0: i32) -> (i32, i32) {
    %c0_i32 = arith.constant 0 : i32
    %c0_i32_0 = arith.constant 0 : i32
    return %arg0, %c0_i32 : i32, i32
  }
  func.func @transform_1(%arg0: i32) -> (i32, i32) {
    %c0_i32 = arith.constant 0 : i32
    %c0_i32_0 = arith.constant 0 : i32
    return %arg0, %c0_i32 : i32, i32
  }
  func.func @transform_2(%arg0: i32) -> (i32, i32) {
    %c0_i32 = arith.constant 0 : i32
    %c0_i32_0 = arith.constant 0 : i32
    return %arg0, %c0_i32 : i32, i32
  }
  func.func @transform_3(%arg0: i32) -> (i32, i32) {
    %c0_i32 = arith.constant 0 : i32
    %c0_i32_0 = arith.constant 0 : i32
    %c0_i32_1 = arith.constant 0 : i32
    return %c0_i32, %c0_i32_0 : i32, i32
  }
  func.func @transform_4(%arg0: i32) -> (i32, i32) {
    %c0_i32 = arith.constant 0 : i32
    %c0_i32_0 = arith.constant 0 : i32
    %c0_i32_1 = arith.constant 0 : i32
    return %c0_i32, %c0_i32_0 : i32, i32
  }
  func.func @transform_5(%arg0: i32) -> (i32, i32) {
    %c0_i32 = arith.constant 0 : i32
    %c0_i32_0 = arith.constant 0 : i32
    return %arg0, %c0_i32 : i32, i32
  }
}

module attributes {stable_mosaic.version = 14 : i64} {
  func.func @_k1b_body(%arg0: i32, %arg1: memref<128x128xf32, #tpu.memory_space<vmem>>, %arg2: memref<128x128xf32, #tpu.memory_space<vmem>>, %arg3: memref<1024x128xf32, #tpu.memory_space<vmem>>, %arg4: memref<1024x128xf32, #tpu.memory_space<vmem>>, %arg5: memref<128x128xf32, #tpu.memory_space<vmem>>) attributes {dimension_semantics = [#tpu.dimension_semantics<arbitrary>], iteration_bounds = array<i64: 10>, scalar_prefetch = 0 : i64, scratch_operands = 0 : i64, tpu.core_type = #tpu.core_type<tc>, window_params = [{transform_indices = @transform_0, window_bounds = array<i64: 128, 128>}, {transform_indices = @transform_1, window_bounds = array<i64: 128, 128>}, {transform_indices = @transform_2, window_bounds = array<i64: 1024, 128>}, {transform_indices = @transform_3, window_bounds = array<i64: 1024, 128>}, {transform_indices = @transform_4, window_bounds = array<i64: 128, 128>}]} {
    %get3A = arith.constant 0 : index
    %get3A_0 = arith.constant 0 : index
    %get3A_1 = vector.load %arg1[%get3A, %get3A_0] : memref<128x128xf32, #tpu.memory_space<vmem>>, vector<128x128xf32>
    %get3A_2 = arith.constant 0 : index
    %get3A_3 = arith.constant 0 : index
    %get3A_4 = vector.load %arg2[%get3A_2, %get3A_3] : memref<128x128xf32, #tpu.memory_space<vmem>>, vector<128x128xf32>
    %add3A = arith.addf %get3A_1, %get3A_4 : vector<128x128xf32>
    %slice3A = vector.extract_strided_slice %add3A {offsets = [0, 0], sizes = [128, 1], strides = [1, 1]} : vector<128x128xf32> to vector<128x1xf32>
    %broadcast_in_dim3A = vector.shape_cast %slice3A : vector<128x1xf32> to vector<128x1x1xf32>
    %slice3A_5 = vector.extract_strided_slice %add3A {offsets = [0, 16], sizes = [128, 1], strides = [1, 1]} : vector<128x128xf32> to vector<128x1xf32>
    %broadcast_in_dim3A_6 = vector.shape_cast %slice3A_5 : vector<128x1xf32> to vector<128x1x1xf32>
    %slice3A_7 = vector.extract_strided_slice %add3A {offsets = [0, 32], sizes = [128, 1], strides = [1, 1]} : vector<128x128xf32> to vector<128x1xf32>
    %broadcast_in_dim3A_8 = vector.shape_cast %slice3A_7 : vector<128x1xf32> to vector<128x1x1xf32>
    %slice3A_9 = vector.extract_strided_slice %add3A {offsets = [0, 48], sizes = [128, 1], strides = [1, 1]} : vector<128x128xf32> to vector<128x1xf32>
    %broadcast_in_dim3A_10 = vector.shape_cast %slice3A_9 : vector<128x1xf32> to vector<128x1x1xf32>
    %slice3A_11 = vector.extract_strided_slice %add3A {offsets = [0, 64], sizes = [128, 1], strides = [1, 1]} : vector<128x128xf32> to vector<128x1xf32>
    %broadcast_in_dim3A_12 = vector.shape_cast %slice3A_11 : vector<128x1xf32> to vector<128x1x1xf32>
    %slice3A_13 = vector.extract_strided_slice %add3A {offsets = [0, 80], sizes = [128, 1], strides = [1, 1]} : vector<128x128xf32> to vector<128x1xf32>
    %broadcast_in_dim3A_14 = vector.shape_cast %slice3A_13 : vector<128x1xf32> to vector<128x1x1xf32>
    %slice3A_15 = vector.extract_strided_slice %add3A {offsets = [0, 96], sizes = [128, 1], strides = [1, 1]} : vector<128x128xf32> to vector<128x1xf32>
    %broadcast_in_dim3A_16 = vector.shape_cast %slice3A_15 : vector<128x1xf32> to vector<128x1x1xf32>
    %slice3A_17 = vector.extract_strided_slice %add3A {offsets = [0, 112], sizes = [128, 1], strides = [1, 1]} : vector<128x128xf32> to vector<128x1xf32>
    %broadcast_in_dim3A_18 = vector.shape_cast %slice3A_17 : vector<128x1xf32> to vector<128x1x1xf32>
    %concatenate3A = tpu.concatenate %broadcast_in_dim3A, %broadcast_in_dim3A_6, %broadcast_in_dim3A_8, %broadcast_in_dim3A_10, %broadcast_in_dim3A_12, %broadcast_in_dim3A_14, %broadcast_in_dim3A_16, %broadcast_in_dim3A_18 in 1 : vector<128x1x1xf32>, vector<128x1x1xf32>, vector<128x1x1xf32>, vector<128x1x1xf32>, vector<128x1x1xf32>, vector<128x1x1xf32>, vector<128x1x1xf32>, vector<128x1x1xf32> -> vector<128x8x1xf32>
    %reshape3A = vector.shape_cast %concatenate3A : vector<128x8x1xf32> to vector<1024x1xf32>
    %add3A_19 = arith.constant 1.000000e+00 : f32
    %add3A_20 = vector.broadcast %add3A_19 : f32 to vector<1024x1xf32>
    %add3A_21 = arith.addf %reshape3A, %add3A_20 : vector<1024x1xf32>
    %rsqrt3A = math.rsqrt %add3A_21 : vector<1024x1xf32>
    %broadcast_in_dim3A_22 = arith.constant 1.000000e+00 : f32
    %broadcast_in_dim3A_23 = vector.broadcast %broadcast_in_dim3A_22 : f32 to vector<1x128xf32>
    %dot_general3A = arith.constant dense<0.000000e+00> : vector<1024x128xf32>
    %dot_general3A_24 = tpu.matmul %rsqrt3A, %broadcast_in_dim3A_23, %dot_general3A {dimension_numbers = #tpu.dot_dimension_numbers<[1], [0], [0], [1], [0, 0, 1, 1], [], []>, transpose_lhs_hint = false} : vector<1024x1xf32>, vector<1x128xf32>, vector<1024x128xf32> -> vector<1024x128xf32>
    %get3A_25 = arith.constant 0 : index
    %get3A_26 = arith.constant 0 : index
    %get3A_27 = vector.load %arg3[%get3A_25, %get3A_26] : memref<1024x128xf32, #tpu.memory_space<vmem>>, vector<1024x128xf32>
    %mul3A = arith.mulf %get3A_27, %dot_general3A_24 : vector<1024x128xf32>
    %swap3A = arith.constant 0 : index
    %swap3A_28 = arith.constant 0 : index
    %swap3A_29 = vector.load %arg4[%swap3A, %swap3A_28] : memref<1024x128xf32, #tpu.memory_space<vmem>>, vector<1024x128xf32>
    tpu.vector_store %arg4[%swap3A, %swap3A_28], %mul3A {strides = array<i32>} : memref<1024x128xf32, #tpu.memory_space<vmem>>, vector<1024x128xf32>,
    %reshape3A_30 = vector.shape_cast %rsqrt3A : vector<1024x1xf32> to vector<128x8x1xf32>
    %slice3A_31 = vector.extract_strided_slice %reshape3A_30 {offsets = [0, 0, 0], sizes = [128, 1, 1], strides = [1, 1, 1]} : vector<128x8x1xf32> to vector<128x1x1xf32>
    %squeeze3A = vector.shape_cast %slice3A_31 : vector<128x1x1xf32> to vector<128x1xf32>
    %broadcast_in_dim3A_32 = vector.shape_cast %squeeze3A : vector<128x1xf32> to vector<128x1xf32>
    %broadcast_in_dim3A_33 = vector.broadcast %broadcast_in_dim3A_32 : vector<128x1xf32> to vector<128x16xf32>
    %slice3A_34 = vector.extract_strided_slice %reshape3A_30 {offsets = [0, 1, 0], sizes = [128, 1, 1], strides = [1, 1, 1]} : vector<128x8x1xf32> to vector<128x1x1xf32>
    %squeeze3A_35 = vector.shape_cast %slice3A_34 : vector<128x1x1xf32> to vector<128x1xf32>
    %broadcast_in_dim3A_36 = vector.shape_cast %squeeze3A_35 : vector<128x1xf32> to vector<128x1xf32>
    %broadcast_in_dim3A_37 = vector.broadcast %broadcast_in_dim3A_36 : vector<128x1xf32> to vector<128x16xf32>
    %slice3A_38 = vector.extract_strided_slice %reshape3A_30 {offsets = [0, 2, 0], sizes = [128, 1, 1], strides = [1, 1, 1]} : vector<128x8x1xf32> to vector<128x1x1xf32>
    %squeeze3A_39 = vector.shape_cast %slice3A_38 : vector<128x1x1xf32> to vector<128x1xf32>
    %broadcast_in_dim3A_40 = vector.shape_cast %squeeze3A_39 : vector<128x1xf32> to vector<128x1xf32>
    %broadcast_in_dim3A_41 = vector.broadcast %broadcast_in_dim3A_40 : vector<128x1xf32> to vector<128x16xf32>
    %slice3A_42 = vector.extract_strided_slice %reshape3A_30 {offsets = [0, 3, 0], sizes = [128, 1, 1], strides = [1, 1, 1]} : vector<128x8x1xf32> to vector<128x1x1xf32>
    %squeeze3A_43 = vector.shape_cast %slice3A_42 : vector<128x1x1xf32> to vector<128x1xf32>
    %broadcast_in_dim3A_44 = vector.shape_cast %squeeze3A_43 : vector<128x1xf32> to vector<128x1xf32>
    %broadcast_in_dim3A_45 = vector.broadcast %broadcast_in_dim3A_44 : vector<128x1xf32> to vector<128x16xf32>
    %slice3A_46 = vector.extract_strided_slice %reshape3A_30 {offsets = [0, 4, 0], sizes = [128, 1, 1], strides = [1, 1, 1]} : vector<128x8x1xf32> to vector<128x1x1xf32>
    %squeeze3A_47 = vector.shape_cast %slice3A_46 : vector<128x1x1xf32> to vector<128x1xf32>
    %broadcast_in_dim3A_48 = vector.shape_cast %squeeze3A_47 : vector<128x1xf32> to vector<128x1xf32>
    %broadcast_in_dim3A_49 = vector.broadcast %broadcast_in_dim3A_48 : vector<128x1xf32> to vector<128x16xf32>
    %slice3A_50 = vector.extract_strided_slice %reshape3A_30 {offsets = [0, 5, 0], sizes = [128, 1, 1], strides = [1, 1, 1]} : vector<128x8x1xf32> to vector<128x1x1xf32>
    %squeeze3A_51 = vector.shape_cast %slice3A_50 : vector<128x1x1xf32> to vector<128x1xf32>
    %broadcast_in_dim3A_52 = vector.shape_cast %squeeze3A_51 : vector<128x1xf32> to vector<128x1xf32>
    %broadcast_in_dim3A_53 = vector.broadcast %broadcast_in_dim3A_52 : vector<128x1xf32> to vector<128x16xf32>
    %slice3A_54 = vector.extract_strided_slice %reshape3A_30 {offsets = [0, 6, 0], sizes = [128, 1, 1], strides = [1, 1, 1]} : vector<128x8x1xf32> to vector<128x1x1xf32>
    %squeeze3A_55 = vector.shape_cast %slice3A_54 : vector<128x1x1xf32> to vector<128x1xf32>
    %broadcast_in_dim3A_56 = vector.shape_cast %squeeze3A_55 : vector<128x1xf32> to vector<128x1xf32>
    %broadcast_in_dim3A_57 = vector.broadcast %broadcast_in_dim3A_56 : vector<128x1xf32> to vector<128x16xf32>
    %slice3A_58 = vector.extract_strided_slice %reshape3A_30 {offsets = [0, 7, 0], sizes = [128, 1, 1], strides = [1, 1, 1]} : vector<128x8x1xf32> to vector<128x1x1xf32>
    %squeeze3A_59 = vector.shape_cast %slice3A_58 : vector<128x1x1xf32> to vector<128x1xf32>
    %broadcast_in_dim3A_60 = vector.shape_cast %squeeze3A_59 : vector<128x1xf32> to vector<128x1xf32>
    %broadcast_in_dim3A_61 = vector.broadcast %broadcast_in_dim3A_60 : vector<128x1xf32> to vector<128x16xf32>
    %concatenate3A_62 = tpu.concatenate %broadcast_in_dim3A_33, %broadcast_in_dim3A_37, %broadcast_in_dim3A_41, %broadcast_in_dim3A_45, %broadcast_in_dim3A_49, %broadcast_in_dim3A_53, %broadcast_in_dim3A_57, %broadcast_in_dim3A_61 in 1 : vector<128x16xf32>, vector<128x16xf32>, vector<128x16xf32>, vector<128x16xf32>, vector<128x16xf32>, vector<128x16xf32>, vector<128x16xf32>, vector<128x16xf32> -> vector<128x128xf32>
    %swap3A_63 = arith.constant 0 : index
    %swap3A_64 = arith.constant 0 : index
    %swap3A_65 = vector.load %arg5[%swap3A_63, %swap3A_64] : memref<128x128xf32, #tpu.memory_space<vmem>>, vector<128x128xf32>
    tpu.vector_store %arg5[%swap3A_63, %swap3A_64], %concatenate3A_62 {strides = array<i32>} : memref<128x128xf32, #tpu.memory_space<vmem>>, vector<128x128xf32>,
    return
  }
  func.func @transform_0(%arg0: i32) -> (i32, i32) {
    %c0_i32 = arith.constant 0 : i32
    %c0_i32_0 = arith.constant 0 : i32
    return %arg0, %c0_i32 : i32, i32
  }
  func.func @transform_1(%arg0: i32) -> (i32, i32) {
    %add3A = arith.constant 10 : i32
    %add3A_0 = arith.addi %arg0, %add3A : i32
    %c0_i32 = arith.constant 0 : i32
    %c0_i32_1 = arith.constant 0 : i32
    return %add3A_0, %c0_i32 : i32, i32
  }
  func.func @transform_2(%arg0: i32) -> (i32, i32) {
    %c0_i32 = arith.constant 0 : i32
    %c0_i32_0 = arith.constant 0 : i32
    return %arg0, %c0_i32 : i32, i32
  }
  func.func @transform_3(%arg0: i32) -> (i32, i32) {
    %c0_i32 = arith.constant 0 : i32
    %c0_i32_0 = arith.constant 0 : i32
    return %arg0, %c0_i32 : i32, i32
  }
  func.func @transform_4(%arg0: i32) -> (i32, i32) {
    %c0_i32 = arith.constant 0 : i32
    %c0_i32_0 = arith.constant 0 : i32
    return %arg0, %c0_i32 : i32, i32
  }
}

module attributes {stable_mosaic.version = 14 : i64} {
  func.func @_k3_body(%arg0: i32, %arg1: memref<128x128xf32, #tpu.memory_space<vmem>>, %arg2: memref<128x128xf32, #tpu.memory_space<vmem>>, %arg3: memref<128x128xf32, #tpu.memory_space<vmem>>, %arg4: memref<128x128xf32, #tpu.memory_space<vmem>>, %arg5: memref<1x128xf32, #tpu.memory_space<vmem>>, %arg6: memref<128x128xf32, #tpu.memory_space<vmem>>) attributes {dimension_semantics = [#tpu.dimension_semantics<arbitrary>], iteration_bounds = array<i64: 10>, scalar_prefetch = 0 : i64, scratch_operands = 0 : i64, tpu.core_type = #tpu.core_type<tc>, window_params = [{transform_indices = @transform_0, window_bounds = array<i64: 128, 128>}, {transform_indices = @transform_1, window_bounds = array<i64: 128, 128>}, {transform_indices = @transform_2, window_bounds = array<i64: 128, 128>}, {transform_indices = @transform_3, window_bounds = array<i64: 128, 128>}, {pipeline_mode = #tpu.pipeline_mode<synchronous>, transform_indices = @transform_4, window_bounds = array<i64: 1, 128>}, {transform_indices = @transform_5, window_bounds = array<i64: 128, 128>}]} {
    %get3A = arith.constant 0 : index
    %get3A_0 = arith.constant 0 : index
    %get3A_1 = vector.load %arg4[%get3A, %get3A_0] : memref<128x128xf32, #tpu.memory_space<vmem>>, vector<128x128xf32>
    %get3A_2 = arith.constant 0 : index
    %get3A_3 = arith.constant 0 : index
    %get3A_4 = vector.load %arg1[%get3A_2, %get3A_3] : memref<128x128xf32, #tpu.memory_space<vmem>>, vector<128x128xf32>
    %get3A_5 = arith.constant 0 : index
    %get3A_6 = arith.constant 0 : index
    %get3A_7 = vector.load %arg2[%get3A_5, %get3A_6] : memref<128x128xf32, #tpu.memory_space<vmem>>, vector<128x128xf32>
    %add3A = arith.addf %get3A_4, %get3A_7 : vector<128x128xf32>
    %get3A_8 = arith.constant 0 : index
    %get3A_9 = arith.constant 0 : index
    %get3A_10 = vector.load %arg3[%get3A_8, %get3A_9] : memref<128x128xf32, #tpu.memory_space<vmem>>, vector<128x128xf32>
    %add3A_11 = arith.addf %add3A, %get3A_10 : vector<128x128xf32>
    %mul3A = arith.mulf %get3A_1, %add3A_11 : vector<128x128xf32>
    %get3A_12 = arith.constant 0 : index
    %get3A_13 = arith.constant 0 : index
    %get3A_14 = vector.load %arg5[%get3A_12, %get3A_13] : memref<1x128xf32, #tpu.memory_space<vmem>>, vector<1x128xf32>
    %add3A_15 = vector.broadcast %get3A_14 : vector<1x128xf32> to vector<128x128xf32>
    %add3A_16 = arith.addf %mul3A, %add3A_15 : vector<128x128xf32>
    %logistic3A = arith.negf %add3A_16 : vector<128x128xf32>
    %logistic3A_17 = math.exp %logistic3A : vector<128x128xf32>
    %logistic3A_18 = arith.constant 1.000000e+00 : f32
    %logistic3A_19 = vector.broadcast %logistic3A_18 : f32 to vector<128x128xf32>
    %logistic3A_20 = arith.addf %logistic3A_19, %logistic3A_17 : vector<128x128xf32>
    %logistic3A_21 = arith.divf %logistic3A_19, %logistic3A_20 : vector<128x128xf32>
    %swap3A = arith.constant 0 : index
    %swap3A_22 = arith.constant 0 : index
    %swap3A_23 = vector.load %arg6[%swap3A, %swap3A_22] : memref<128x128xf32, #tpu.memory_space<vmem>>, vector<128x128xf32>
    tpu.vector_store %arg6[%swap3A, %swap3A_22], %logistic3A_21 {strides = array<i32>} : memref<128x128xf32, #tpu.memory_space<vmem>>, vector<128x128xf32>,
    return
  }
  func.func @transform_0(%arg0: i32) -> (i32, i32) {
    %c0_i32 = arith.constant 0 : i32
    %c0_i32_0 = arith.constant 0 : i32
    return %arg0, %c0_i32 : i32, i32
  }
  func.func @transform_1(%arg0: i32) -> (i32, i32) {
    %add3A = arith.constant 10 : i32
    %add3A_0 = arith.addi %arg0, %add3A : i32
    %c0_i32 = arith.constant 0 : i32
    %c0_i32_1 = arith.constant 0 : i32
    return %add3A_0, %c0_i32 : i32, i32
  }
  func.func @transform_2(%arg0: i32) -> (i32, i32) {
    %c0_i32 = arith.constant 0 : i32
    %c0_i32_0 = arith.constant 0 : i32
    return %arg0, %c0_i32 : i32, i32
  }
  func.func @transform_3(%arg0: i32) -> (i32, i32) {
    %c0_i32 = arith.constant 0 : i32
    %c0_i32_0 = arith.constant 0 : i32
    return %arg0, %c0_i32 : i32, i32
  }
  func.func @transform_4(%arg0: i32) -> (i32, i32) {
    %c0_i32 = arith.constant 0 : i32
    %c0_i32_0 = arith.constant 0 : i32
    %c0_i32_1 = arith.constant 0 : i32
    return %c0_i32, %c0_i32_0 : i32, i32
  }
  func.func @transform_5(%arg0: i32) -> (i32, i32) {
    %c0_i32 = arith.constant 0 : i32
    %c0_i32_0 = arith.constant 0 : i32
    return %arg0, %c0_i32 : i32, i32
  }
}

</mosaic_0001>

<sc_bundles>
// kernel: kernel.12.cloned.1.call-start
scs
__scs_entry_jumppad:
0x0: {  	(pc) =	sbr.rel $0x88, $3  }
0x1: {  	(tag) =	ssettag $0x0;
	lr =	simm.s32 $0x1  }
0x2: {  	[smem:$0x3F9B] =	sst lr;
	_ =	strace $0xD0000000  }
0x3: {  	_ = 	snop  }
0x4: {  	_ = 	snop  }
0x5: {  	_ = 	snop  }
0x6: {  	_ = 	snop  }
0x7: {  	_ = 	snop  }
__scs_overlays_trampoline_lowered:
0x8: {  	[smem:$0x3FAA] =	sst s0  }
0x9: {  	[smem:$0x3FAB] =	sst s1  }
0xa: {  	[smem:$0x3FAC] =	sst s2  }
0xb: {  	[smem:$0x3FAD] =	sst s3  }
0xc: {  	[smem:$0x3FAE] =	sst s4  }
0xd: {  	[smem:$0x3FAF] =	sst s5  }
0xe: {  	[smem:$0x3FB0] =	sst s6  }
0xf: {  	[smem:$0x3FB1] =	sst s7  }
0x10: {  	[smem:$0x3FB2] =	sst s8  }
0x11: {  	[smem:$0x3FB3] =	sst s9;
	s0 =	simm.s32 @!p0 $0x0  }
0x12: {  	s1 =	sld [smem:$0x3F99];
	s0 =	simm.s32 @p0 $0x1  }
0x13: {  	[smem:$0x3FB4] =	sst s0;
	s0 =	simm.s32 @!p1 $0x0  }
0x14: {  	s2 =	sld [smem:$0x3F98];
	s0 =	simm.s32 @p1 $0x1  }
0x15: {  	[smem:$0x3FB5] =	sst s0;
	s0 =	simm.s32 @!p2 $0x0  }
0x16: {  	s3 =	sld [smem:$0x3FDB];
	s0 =	simm.s32 @p2 $0x1  }
0x17: {  	s4 =	simm.s32 $0x1BF5;
	[smem:$0x3FB7] =	sst s0  }
0x18: {  	s0 =	sld [smem:$0x3F9A];
	_ =	swait.ge [sflag:s4], $0x0  }
0x19: {  	s7 =	sld [smem:$0x3F9B]  }
0x1a: {  	s8 =	sadd.s32 $0xFFFFE003, lr  }
0x1b: {  	s9 =	sadd.s32 $0xFFFFFEF7, lr;
	s5 =	simm.s32 $0xFFFFFFFF;
	p2 =	slt.u32 s8, $0xFFFFF086  }
0x1c: {  	p1 =	slt.u32 s9, $0xF7A;
	s5 =	simm.s32 @!p2 $0x0  }
0x1d: {  	s5 =	simm.s32 @p1 $0x1;
	p0 =	seq.s32 s7, s2  }
0x1e: {  	s7 =	smul.u32 @!p0 $0xF7A, s2;
	p2 =	seq.s32 @!p0 s5, $0x0  }
0x1f: {  	s9 =	smul.u32 $0xF7A, s1;
	s8 =	simm.s32 @!p0 $0x1BF5;
	p2 =	por !p2, p0  }
0x20: {  	[sflag:s8] =	ssyncset.s32 @!p0 $0xFFFFF086;
	s6 =	sadd.s32 @!p0 s3, s7;
	s7 =	simm.s32 @!p0 $0x108  }
0x21: {  	s3 =	sadd.s32 s3, s9;
	s6 =	sadd.s32 @!p0 $0x88, s6;
	s7 =	simm.s32 @p2 $0x1082  }
0x22: {  	[simem:s7], [sflag:s8] =	dma.local @!p0 [hbm:s6], $0xF7A  }
0x23: {  	s9 =	sor.u32 $0xD0000000, s2;
	s6 =	simm.s32 $0x108;
	_ =	swait.ge @!p0 [sflag:s8], $0x0  }
0x24: {  	s3 =	sadd.s32 $0x88, s3;
	s6 =	simm.s32 @!p1 $0x1082;
	[sflag:s4] =	ssyncset.s32 $0xFFFFF086  }
0x25: {  	[simem:s6], [sflag:s4] =	dma.local [hbm:s3], $0xF7A  }
0x26: {  	[smem:$0x3F9B] =	sst s1;
	(tag) =	ssettag s2;
	_ =	strace s9  }
0x27: {  	s1 =	sld [smem:$0x3FAB]  }
0x28: {  	s2 =	sld [smem:$0x3FAC]  }
0x29: {  	s4 =	sld [smem:$0x3FAE]  }
0x2a: {  	p0 =	seq.s32 s5, $0x0;
	s5 =	sld [smem:$0x3FAF]  }
0x2b: {  	s6 =	sld [smem:$0x3FB0]  }
0x2c: {  	s7 =	sld [smem:$0x3FB1]  }
0x2d: {  	s3 =	simm.s32 $0x108;
	s8 =	sld [smem:$0x3FB2]  }
0x2e: {  	s3 =	simm.s32 @!p0 $0x1082;
	s9 =	sld [smem:$0x3FB3]  }
0x2f: {  	lr =	sadd.s32 s0, s3;
	s0 =	sld [smem:$0x3FAA]  }
0x30: {  	s3 =	sld [smem:$0x3FAD]  }
0x31: {  	[smem:$0x3FB6] =	sst s10  }
0x32: {  	s10 =	sld [smem:$0x3FB4];
	_ =	sdelay $0x3  }
0x33: {  	p0 =	seq.s32 s10, $0x1;
	s10 =	sld [smem:$0x3FB6];
	_ =	sdelay $0x3  }
0x34: {  	[smem:$0x3FB6] =	sst s10  }
0x35: {  	s10 =	sld [smem:$0x3FB5];
	_ =	sdelay $0x3  }
0x36: {  	p1 =	seq.s32 s10, $0x1;
	s10 =	sld [smem:$0x3FB6];
	_ =	sdelay $0x3  }
0x37: {  	[smem:$0x3FB6] =	sst s10  }
0x38: {  	s10 =	sld [smem:$0x3FB7]  }
0x39: {  	_ = 	snop;
	(pc) =	sbr.ind lr, $3  }
0x3a: {  	_ = 	snop  }
0x3b: {  	_ = 	snop  }
0x3c: {  	p2 =	seq.s32 s10, $0x1;
	s10 =	sld [smem:$0x3FB6]  }
0x3d: {  	_ =	shalt  }
0x3e: {  	_ =	shalt  }
0x3f: {  	_ =	shalt  }
0x40: {  	_ =	shalt  }
0x41: {  	_ =	shalt  }
0x42: {  	_ =	shalt  }
0x43: {  	_ =	shalt  }
0x44: {  	_ =	shalt  }
0x45: {  	_ =	shalt  }
0x46: {  	_ =	shalt  }
0x47: {  	_ =	shalt  }
0x48: {  	_ =	shalt  }
0x49: {  	_ =	shalt  }
0x4a: {  	_ =	shalt  }
0x4b: {  	_ =	shalt  }
0x4c: {  	_ =	shalt  }
0x4d: {  	_ =	shalt  }
0x4e: {  	_ =	shalt  }
0x4f: {  	_ =	shalt  }
0x50: {  	_ =	shalt  }
0x51: {  	_ =	shalt  }
0x52: {  	_ =	shalt  }
0x53: {  	_ =	shalt  }
0x54: {  	_ =	shalt  }
0x55: {  	_ =	shalt  }
0x56: {  	_ =	shalt  }
0x57: {  	_ =	shalt  }
0x58: {  	_ =	shalt  }
0x59: {  	_ =	shalt  }
0x5a: {  	_ =	shalt  }
0x5b: {  	_ =	shalt  }
0x5c: {  	_ =	shalt  }
0x5d: {  	_ =	shalt  }
0x5e: {  	_ =	shalt  }
0x5f: {  	_ =	shalt  }
0x60: {  	_ =	shalt  }
0x61: {  	_ =	shalt  }
0x62: {  	_ =	shalt  }
0x63: {  	_ =	shalt  }
0x64: {  	_ =	shalt  }
0x65: {  	_ =	shalt  }
0x66: {  	_ =	shalt  }
0x67: {  	_ =	shalt  }
0x68: {  	_ =	shalt  }
0x69: {  	_ =	shalt  }
0x6a: {  	_ =	shalt  }
0x6b: {  	_ =	shalt  }
0x6c: {  	_ =	shalt  }
0x6d: {  	_ =	shalt  }
0x6e: {  	_ =	shalt  }
0x6f: {  	_ =	shalt  }
0x70: {  	_ =	shalt  }
0x71: {  	_ =	shalt  }
0x72: {  	_ =	shalt  }
0x73: {  	_ =	shalt  }
0x74: {  	_ =	shalt  }
0x75: {  	_ =	shalt  }
0x76: {  	_ =	shalt  }
0x77: {  	_ =	shalt  }
0x78: {  	_ =	shalt  }
0x79: {  	_ =	shalt  }
0x7a: {  	_ =	shalt  }
0x7b: {  	_ =	shalt  }
0x7c: {  	_ =	shalt  }
0x7d: {  	_ =	shalt  }
0x7e: {  	_ =	shalt  }
0x7f: {  	_ =	shalt  }
0x80: {  	_ =	shalt  }
0x81: {  	_ =	shalt  }
0x82: {  	_ =	shalt  }
0x83: {  	_ =	shalt  }
0x84: {  	_ =	shalt  }
0x85: {  	_ =	shalt  }
0x86: {  	_ =	shalt  }
0x87: {  	_ =	shalt  }
.Lfunc_end0:
.L_simem_size_0:
called_computation.1_lowered:
.L_overlay_start_0:
0x88: {  	s2 =	sld [smem:$0x3FD9]  }
0x89: {  	s3 =	sld [smem:$0x3FFE];
	_ =	sdelay $0x1  }
0x8a: {  	s1 =	srdreg.scid  }
0x8b: {  	s0 =	sand.u32 $0x1, s1  }
0x8c: {  	s17 =	sshll.u32 s0, $0xA;
	s2 =	sadd.s32 s3, s2  }
0x8d: {  	s2 =	sadd.s32 s2, s17  }
0x8e: {  	[smem:$0x3FC2] =	sst s2  }
0x8f: {  	_ = 	snop  }
0x90: {  	s2 =	sld [smem:$0x3FD0];
	(tm) =	ssettm $0x1  }
0x91: {  	s18 =	sld [smem:$0x3FFB];
	_ =	sdelay $0x3  }
0x92: {  	_ =	strace s18  }
0x93: {  	s3 =	sld [smem:$0x3FFC];
	_ =	sdelay $0x3  }
0x94: {  	_ =	strace s3  }
0x95: {  	s3 =	sld [smem:$0x3FFD];
	_ =	sdelay $0x3  }
0x96: {  	_ =	strace s3  }
0x97: {  	_ =	strace $0x8FFFFFFF  }
0x98: {  	s19 =	sld [smem:$0x3FDB];
	_ =	sdelay $0x1  }
0x99: {  	s4 =	simm.s32 $_scs_section_size  }
0x9a: {  	s5 =	simm.s32 $_size__tile_overlayer_lowered;
	s6 =	simm.s32 $_tile_overlayer_lowered  }
0x9b: {  	s22 =	simm.s32 $0x1BFF;
	s21 =	sshll.u32 s6, $0x1;
	s3 =	sadd.s32 s4, s19  }
0x9c: {  	s7 =	simm.s32 $0x0;
	s20 =	sshll.u32 s5, $0x1;
	s5 =	sadd.s32 s21, s3  }
0x9d: {  	[timem:s7], [sflag:s22] =	dma.local [hbm:s5], s20  }
0x9e: {  	_ =	swait.ge [sflag:s22], s20  }
0x9f: {  	s4 =	ssub.s32 $0x0, s20;
	[sflag:s22] =	ssyncset.done $0x0  }
0xa0: {  	[sflag:s22] =	ssyncadd.s32 s4;
	_ =	sdelay $0x1  }
0xa1: {  	s23 =	simm.s32 $0x1B8B  }
0xa2: {  	_ =	swait.ge [sflag:s23], $0x1  }
0xa3: {  	[sflag:s23] =	ssyncset.done $0x0  }
0xa4: {  	s25 =	simm.s32 $0x1B8E;
	s24 =	sld [smem:$0x3FFE];
	[sflag:s23] =	ssyncadd.s32 $0xFFFFFFFF  }
0xa5: {  	s26 =	simm.s32 $execute0_lowered;
	[smem:$0x3FD2] =	sst s25  }
0xa6: {  	s5 =	sshll.u32 s26, $0x1;
	_ =	strace $0x80000049;
	[dreg:$0x1] =	wrdreg $0xFFFFFFFF  }
0xa7: {  	s28 =	simm.s32 $_size_execute0_lowered;
	s3 =	sadd.s32 s3, s5;
	[dreg:$0x0] =	wrdreg $0x0  }
0xa8: {  	s5 =	sshll.u32 s28, $0x1;
	[dreg:$0x2] =	wrdreg s3  }
0xa9: {  	[dreg:$0x3] =	wrdreg s5  }
0xaa: {  	[dreg:$0x4] =	wrdreg $0xC0  }
0xab: {  	_ =	task [dreg:s7], $0x5FFFF  }
0xac: {  	[dreg:$0x1] =	wrdreg $0xFFFFFFFF  }
0xad: {  	[dreg:$0x0] =	wrdreg $0x60  }
0xae: {  	[dreg:$0x2] =	wrdreg s24  }
0xaf: {  	[dreg:$0x3] =	wrdreg s2  }
0xb0: {  	[dreg:$0x4] =	wrdreg $0x120000  }
0xb1: {  	[dreg:$0x5] =	wrdreg $0x9  }
0xb2: {  	_ =	task.clear_ibuf [dreg:s7], $0x6FFFF;
	_ =	strace $0x90000049  }
0xb3: {  	s29 =	simm.s32 $0x9;
	_ =	strace $0x8000004B  }
0xb4: {  	_ =	swait.ge [sflag:s29], $0x1  }
0xb5: {  	[sflag:s29] =	ssyncadd.s32 $0xFFFFFFFF  }
0xb6: {  	_ =	strace $0x9000004B  }
0xb7: {  	_ =	sfence  }
0xb8: {  	s30 =	sld [smem:$0x0];
	_ =	sdelay $0x2  }
0xb9: {  	s31 =	sshll.u32 s1, $0xD;
	s1 =	sshrl.u32 s1, $0x2  }
0xba: {  	s3 =	sand.u32 $0x4000, s31;
	s1 =	sadd.s32 s1, s30  }
0xbb: {  	s0 =	sor.u32 s3, s0;
	s1 =	sshll.u32 s1, $0x11  }
0xbc: {  	s0 =	sor.u32 s1, s0  }
0xbd: {  	s0 =	sadd.s32 $0x8F2B, s0  }
0xbe: {  	[sflag:s0] =	ssyncadd.remote.s32 $0x1  }
0xbf: {  	_ =	sfence.sel $0xFFFF  }
0xc0: {  	[dreg:$0x0] =	wrdreg $0xFFFFFFFF;
	(pc) =	sbr.abs _section_cstart, $3  }
0xc1: {  	[dreg:$0x1] =	wrdreg $0xFFFFFFFF  }
0xc2: {  	_ =	task.clear_ibuf [dreg:s7], $0x2FFFF;
	_ =	strace $0x9FFFFFFF  }
0xc3: {  	(tm) =	ssettm $0x7FFFFFFF  }
tec
execute0_lowered:
.L_overlay_start_1:
0x0: {  	(tag) =	ssettag $0x1  }
0x1: {  	s0 =	rddreg [dreg:$0x0];
	s1 =	srdreg.scid  }
0x2: {  	s3 =	rddreg [dreg:$0x2];
	s10 =	stileid.u32  }
0x3: {  	s4 =	simm.s32 $0x0;
	s28 =	simm.s32 $0xC000;
	s6 =	smul.u32 $0xA00, s10  }
0x4: {  	s30 =	simm.s32 $0xE000;
	s31 =	simm.s32 $0x3;
	s9 =	smul.u32 $0x28000, s10  }
0x5: {  	s29 =	simm.s32 $0x4;
	s1 =	sand.u32 $0x1, s1;
	s26 =	smul.u32 $0x280, s10  }
0x6: {  	[smem:$0x7FF] =	sst s4;
	s5 =	sadd.s32 $0x3F000, s0;
	s10 =	smul.u32 $0x2800, s10  }
0x7: {  	s2 =	smul.u32 $0xA000, s1;
	_ =	strace $0x8000004A;
	s7 =	ssub.s32 $0x2, s1  }
0x8: {  	s1 =	sshll.u32 s1, $0x3;
	s8 =	sshrl.u32 s7, $0x1;
	s25 =	sshrl.u32 s9, $0x2  }
0x9: {  	s13 =	sadd.s32 $0x80, s26;
	s19 =	sadd.s32 $0x100, s26;
	s21 =	sadd.s32 $0x180, s26  }
0xa: {  	s2 =	sadd.s32 s6, s2;
	s6 =	sadd.s32 s6, s0;
	s23 =	ssub.s32 s7, s8  }
0xb: {  	s8 =	sadd.s32 s25, s3;
	s17 =	sshll.u32 s13, $0x6;
	s18 =	sshll.u32 s13, $0x4  }
0xc: {  	s20 =	sshll.u32 s19, $0x6;
	s22 =	sshll.u32 s19, $0x4;
	s25 =	sshll.u32 s21, $0x4  }
0xd: {  	s7 =	simm.s32 $0x0;
	s2 =	sadd.s32 s2, s0;
	s24 =	sadd.s32 $0x35000, s6  }
0xe: {  	s0 =	sadd.s32 s1, s0;
	s1 =	smax.u32 s23, $0x1;
	[dreg:$0x5] =	wrdreg s24  }
0xf: {  	s9 =	sadd.s32 $0x2000, s8;
	s11 =	sadd.s32 $0x4000, s8;
	[dreg:$0x6] =	wrdreg s1  }
0x10: {  	s12 =	sadd.s32 $0x6000, s8;
	s16 =	sadd.s32 $0x8000, s8;
	[dreg:$0x7] =	wrdreg s9  }
0x11: {  	s15 =	sadd.s32 s17, s3;
	s17 =	sadd.s32 s20, s3;
	[dreg:$0x8] =	wrdreg s11  }
0x12: {  	s23 =	sshll.u32 s21, $0x6;
	s6 =	simm.s32 $0x40;
	[dreg:$0x9] =	wrdreg s12  }
0x13: {  	s2 =	sadd.s32 $0x21000, s2;
	s0 =	sadd.s32 $0x67000, s0;
	[dreg:$0xa] =	wrdreg s16  }
0x14: {  	s19 =	sadd.s32 s23, s3;
	s24 =	sadd.s32 $0x200, s26;
	s23 =	simm.s32 $0x5  }
0x15: {  	[dreg:$0x4] =	wrdreg s2;
	s14 =	sadd.s32 s10, s0;
	s16 =	sadd.s32 s18, s0  }
0x16: {  	s18 =	sadd.s32 s22, s0;
	s26 =	sshll.u32 s24, $0x6;
	s1 =	sshll.u32 s24, $0x4  }
0x17: {  	s20 =	sadd.s32 s25, s0;
	s24 =	simm.s32 $0x5000;
	s25 =	simm.s32 $0xA000  }
0x18: {  	s2 =	simm.s32 $0x2;
	s21 =	sadd.s32 s26, s3;
	s22 =	sadd.s32 s1, s0  }
0x19: {  	s26 =	simm.s32 $0x80;
	s0 =	simm.s32 $0x10000;
	s1 =	simm.s32 $0x1  }
.LBB2_1:
0x1a: {  	s9 =	rddreg [dreg:$0x4]  }
0x1b: {  	[tilespmem:s4], [sflag:$0x5] =	stream.linear.gather [hbm4b:s9+s4], $0x5000, $0x38;
	[tilespmem:$0x1C000] =	vst v63  }
0x1c: {  	_ =	swait.ge [sflag:s23], $0x5000  }
0x1d: {  	[sflag:s23] =	ssyncset.done $0x0  }
0x1e: {  	s13 =	rddreg [dreg:$0x5];
	[sflag:s23] =	ssyncadd.s32 $0xFFFFB000  }
0x1f: {  	[tilespmem:s24], [sflag:$0x5] =	stream.linear.gather [hbm4b:s13+s4], $0x5000, $0x38;
	[tilespmem:$0x1C000] =	vst v63  }
0x20: {  	_ =	swait.ge [sflag:s23], $0x5000  }
0x21: {  	[sflag:s23] =	ssyncset.done $0x0  }
0x22: {  	[sflag:s23] =	ssyncadd.s32 $0xFFFFB000  }
0x23: {  	s10 =	rddreg [dreg:$0x1]  }
0x24: {  	[tilespmem:s25], [sflag:$0x5] =	stream.linear.gather [hbm4b:s10+s4], $0x2000, $0x38;
	[tilespmem:$0x1C000] =	vst v63  }
0x25: {  	_ =	swait.ge [sflag:s23], $0x2000  }
0x26: {  	[sflag:s23] =	ssyncset.done $0x0  }
0x27: {  	[sflag:s23] =	ssyncadd.s32 $0xFFFFE000  }
0x28: {  	[spmem:s8] =	stream.linear.scatter [tilespmem:s25], [sflag:$0x5], $0x2000, $0x38;
	[tilespmem:$0x1C000] =	vst v63  }
0x29: {  	_ =	swait.ge [sflag:s23], $0x2000  }
0x2a: {  	[sflag:s23] =	ssyncset.done $0x0  }
0x2b: {  	s11 =	rddreg [dreg:$0x7];
	[sflag:s23] =	ssyncadd.s32 $0xFFFFE000  }
0x2c: {  	[spmem:s11] =	stream.linear.scatter [tilespmem:s25], [sflag:$0x5], $0x2000, $0x38;
	[tilespmem:$0x1C000] =	vst v63  }
0x2d: {  	_ =	swait.ge [sflag:s23], $0x2000  }
0x2e: {  	[sflag:s23] =	ssyncset.done $0x0  }
0x2f: {  	s12 =	rddreg [dreg:$0x8];
	[sflag:s23] =	ssyncadd.s32 $0xFFFFE000  }
0x30: {  	[spmem:s12] =	stream.linear.scatter [tilespmem:s25], [sflag:$0x5], $0x2000, $0x38;
	[tilespmem:$0x1C000] =	vst v63  }
0x31: {  	_ =	swait.ge [sflag:s23], $0x2000  }
0x32: {  	[sflag:s23] =	ssyncset.done $0x0  }
0x33: {  	s13 =	rddreg [dreg:$0x9];
	[sflag:s23] =	ssyncadd.s32 $0xFFFFE000  }
0x34: {  	[spmem:s13] =	stream.linear.scatter [tilespmem:s25], [sflag:$0x5], $0x2000, $0x38;
	[tilespmem:$0x1C000] =	vst v63  }
0x35: {  	_ =	swait.ge [sflag:s23], $0x2000  }
0x36: {  	[sflag:s23] =	ssyncset.done $0x0  }
0x37: {  	s10 =	rddreg [dreg:$0xa];
	[sflag:s23] =	ssyncadd.s32 $0xFFFFE000  }
0x38: {  	[spmem:s10] =	stream.linear.scatter [tilespmem:s25], [sflag:$0x5], $0x2000, $0x38;
	[tilespmem:$0x1C000] =	vst v63  }
0x39: {  	_ =	swait.ge [sflag:s23], $0x2000  }
0x3a: {  	[sflag:s23] =	ssyncset.done $0x0  }
0x3b: {  	[sflag:s23] =	ssyncadd.s32 $0xFFFFE000  }
0x3c: {  	[bflag:$0x0] =	sbarrier.arrive $0xFFFF  }
0x3d: {  	[tilespmem:s25], [sflag:$0x1] =	stream.indirect.gather [hbm4b:s5+s26], $0x40, s4, s26, $0xb8;
	[tilespmem:$0x1C000] =	vst v63  }
0x3e: {  	_ = 	snop  }
0x3f: {  	[tilespmem:s28], [sflag:$0x2] =	stream.indirect.gather [hbm4b:s5+s26], $0x40, s26, s26, $0xb8;
	[tilespmem:$0x1C000] =	vst v63  }
0x40: {  	s11 =	simm.s32 $0x100  }
0x41: {  	[tilespmem:s30], [sflag:$0x3] =	stream.indirect.gather [hbm4b:s5+s26], $0x40, s11, s26, $0xb8;
	[tilespmem:$0x1C000] =	vst v63  }
0x42: {  	s12 =	simm.s32 $0x180  }
0x43: {  	[tilespmem:s0], [sflag:$0x4] =	stream.indirect.gather [hbm4b:s5+s26], $0x40, s12, s26, $0xb8;
	[tilespmem:$0x1C000] =	vst v63  }
0x44: {  	_ =	swait.ge [sflag:s1], $0x2000  }
0x45: {  	[sflag:s1] =	ssyncset.done $0x0  }
0x46: {  	[sflag:s1] =	ssyncadd.s32 $0xFFFFE000  }
0x47: {  	[spmem:s3] =	stream.indirect.scatter.add.f32 [tilespmem:s25], [sflag:$0x5], $0x40, s24, s26, $0xb8;
	[tilespmem:$0x1C000] =	vst v63  }
0x48: {  	_ =	swait.ge [sflag:s23], $0x2000  }
0x49: {  	[sflag:s23] =	ssyncset.done $0x0  }
0x4a: {  	[sflag:s23] =	ssyncadd.s32 $0xFFFFE000  }
0x4b: {  	_ =	swait.ge [sflag:s2], $0x2000  }
0x4c: {  	[sflag:s2] =	ssyncset.done $0x0  }
0x4d: {  	s13 =	simm.s32 $0x5080;
	[sflag:s2] =	ssyncadd.s32 $0xFFFFE000  }
0x4e: {  	[spmem:s3] =	stream.indirect.scatter.add.f32 [tilespmem:s28], [sflag:$0x5], $0x40, s13, s26, $0xb8;
	[tilespmem:$0x1C000] =	vst v63  }
0x4f: {  	_ =	swait.ge [sflag:s23], $0x2000  }
0x50: {  	[sflag:s23] =	ssyncset.done $0x0  }
0x51: {  	s10 =	simm.s32 $0x200;
	[sflag:s23] =	ssyncadd.s32 $0xFFFFE000  }
0x52: {  	[tilespmem:s25], [sflag:$0x1] =	stream.indirect.gather [hbm4b:s5+s26], $0x40, s10, s26, $0xb8;
	[tilespmem:$0x1C000] =	vst v63  }
0x53: {  	_ =	swait.ge [sflag:s31], $0x2000  }
0x54: {  	[sflag:s31] =	ssyncset.done $0x0  }
0x55: {  	s11 =	simm.s32 $0x5100;
	[sflag:s31] =	ssyncadd.s32 $0xFFFFE000  }
0x56: {  	[spmem:s3] =	stream.indirect.scatter.add.f32 [tilespmem:s30], [sflag:$0x5], $0x40, s11, s26, $0xb8;
	[tilespmem:$0x1C000] =	vst v63  }
0x57: {  	_ =	swait.ge [sflag:s23], $0x2000  }
0x58: {  	[sflag:s23] =	ssyncset.done $0x0  }
0x59: {  	s12 =	simm.s32 $0x280;
	[sflag:s23] =	ssyncadd.s32 $0xFFFFE000  }
0x5a: {  	[tilespmem:s28], [sflag:$0x2] =	stream.indirect.gather [hbm4b:s5+s26], $0x40, s12, s26, $0xb8;
	[tilespmem:$0x1C000] =	vst v63  }
0x5b: {  	_ =	swait.ge [sflag:s29], $0x2000  }
0x5c: {  	[sflag:s29] =	ssyncset.done $0x0  }
0x5d: {  	s13 =	simm.s32 $0x5180;
	[sflag:s29] =	ssyncadd.s32 $0xFFFFE000  }
0x5e: {  	[spmem:s3] =	stream.indirect.scatter.add.f32 [tilespmem:s0], [sflag:$0x5], $0x40, s13, s26, $0xb8;
	[tilespmem:$0x1C000] =	vst v63  }
0x5f: {  	_ =	swait.ge [sflag:s23], $0x2000  }
0x60: {  	[sflag:s23] =	ssyncset.done $0x0  }
0x61: {  	s10 =	simm.s32 $0x300;
	[sflag:s23] =	ssyncadd.s32 $0xFFFFE000  }
0x62: {  	[tilespmem:s30], [sflag:$0x3] =	stream.indirect.gather [hbm4b:s5+s26], $0x40, s10, s26, $0xb8;
	[tilespmem:$0x1C000] =	vst v63  }
0x63: {  	_ =	swait.ge [sflag:s1], $0x2000  }
0x64: {  	[sflag:s1] =	ssyncset.done $0x0  }
0x65: {  	s11 =	simm.s32 $0x5200;
	[sflag:s1] =	ssyncadd.s32 $0xFFFFE000  }
0x66: {  	[spmem:s3] =	stream.indirect.scatter.add.f32 [tilespmem:s25], [sflag:$0x5], $0x40, s11, s26, $0xb8;
	[tilespmem:$0x1C000] =	vst v63  }
0x67: {  	_ =	swait.ge [sflag:s23], $0x2000  }
0x68: {  	[sflag:s23] =	ssyncset.done $0x0  }
0x69: {  	s12 =	simm.s32 $0x380;
	[sflag:s23] =	ssyncadd.s32 $0xFFFFE000  }
0x6a: {  	[tilespmem:s0], [sflag:$0x4] =	stream.indirect.gather [hbm4b:s5+s26], $0x40, s12, s26, $0xb8;
	[tilespmem:$0x1C000] =	vst v63  }
0x6b: {  	_ =	swait.ge [sflag:s2], $0x2000  }
0x6c: {  	[sflag:s2] =	ssyncset.done $0x0  }
0x6d: {  	s13 =	simm.s32 $0x5280;
	[sflag:s2] =	ssyncadd.s32 $0xFFFFE000  }
0x6e: {  	[spmem:s3] =	stream.indirect.scatter.add.f32 [tilespmem:s28], [sflag:$0x5], $0x40, s13, s26, $0xb8;
	[tilespmem:$0x1C000] =	vst v63  }
0x6f: {  	_ =	swait.ge [sflag:s23], $0x2000  }
0x70: {  	s9 =	simm.s32 $0x200;
	s10 =	simm.s32 $0x1000;
	[sflag:s23] =	ssyncset.done $0x0  }
.LBB2_2:
0x71: {  	s13 =	sadd.s32 $0x200, s9  }
0x72: {  	[sflag:s23] =	ssyncadd.s32 $0xFFFFE000;
	s11 =	smov.u32 s10;
	s12 =	sadd.s32 $0x800, s10  }
0x73: {  	[tilespmem:s25], [sflag:$0x1] =	stream.indirect.gather [hbm4b:s5+s26], $0x40, s13, s26, $0xb8;
	[tilespmem:$0x1C000] =	vst v63  }
0x74: {  	p0 =	sne.s32 s10, $0x13000;
	_ =	swait.ge [sflag:s31], $0x2000  }
0x75: {  	[sflag:s31] =	ssyncset.done $0x0  }
0x76: {  	s10 =	sadd.s32 $0x5100, s9;
	[sflag:s31] =	ssyncadd.s32 $0xFFFFE000  }
0x77: {  	[spmem:s3] =	stream.indirect.scatter.add.f32 [tilespmem:s30], [sflag:$0x5], $0x40, s10, s26, $0xb8;
	[tilespmem:$0x1C000] =	vst v63  }
0x78: {  	_ =	swait.ge [sflag:s23], $0x2000  }
0x79: {  	[sflag:s23] =	ssyncset.done $0x0  }
0x7a: {  	s10 =	sadd.s32 $0x280, s9;
	[sflag:s23] =	ssyncadd.s32 $0xFFFFE000  }
0x7b: {  	[tilespmem:s28], [sflag:$0x2] =	stream.indirect.gather [hbm4b:s5+s26], $0x40, s10, s26, $0xb8;
	[tilespmem:$0x1C000] =	vst v63  }
0x7c: {  	_ =	swait.ge [sflag:s29], $0x2000  }
0x7d: {  	[sflag:s29] =	ssyncset.done $0x0  }
0x7e: {  	s10 =	sadd.s32 $0x5180, s9;
	[sflag:s29] =	ssyncadd.s32 $0xFFFFE000  }
0x7f: {  	[spmem:s3] =	stream.indirect.scatter.add.f32 [tilespmem:s0], [sflag:$0x5], $0x40, s10, s26, $0xb8;
	[tilespmem:$0x1C000] =	vst v63  }
0x80: {  	_ =	swait.ge [sflag:s23], $0x2000  }
0x81: {  	[sflag:s23] =	ssyncset.done $0x0  }
0x82: {  	s10 =	sadd.s32 $0x300, s9;
	[sflag:s23] =	ssyncadd.s32 $0xFFFFE000  }
0x83: {  	[tilespmem:s30], [sflag:$0x3] =	stream.indirect.gather [hbm4b:s5+s26], $0x40, s10, s26, $0xb8;
	[tilespmem:$0x1C000] =	vst v63  }
0x84: {  	_ =	swait.ge [sflag:s1], $0x2000  }
0x85: {  	[sflag:s1] =	ssyncset.done $0x0  }
0x86: {  	s10 =	sadd.s32 $0x5200, s9;
	[sflag:s1] =	ssyncadd.s32 $0xFFFFE000  }
0x87: {  	[spmem:s3] =	stream.indirect.scatter.add.f32 [tilespmem:s25], [sflag:$0x5], $0x40, s10, s26, $0xb8;
	[tilespmem:$0x1C000] =	vst v63  }
0x88: {  	_ =	swait.ge [sflag:s23], $0x2000  }
0x89: {  	[sflag:s23] =	ssyncset.done $0x0  }
0x8a: {  	s10 =	sadd.s32 $0x380, s9;
	[sflag:s23] =	ssyncadd.s32 $0xFFFFE000  }
0x8b: {  	[tilespmem:s0], [sflag:$0x4] =	stream.indirect.gather [hbm4b:s5+s26], $0x40, s10, s26, $0xb8;
	[tilespmem:$0x1C000] =	vst v63  }
0x8c: {  	_ =	swait.ge [sflag:s2], $0x2000  }
.Ltmp0:
0x8d: {  	[sflag:s2] =	ssyncset.done $0x0;
	(pc) =	sbr.rel @p0 .LBB2_2-.Ltmp0, $4  }
0x8e: {  	s9 =	sadd.s32 $0x5280, s9;
	[sflag:s2] =	ssyncadd.s32 $0xFFFFE000  }
0x8f: {  	[spmem:s3] =	stream.indirect.scatter.add.f32 [tilespmem:s28], [sflag:$0x5], $0x40, s9, s26, $0xb8;
	[tilespmem:$0x1C000] =	vst v63  }
0x90: {  	_ =	swait.ge [sflag:s23], $0x2000  }
0x91: {  	s10 =	smov.u32 s12;
	s9 =	sshra.s32 s11, $0x2;
	[sflag:s23] =	ssyncset.done $0x0  }
0x92: {  	s10 =	sadd.s32 $0x200, s9;
	[sflag:s23] =	ssyncadd.s32 $0xFFFFE000  }
0x93: {  	[tilespmem:s25], [sflag:$0x1] =	stream.indirect.gather [hbm4b:s5+s26], $0x40, s10, s26, $0xb8;
	[tilespmem:$0x1C000] =	vst v63  }
0x94: {  	_ =	swait.ge [sflag:s31], $0x2000  }
0x95: {  	[sflag:s31] =	ssyncset.done $0x0  }
0x96: {  	s11 =	sadd.s32 $0x5100, s9;
	[sflag:s31] =	ssyncadd.s32 $0xFFFFE000  }
0x97: {  	[spmem:s3] =	stream.indirect.scatter.add.f32 [tilespmem:s30], [sflag:$0x5], $0x40, s11, s26, $0xb8;
	[tilespmem:$0x1C000] =	vst v63  }
0x98: {  	_ =	swait.ge [sflag:s23], $0x2000  }
0x99: {  	[sflag:s23] =	ssyncset.done $0x0  }
0x9a: {  	s12 =	sadd.s32 $0x280, s9;
	[sflag:s23] =	ssyncadd.s32 $0xFFFFE000  }
0x9b: {  	[tilespmem:s28], [sflag:$0x2] =	stream.indirect.gather [hbm4b:s5+s26], $0x40, s12, s26, $0xb8;
	[tilespmem:$0x1C000] =	vst v63  }
0x9c: {  	_ =	swait.ge [sflag:s29], $0x2000  }
0x9d: {  	[sflag:s29] =	ssyncset.done $0x0  }
0x9e: {  	s13 =	sadd.s32 $0x5180, s9;
	[sflag:s29] =	ssyncadd.s32 $0xFFFFE000  }
0x9f: {  	[spmem:s3] =	stream.indirect.scatter.add.f32 [tilespmem:s0], [sflag:$0x5], $0x40, s13, s26, $0xb8;
	[tilespmem:$0x1C000] =	vst v63  }
0xa0: {  	_ =	swait.ge [sflag:s23], $0x2000  }
0xa1: {  	[sflag:s23] =	ssyncset.done $0x0  }
0xa2: {  	s11 =	sadd.s32 $0x300, s9;
	[sflag:s23] =	ssyncadd.s32 $0xFFFFE000  }
0xa3: {  	[tilespmem:s30], [sflag:$0x3] =	stream.indirect.gather [hbm4b:s5+s26], $0x40, s11, s26, $0xb8;
	[tilespmem:$0x1C000] =	vst v63  }
0xa4: {  	_ =	swait.ge [sflag:s1], $0x2000  }
0xa5: {  	[sflag:s1] =	ssyncset.done $0x0  }
0xa6: {  	s12 =	sadd.s32 $0x5200, s9;
	[sflag:s1] =	ssyncadd.s32 $0xFFFFE000  }
0xa7: {  	[spmem:s3] =	stream.indirect.scatter.add.f32 [tilespmem:s25], [sflag:$0x5], $0x40, s12, s26, $0xb8;
	[tilespmem:$0x1C000] =	vst v63  }
0xa8: {  	_ =	swait.ge [sflag:s23], $0x2000  }
0xa9: {  	[sflag:s23] =	ssyncset.done $0x0  }
0xaa: {  	s13 =	sadd.s32 $0x380, s9;
	[sflag:s23] =	ssyncadd.s32 $0xFFFFE000  }
0xab: {  	[tilespmem:s0], [sflag:$0x4] =	stream.indirect.gather [hbm4b:s5+s26], $0x40, s13, s26, $0xb8;
	[tilespmem:$0x1C000] =	vst v63  }
0xac: {  	_ =	swait.ge [sflag:s2], $0x2000  }
0xad: {  	[sflag:s2] =	ssyncset.done $0x0  }
0xae: {  	s10 =	sadd.s32 $0x5280, s9;
	[sflag:s2] =	ssyncadd.s32 $0xFFFFE000  }
0xaf: {  	[spmem:s3] =	stream.indirect.scatter.add.f32 [tilespmem:s28], [sflag:$0x5], $0x40, s10, s26, $0xb8;
	[tilespmem:$0x1C000] =	vst v63  }
0xb0: {  	_ =	swait.ge [sflag:s23], $0x2000  }
0xb1: {  	[sflag:s23] =	ssyncset.done $0x0  }
0xb2: {  	[sflag:s23] =	ssyncadd.s32 $0xFFFFE000  }
0xb3: {  	_ =	swait.ge [sflag:s31], $0x2000  }
0xb4: {  	[sflag:s31] =	ssyncset.done $0x0  }
0xb5: {  	s11 =	simm.s32 $0x9F00;
	[sflag:s31] =	ssyncadd.s32 $0xFFFFE000  }
0xb6: {  	[spmem:s3] =	stream.indirect.scatter.add.f32 [tilespmem:s30], [sflag:$0x5], $0x40, s11, s26, $0xb8;
	[tilespmem:$0x1C000] =	vst v63  }
0xb7: {  	_ =	swait.ge [sflag:s23], $0x2000  }
0xb8: {  	[sflag:s23] =	ssyncset.done $0x0  }
0xb9: {  	[sflag:s23] =	ssyncadd.s32 $0xFFFFE000  }
0xba: {  	_ =	swait.ge [sflag:s29], $0x2000  }
0xbb: {  	[sflag:s29] =	ssyncset.done $0x0  }
0xbc: {  	s12 =	simm.s32 $0x9F80;
	[sflag:s29] =	ssyncadd.s32 $0xFFFFE000  }
0xbd: {  	[spmem:s3] =	stream.indirect.scatter.add.f32 [tilespmem:s0], [sflag:$0x5], $0x40, s12, s26, $0xb8;
	[tilespmem:$0x1C000] =	vst v63  }
0xbe: {  	_ =	swait.ge [sflag:s23], $0x2000  }
0xbf: {  	[sflag:s23] =	ssyncset.done $0x0  }
0xc0: {  	[sflag:s23] =	ssyncadd.s32 $0xFFFFE000  }
0xc1: {  	[bflag:$0x0] =	sbarrier.arrive $0xFFFF  }
0xc2: {  	[tilespmem:s25], [sflag:$0x5] =	stream.linear.gather [spmem:s8], $0x2000, $0x38;
	[tilespmem:$0x1C000] =	vst v63  }
0xc3: {  	_ =	swait.ge [sflag:s23], $0x2000  }
0xc4: {  	[sflag:s23] =	ssyncset.done $0x0  }
0xc5: {  	[sflag:s23] =	ssyncadd.s32 $0xFFFFE000  }
0xc6: {  	[hbm4b:s14+s6] =	stream.strided.scatter [tilespmem:s25], [sflag:$0x5], $0x2000, s26, s6, $0x38;
	[tilespmem:$0x1C000] =	vst v63  }
0xc7: {  	_ =	swait.ge [sflag:s23], $0x2000  }
0xc8: {  	[sflag:s23] =	ssyncset.done $0x0  }
0xc9: {  	[sflag:s23] =	ssyncadd.s32 $0xFFFFE000  }
0xca: {  	[tilespmem:s25], [sflag:$0x5] =	stream.linear.gather [spmem:s15], $0x2000, $0x38;
	[tilespmem:$0x1C000] =	vst v63  }
0xcb: {  	_ =	swait.ge [sflag:s23], $0x2000  }
0xcc: {  	[sflag:s23] =	ssyncset.done $0x0  }
0xcd: {  	[sflag:s23] =	ssyncadd.s32 $0xFFFFE000  }
0xce: {  	[hbm4b:s16+s6] =	stream.strided.scatter [tilespmem:s25], [sflag:$0x5], $0x2000, s26, s6, $0x38;
	[tilespmem:$0x1C000] =	vst v63  }
0xcf: {  	_ =	swait.ge [sflag:s23], $0x2000  }
0xd0: {  	[sflag:s23] =	ssyncset.done $0x0  }
0xd1: {  	[sflag:s23] =	ssyncadd.s32 $0xFFFFE000  }
0xd2: {  	[tilespmem:s25], [sflag:$0x5] =	stream.linear.gather [spmem:s17], $0x2000, $0x38;
	[tilespmem:$0x1C000] =	vst v63  }
0xd3: {  	_ =	swait.ge [sflag:s23], $0x2000  }
0xd4: {  	[sflag:s23] =	ssyncset.done $0x0  }
0xd5: {  	[sflag:s23] =	ssyncadd.s32 $0xFFFFE000  }
0xd6: {  	[hbm4b:s18+s6] =	stream.strided.scatter [tilespmem:s25], [sflag:$0x5], $0x2000, s26, s6, $0x38;
	[tilespmem:$0x1C000] =	vst v63  }
0xd7: {  	_ =	swait.ge [sflag:s23], $0x2000  }
0xd8: {  	[sflag:s23] =	ssyncset.done $0x0  }
0xd9: {  	[sflag:s23] =	ssyncadd.s32 $0xFFFFE000  }
0xda: {  	[tilespmem:s25], [sflag:$0x5] =	stream.linear.gather [spmem:s19], $0x2000, $0x38;
	[tilespmem:$0x1C000] =	vst v63  }
0xdb: {  	_ =	swait.ge [sflag:s23], $0x2000  }
0xdc: {  	[sflag:s23] =	ssyncset.done $0x0  }
0xdd: {  	[sflag:s23] =	ssyncadd.s32 $0xFFFFE000  }
0xde: {  	[hbm4b:s20+s6] =	stream.strided.scatter [tilespmem:s25], [sflag:$0x5], $0x2000, s26, s6, $0x38;
	[tilespmem:$0x1C000] =	vst v63  }
0xdf: {  	_ =	swait.ge [sflag:s23], $0x2000  }
0xe0: {  	[sflag:s23] =	ssyncset.done $0x0  }
0xe1: {  	[sflag:s23] =	ssyncadd.s32 $0xFFFFE000  }
0xe2: {  	[tilespmem:s25], [sflag:$0x5] =	stream.linear.gather [spmem:s21], $0x2000, $0x38;
	[tilespmem:$0x1C000] =	vst v63  }
0xe3: {  	_ =	swait.ge [sflag:s23], $0x2000  }
0xe4: {  	[sflag:s23] =	ssyncset.done $0x0  }
0xe5: {  	[sflag:s23] =	ssyncadd.s32 $0xFFFFE000  }
0xe6: {  	[hbm4b:s22+s6] =	stream.strided.scatter [tilespmem:s25], [sflag:$0x5], $0x2000, s26, s6, $0x38;
	[tilespmem:$0x1C000] =	vst v63  }
0xe7: {  	_ =	swait.ge [sflag:s23], $0x2000  }
0xe8: {  	s7 =	sadd.s32 $0x1, s7;
	s13 =	rddreg [dreg:$0x6]  }
0xe9: {  	p0 =	sne.s32 s7, s13  }
.Ltmp1:
0xea: {  	_ = 	snop;
	(pc) =	sbr.rel @p0 .LBB2_1-.Ltmp1, $3  }
0xeb: {  	_ =	sdelay $0x1  }
0xec: {  	[sflag:s23] =	ssyncset.done $0x0  }
0xed: {  	[sflag:s23] =	ssyncadd.s32 $0xFFFFE000  }
0xee: {  	_ =	sfence.sel $0x180000  }
0xef: {  	[bflag:$0x0] =	sbarrier.arrive $0xFFFF  }
0xf0: {  	_ =	strace $0x9000004A  }
0xf1: {  	s0 =	stileid.u32;
	[bflag:$0x2] =	sbarrier.arrive $0xFFFF  }
0xf2: {  	p0 =	sne.s32 s0, $0x0;
	s0 =	rddreg [dreg:$0x3]  }
0xf3: {  	s0 =	sadd.s32 @!p0 $0x100000, s0  }
0xf4: {  	[sflag:s0] =	ssyncadd.tile.s32 @!p0 $0x1;
	_ =	shalt  }
.Lfunc_end2:
_tile_overlayer_lowered:
.L_overlay_start_2:
0xf5: {  	(tag) =	ssettag $0x2  }
0xf6: {  	s0 =	rddreg [dreg:$0x0];
	s2 =	stileid.u32  }
0xf7: {  	s1 =	rddreg [dreg:$0x1];
	p0 =	sne.s32 s2, $0x0  }
0xf8: {  	s3 =	rddreg [dreg:$0x2];
	[bflag:$0x3] =	sbarrier.arrive $0xFFFF;
	s2 =	simm.s32 @!p0 $0x1C05  }
0xf9: {  	[timem:s3], [sflag:s2] =	dma.local @!p0 [hbm:s0], s1  }
0xfa: {  	s0 =	simm.s32 @!p0 $0x5  }
0xfb: {  	_ =	swait.ge @!p0 [sflag:s0], s1  }
0xfc: {  	s1 =	ssub.s32 @!p0 $0x0, s1;
	[sflag:s0] =	ssyncset.done @!p0 $0x0  }
0xfd: {  	[sflag:s0] =	ssyncadd.s32 @!p0 s1  }
0xfe: {  	[bflag:$0x3] =	sbarrier.arrive $0xFFFF  }
0xff: {  	_ =	shalt  }

// kernel: kernel.15.cloned.1.call-start
scs
__scs_entry_jumppad:
0x0: {  	(pc) =	sbr.rel $0x88, $3  }
0x1: {  	(tag) =	ssettag $0x0;
	lr =	simm.s32 $0x1  }
0x2: {  	[smem:$0x3F9B] =	sst lr;
	_ =	strace $0xD0000000  }
0x3: {  	_ = 	snop  }
0x4: {  	_ = 	snop  }
0x5: {  	_ = 	snop  }
0x6: {  	_ = 	snop  }
0x7: {  	_ = 	snop  }
__scs_overlays_trampoline_lowered:
0x8: {  	[smem:$0x3FAA] =	sst s0  }
0x9: {  	[smem:$0x3FAB] =	sst s1  }
0xa: {  	[smem:$0x3FAC] =	sst s2  }
0xb: {  	[smem:$0x3FAD] =	sst s3  }
0xc: {  	[smem:$0x3FAE] =	sst s4  }
0xd: {  	[smem:$0x3FAF] =	sst s5  }
0xe: {  	[smem:$0x3FB0] =	sst s6  }
0xf: {  	[smem:$0x3FB1] =	sst s7  }
0x10: {  	[smem:$0x3FB2] =	sst s8  }
0x11: {  	[smem:$0x3FB3] =	sst s9;
	s0 =	simm.s32 @!p0 $0x0  }
0x12: {  	s1 =	sld [smem:$0x3F99];
	s0 =	simm.s32 @p0 $0x1  }
0x13: {  	[smem:$0x3FB4] =	sst s0;
	s0 =	simm.s32 @!p1 $0x0  }
0x14: {  	s2 =	sld [smem:$0x3F98];
	s0 =	simm.s32 @p1 $0x1  }
0x15: {  	[smem:$0x3FB5] =	sst s0;
	s0 =	simm.s32 @!p2 $0x0  }
0x16: {  	s3 =	sld [smem:$0x3FDB];
	s0 =	simm.s32 @p2 $0x1  }
0x17: {  	s4 =	simm.s32 $0x1BF5;
	[smem:$0x3FB7] =	sst s0  }
0x18: {  	s0 =	sld [smem:$0x3F9A];
	_ =	swait.ge [sflag:s4], $0x0  }
0x19: {  	s7 =	sld [smem:$0x3F9B]  }
0x1a: {  	s8 =	sadd.s32 $0xFFFFE003, lr  }
0x1b: {  	s9 =	sadd.s32 $0xFFFFFEF7, lr;
	s5 =	simm.s32 $0xFFFFFFFF;
	p2 =	slt.u32 s8, $0xFFFFF086  }
0x1c: {  	p1 =	slt.u32 s9, $0xF7A;
	s5 =	simm.s32 @!p2 $0x0  }
0x1d: {  	s5 =	simm.s32 @p1 $0x1;
	p0 =	seq.s32 s7, s2  }
0x1e: {  	s7 =	smul.u32 @!p0 $0xF7A, s2;
	p2 =	seq.s32 @!p0 s5, $0x0  }
0x1f: {  	s9 =	smul.u32 $0xF7A, s1;
	s8 =	simm.s32 @!p0 $0x1BF5;
	p2 =	por !p2, p0  }
0x20: {  	[sflag:s8] =	ssyncset.s32 @!p0 $0xFFFFF086;
	s6 =	sadd.s32 @!p0 s3, s7;
	s7 =	simm.s32 @!p0 $0x108  }
0x21: {  	s3 =	sadd.s32 s3, s9;
	s6 =	sadd.s32 @!p0 $0x88, s6;
	s7 =	simm.s32 @p2 $0x1082  }
0x22: {  	[simem:s7], [sflag:s8] =	dma.local @!p0 [hbm:s6], $0xF7A  }
0x23: {  	s9 =	sor.u32 $0xD0000000, s2;
	s6 =	simm.s32 $0x108;
	_ =	swait.ge @!p0 [sflag:s8], $0x0  }
0x24: {  	s3 =	sadd.s32 $0x88, s3;
	s6 =	simm.s32 @!p1 $0x1082;
	[sflag:s4] =	ssyncset.s32 $0xFFFFF086  }
0x25: {  	[simem:s6], [sflag:s4] =	dma.local [hbm:s3], $0xF7A  }
0x26: {  	[smem:$0x3F9B] =	sst s1;
	(tag) =	ssettag s2;
	_ =	strace s9  }
0x27: {  	s1 =	sld [smem:$0x3FAB]  }
0x28: {  	s2 =	sld [smem:$0x3FAC]  }
0x29: {  	s4 =	sld [smem:$0x3FAE]  }
0x2a: {  	p0 =	seq.s32 s5, $0x0;
	s5 =	sld [smem:$0x3FAF]  }
0x2b: {  	s6 =	sld [smem:$0x3FB0]  }
0x2c: {  	s7 =	sld [smem:$0x3FB1]  }
0x2d: {  	s3 =	simm.s32 $0x108;
	s8 =	sld [smem:$0x3FB2]  }
0x2e: {  	s3 =	simm.s32 @!p0 $0x1082;
	s9 =	sld [smem:$0x3FB3]  }
0x2f: {  	lr =	sadd.s32 s0, s3;
	s0 =	sld [smem:$0x3FAA]  }
0x30: {  	s3 =	sld [smem:$0x3FAD]  }
0x31: {  	[smem:$0x3FB6] =	sst s10  }
0x32: {  	s10 =	sld [smem:$0x3FB4];
	_ =	sdelay $0x3  }
0x33: {  	p0 =	seq.s32 s10, $0x1;
	s10 =	sld [smem:$0x3FB6];
	_ =	sdelay $0x3  }
0x34: {  	[smem:$0x3FB6] =	sst s10  }
0x35: {  	s10 =	sld [smem:$0x3FB5];
	_ =	sdelay $0x3  }
0x36: {  	p1 =	seq.s32 s10, $0x1;
	s10 =	sld [smem:$0x3FB6];
	_ =	sdelay $0x3  }
0x37: {  	[smem:$0x3FB6] =	sst s10  }
0x38: {  	s10 =	sld [smem:$0x3FB7]  }
0x39: {  	_ = 	snop;
	(pc) =	sbr.ind lr, $3  }
0x3a: {  	_ = 	snop  }
0x3b: {  	_ = 	snop  }
0x3c: {  	p2 =	seq.s32 s10, $0x1;
	s10 =	sld [smem:$0x3FB6]  }
0x3d: {  	_ =	shalt  }
0x3e: {  	_ =	shalt  }
0x3f: {  	_ =	shalt  }
0x40: {  	_ =	shalt  }
0x41: {  	_ =	shalt  }
0x42: {  	_ =	shalt  }
0x43: {  	_ =	shalt  }
0x44: {  	_ =	shalt  }
0x45: {  	_ =	shalt  }
0x46: {  	_ =	shalt  }
0x47: {  	_ =	shalt  }
0x48: {  	_ =	shalt  }
0x49: {  	_ =	shalt  }
0x4a: {  	_ =	shalt  }
0x4b: {  	_ =	shalt  }
0x4c: {  	_ =	shalt  }
0x4d: {  	_ =	shalt  }
0x4e: {  	_ =	shalt  }
0x4f: {  	_ =	shalt  }
0x50: {  	_ =	shalt  }
0x51: {  	_ =	shalt  }
0x52: {  	_ =	shalt  }
0x53: {  	_ =	shalt  }
0x54: {  	_ =	shalt  }
0x55: {  	_ =	shalt  }
0x56: {  	_ =	shalt  }
0x57: {  	_ =	shalt  }
0x58: {  	_ =	shalt  }
0x59: {  	_ =	shalt  }
0x5a: {  	_ =	shalt  }
0x5b: {  	_ =	shalt  }
0x5c: {  	_ =	shalt  }
0x5d: {  	_ =	shalt  }
0x5e: {  	_ =	shalt  }
0x5f: {  	_ =	shalt  }
0x60: {  	_ =	shalt  }
0x61: {  	_ =	shalt  }
0x62: {  	_ =	shalt  }
0x63: {  	_ =	shalt  }
0x64: {  	_ =	shalt  }
0x65: {  	_ =	shalt  }
0x66: {  	_ =	shalt  }
0x67: {  	_ =	shalt  }
0x68: {  	_ =	shalt  }
0x69: {  	_ =	shalt  }
0x6a: {  	_ =	shalt  }
0x6b: {  	_ =	shalt  }
0x6c: {  	_ =	shalt  }
0x6d: {  	_ =	shalt  }
0x6e: {  	_ =	shalt  }
0x6f: {  	_ =	shalt  }
0x70: {  	_ =	shalt  }
0x71: {  	_ =	shalt  }
0x72: {  	_ =	shalt  }
0x73: {  	_ =	shalt  }
0x74: {  	_ =	shalt  }
0x75: {  	_ =	shalt  }
0x76: {  	_ =	shalt  }
0x77: {  	_ =	shalt  }
0x78: {  	_ =	shalt  }
0x79: {  	_ =	shalt  }
0x7a: {  	_ =	shalt  }
0x7b: {  	_ =	shalt  }
0x7c: {  	_ =	shalt  }
0x7d: {  	_ =	shalt  }
0x7e: {  	_ =	shalt  }
0x7f: {  	_ =	shalt  }
0x80: {  	_ =	shalt  }
0x81: {  	_ =	shalt  }
0x82: {  	_ =	shalt  }
0x83: {  	_ =	shalt  }
0x84: {  	_ =	shalt  }
0x85: {  	_ =	shalt  }
0x86: {  	_ =	shalt  }
0x87: {  	_ =	shalt  }
.Lfunc_end0:
.L_simem_size_0:
called_computation.2_lowered:
.L_overlay_start_0:
0x88: {  	s2 =	sld [smem:$0x3FD9]  }
0x89: {  	s3 =	sld [smem:$0x3FFE];
	_ =	sdelay $0x1  }
0x8a: {  	s1 =	srdreg.scid  }
0x8b: {  	s0 =	sand.u32 $0x1, s1  }
0x8c: {  	s16 =	sshll.u32 s0, $0xA;
	s2 =	sadd.s32 s3, s2  }
0x8d: {  	s2 =	sadd.s32 s2, s16  }
0x8e: {  	[smem:$0x3FC2] =	sst s2  }
0x8f: {  	_ = 	snop  }
0x90: {  	(tm) =	ssettm $0x1  }
0x91: {  	s17 =	sld [smem:$0x3FFB];
	_ =	sdelay $0x3  }
0x92: {  	_ =	strace s17  }
0x93: {  	s2 =	sld [smem:$0x3FFC];
	_ =	sdelay $0x3  }
0x94: {  	_ =	strace s2  }
0x95: {  	s2 =	sld [smem:$0x3FFD];
	_ =	sdelay $0x3  }
0x96: {  	_ =	strace s2  }
0x97: {  	_ =	strace $0x8FFFFFFF  }
0x98: {  	s18 =	sld [smem:$0x3FDB];
	_ =	sdelay $0x1  }
0x99: {  	s19 =	simm.s32 $_scs_section_size  }
0x9a: {  	s4 =	simm.s32 $_size__tile_overlayer_lowered;
	s5 =	simm.s32 $_tile_overlayer_lowered  }
0x9b: {  	s22 =	simm.s32 $0x1BFF;
	s21 =	sshll.u32 s5, $0x1;
	s2 =	sadd.s32 s19, s18  }
0x9c: {  	s6 =	simm.s32 $0x0;
	s20 =	sshll.u32 s4, $0x1;
	s4 =	sadd.s32 s21, s2  }
0x9d: {  	[timem:s6], [sflag:s22] =	dma.local [hbm:s4], s20  }
0x9e: {  	_ =	swait.ge [sflag:s22], s20  }
0x9f: {  	s3 =	ssub.s32 $0x0, s20;
	[sflag:s22] =	ssyncset.done $0x0  }
0xa0: {  	[sflag:s22] =	ssyncadd.s32 s3;
	_ =	sdelay $0x1  }
0xa1: {  	s23 =	simm.s32 $0x1B8B  }
0xa2: {  	_ =	swait.ge [sflag:s23], $0x1  }
0xa3: {  	[sflag:s23] =	ssyncset.done $0x0  }
0xa4: {  	s25 =	simm.s32 $0x1B8E;
	s24 =	sld [smem:$0x3FFE];
	[sflag:s23] =	ssyncadd.s32 $0xFFFFFFFF  }
0xa5: {  	s26 =	simm.s32 $execute0_lowered;
	[smem:$0x3FD2] =	sst s25  }
0xa6: {  	s4 =	sshll.u32 s26, $0x1;
	_ =	strace $0x8000004C;
	[dreg:$0x1] =	wrdreg $0xFFFFFFFF  }
0xa7: {  	s28 =	simm.s32 $_size_execute0_lowered;
	s2 =	sadd.s32 s2, s4;
	[dreg:$0x0] =	wrdreg $0x0  }
0xa8: {  	s4 =	sshll.u32 s28, $0x1;
	[dreg:$0x2] =	wrdreg s2  }
0xa9: {  	[dreg:$0x3] =	wrdreg s4  }
0xaa: {  	[dreg:$0x4] =	wrdreg $0xC0  }
0xab: {  	_ =	task [dreg:s6], $0x5FFFF  }
0xac: {  	[dreg:$0x1] =	wrdreg $0xFFFFFFFF  }
0xad: {  	[dreg:$0x0] =	wrdreg $0x60  }
0xae: {  	[dreg:$0x2] =	wrdreg s24  }
0xaf: {  	[dreg:$0x3] =	wrdreg $0x70000  }
0xb0: {  	[dreg:$0x4] =	wrdreg $0x9  }
0xb1: {  	_ =	task.clear_ibuf [dreg:s6], $0x5FFFF;
	_ =	strace $0x9000004C  }
0xb2: {  	s29 =	simm.s32 $0x9;
	_ =	strace $0x8000004E  }
0xb3: {  	_ =	swait.ge [sflag:s29], $0x1  }
0xb4: {  	[sflag:s29] =	ssyncadd.s32 $0xFFFFFFFF  }
0xb5: {  	_ =	strace $0x9000004E  }
0xb6: {  	_ =	sfence  }
0xb7: {  	s30 =	sld [smem:$0x0];
	_ =	sdelay $0x2  }
0xb8: {  	s31 =	sshll.u32 s1, $0xD;
	s1 =	sshrl.u32 s1, $0x2  }
0xb9: {  	s3 =	sand.u32 $0x4000, s31;
	s1 =	sadd.s32 s1, s30  }
0xba: {  	s0 =	sor.u32 s3, s0;
	s1 =	sshll.u32 s1, $0x11  }
0xbb: {  	s0 =	sor.u32 s1, s0  }
0xbc: {  	s0 =	sadd.s32 $0x8F2B, s0  }
0xbd: {  	[sflag:s0] =	ssyncadd.remote.s32 $0x1  }
0xbe: {  	_ =	sfence.sel $0xFFFF  }
0xbf: {  	[dreg:$0x0] =	wrdreg $0xFFFFFFFF;
	(pc) =	sbr.abs _section_cstart, $3  }
0xc0: {  	[dreg:$0x1] =	wrdreg $0xFFFFFFFF  }
0xc1: {  	_ =	task.clear_ibuf [dreg:s6], $0x2FFFF;
	_ =	strace $0x9FFFFFFF  }
0xc2: {  	(tm) =	ssettm $0x7FFFFFFF  }
0xc3: {  	_ =	shalt  }
tec
execute0_lowered:
.L_overlay_start_1:
0x0: {  	(tag) =	ssettag $0x1  }
0x1: {  	s0 =	srdreg.scid;
	s1 =	rddreg [dreg:$0x0]  }
0x2: {  	s9 =	stileid.u32;
	s2 =	rddreg [dreg:$0x1];
	s3 =	simm.s32 $0x0  }
0x3: {  	s28 =	simm.s32 $0x5800;
	s30 =	simm.s32 $0x6000;
	s5 =	smul.u32 $0x50, s9  }
0x4: {  	s29 =	simm.s32 $0x2;
	s31 =	simm.s32 $0x3;
	s8 =	smul.u32 $0xA000, s9  }
0x5: {  	s0 =	sand.u32 $0x1, s0;
	[smem:$0x7FF] =	sst s3;
	s11 =	smul.u32 $0x280, s9  }
0x6: {  	s7 =	sadd.s32 $0xCE00, s1;
	s4 =	smul.u32 $0x500, s0;
	_ =	strace $0x8000004D  }
0x7: {  	s6 =	ssub.s32 $0x2, s0;
	[dreg:$0x3] =	wrdreg s7;
	s0 =	smul.u32 $0x2800, s0  }
0x8: {  	s10 =	sshrl.u32 s6, $0x1;
	s8 =	sshrl.u32 s8, $0x2;
	s18 =	sadd.s32 $0x80, s11  }
0x9: {  	s20 =	sadd.s32 $0x100, s11;
	s23 =	sadd.s32 $0x180, s11;
	s26 =	sadd.s32 $0x200, s11  }
0xa: {  	s4 =	sadd.s32 s5, s4;
	s6 =	ssub.s32 s6, s10;
	s8 =	sadd.s32 s8, s2  }
0xb: {  	s16 =	sadd.s32 s0, s11;
	s19 =	sadd.s32 s0, s18;
	s21 =	sadd.s32 s0, s20  }
0xc: {  	s22 =	sshll.u32 s20, $0x4;
	s24 =	sshll.u32 s23, $0x4;
	s25 =	sadd.s32 s0, s23  }
0xd: {  	s7 =	sshll.u32 s26, $0x4;
	s0 =	sadd.s32 s0, s26;
	s23 =	simm.s32 $0x5  }
0xe: {  	s26 =	simm.s32 $0x80;
	s5 =	sshll.u32 s4, $0x4;
	s13 =	smax.u32 s6, $0x1  }
0xf: {  	s4 =	sadd.s32 $0x3000, s1;
	s14 =	sadd.s32 $0x800, s8;
	[dreg:$0x6] =	wrdreg s13  }
0x10: {  	s15 =	sadd.s32 $0x1000, s8;
	s17 =	sadd.s32 $0x1800, s8;
	[dreg:$0x7] =	wrdreg s14  }
0x11: {  	s6 =	sshll.u32 s18, $0x4;
	s0 =	sshll.u32 s0, $0x1;
	[dreg:$0x8] =	wrdreg s15  }
0x12: {  	s5 =	sadd.s32 s5, s1;
	s1 =	sadd.s32 $0xD000, s1;
	[dreg:$0x9] =	wrdreg s17  }
0x13: {  	s13 =	sadd.s32 $0x2000, s8;
	s15 =	sadd.s32 s6, s2;
	s17 =	sadd.s32 s22, s2  }
0x14: {  	s6 =	simm.s32 $0x0;
	s12 =	sadd.s32 $0x17000, s5;
	s5 =	sadd.s32 $0x35000, s5  }
0x15: {  	s22 =	sadd.s32 s1, s0;
	[dreg:$0x5] =	wrdreg s5;
	s5 =	sshll.u32 s16, $0x1  }
0x16: {  	s0 =	simm.s32 $0x1;
	[dreg:$0x4] =	wrdreg s12;
	s14 =	sadd.s32 s1, s5  }
0x17: {  	s5 =	sshll.u32 s19, $0x1;
	s19 =	sadd.s32 s24, s2;
	s24 =	simm.s32 $0x2800  }
0x18: {  	s16 =	sadd.s32 s1, s5;
	s5 =	sshll.u32 s21, $0x1;
	s21 =	sadd.s32 s7, s2  }
0x19: {  	s18 =	sadd.s32 s1, s5;
	s5 =	sshll.u32 s25, $0x1;
	s25 =	simm.s32 $0x5000  }
0x1a: {  	s20 =	sadd.s32 s1, s5;
	s1 =	simm.s32 $0x6800;
	s5 =	simm.s32 $0x4  }
.LBB2_1:
0x1b: {  	s7 =	rddreg [dreg:$0x4]  }
0x1c: {  	[tilespmem:s3], [sflag:$0x5] =	stream.linear.gather [hbm4b:s7+s3], $0x2800, $0x38;
	[tilespmem:$0x9800] =	vst v63  }
0x1d: {  	_ =	swait.ge [sflag:s23], $0x2800  }
0x1e: {  	[sflag:s23] =	ssyncset.done $0x0  }
0x1f: {  	s9 =	rddreg [dreg:$0x5];
	[sflag:s23] =	ssyncadd.s32 $0xFFFFD800  }
0x20: {  	[tilespmem:s24], [sflag:$0x5] =	stream.linear.gather [hbm4b:s9+s3], $0x2800, $0x38;
	[tilespmem:$0x9800] =	vst v63  }
0x21: {  	_ =	swait.ge [sflag:s23], $0x2800  }
0x22: {  	[sflag:s23] =	ssyncset.done $0x0  }
0x23: {  	s10 =	rddreg [dreg:$0x3];
	[sflag:s23] =	ssyncadd.s32 $0xFFFFD800  }
0x24: {  	[tilespmem:s25], [sflag:$0x5] =	stream.linear.gather [hbm4b:s10+s3], $0x800, $0x38;
	[tilespmem:$0x9800] =	vst v63  }
0x25: {  	_ =	swait.ge [sflag:s23], $0x800  }
0x26: {  	[sflag:s23] =	ssyncset.done $0x0  }
0x27: {  	[sflag:s23] =	ssyncadd.s32 $0xFFFFF800  }
0x28: {  	[spmem:s8] =	stream.linear.scatter [tilespmem:s25], [sflag:$0x5], $0x800, $0x38;
	[tilespmem:$0x9800] =	vst v63  }
0x29: {  	_ =	swait.ge [sflag:s23], $0x800  }
0x2a: {  	[sflag:s23] =	ssyncset.done $0x0  }
0x2b: {  	s11 =	rddreg [dreg:$0x7];
	[sflag:s23] =	ssyncadd.s32 $0xFFFFF800  }
0x2c: {  	[spmem:s11] =	stream.linear.scatter [tilespmem:s25], [sflag:$0x5], $0x800, $0x38;
	[tilespmem:$0x9800] =	vst v63  }
0x2d: {  	_ =	swait.ge [sflag:s23], $0x800  }
0x2e: {  	[sflag:s23] =	ssyncset.done $0x0  }
0x2f: {  	s12 =	rddreg [dreg:$0x8];
	[sflag:s23] =	ssyncadd.s32 $0xFFFFF800  }
0x30: {  	[spmem:s12] =	stream.linear.scatter [tilespmem:s25], [sflag:$0x5], $0x800, $0x38;
	[tilespmem:$0x9800] =	vst v63  }
0x31: {  	_ =	swait.ge [sflag:s23], $0x800  }
0x32: {  	[sflag:s23] =	ssyncset.done $0x0  }
0x33: {  	s9 =	rddreg [dreg:$0x9];
	[sflag:s23] =	ssyncadd.s32 $0xFFFFF800  }
0x34: {  	[spmem:s9] =	stream.linear.scatter [tilespmem:s25], [sflag:$0x5], $0x800, $0x38;
	[tilespmem:$0x9800] =	vst v63  }
0x35: {  	_ =	swait.ge [sflag:s23], $0x800  }
0x36: {  	[sflag:s23] =	ssyncset.done $0x0  }
0x37: {  	[sflag:s23] =	ssyncadd.s32 $0xFFFFF800  }
0x38: {  	[spmem:s13] =	stream.linear.scatter [tilespmem:s25], [sflag:$0x5], $0x800, $0x38;
	[tilespmem:$0x9800] =	vst v63  }
0x39: {  	_ =	swait.ge [sflag:s23], $0x800  }
0x3a: {  	[sflag:s23] =	ssyncset.done $0x0  }
0x3b: {  	[sflag:s23] =	ssyncadd.s32 $0xFFFFF800  }
0x3c: {  	[bflag:$0x0] =	sbarrier.arrive $0xFFFF  }
0x3d: {  	[tilespmem:s25], [sflag:$0x1] =	stream.indirect.gather [hbm4b:s4+s26], $0x10, s3, s26, $0xb8;
	[tilespmem:$0x9800] =	vst v63  }
0x3e: {  	_ = 	snop  }
0x3f: {  	[tilespmem:s28], [sflag:$0x2] =	stream.indirect.gather [hbm4b:s4+s26], $0x10, s26, s26, $0xb8;
	[tilespmem:$0x9800] =	vst v63  }
0x40: {  	s10 =	simm.s32 $0x100  }
0x41: {  	[tilespmem:s30], [sflag:$0x3] =	stream.indirect.gather [hbm4b:s4+s26], $0x10, s10, s26, $0xb8;
	[tilespmem:$0x9800] =	vst v63  }
0x42: {  	s11 =	simm.s32 $0x180  }
0x43: {  	[tilespmem:s1], [sflag:$0x4] =	stream.indirect.gather [hbm4b:s4+s26], $0x10, s11, s26, $0xb8;
	[tilespmem:$0x9800] =	vst v63  }
0x44: {  	_ =	swait.ge [sflag:s0], $0x800  }
0x45: {  	[sflag:s0] =	ssyncset.done $0x0  }
0x46: {  	[sflag:s0] =	ssyncadd.s32 $0xFFFFF800  }
0x47: {  	[spmem:s2] =	stream.indirect.scatter.add.f32 [tilespmem:s25], [sflag:$0x5], $0x10, s24, s26, $0xb8;
	[tilespmem:$0x9800] =	vst v63  }
0x48: {  	_ =	swait.ge [sflag:s23], $0x800  }
0x49: {  	[sflag:s23] =	ssyncset.done $0x0  }
0x4a: {  	[sflag:s23] =	ssyncadd.s32 $0xFFFFF800  }
0x4b: {  	_ =	swait.ge [sflag:s29], $0x800  }
0x4c: {  	[sflag:s29] =	ssyncset.done $0x0  }
0x4d: {  	s12 =	simm.s32 $0x2880;
	[sflag:s29] =	ssyncadd.s32 $0xFFFFF800  }
0x4e: {  	[spmem:s2] =	stream.indirect.scatter.add.f32 [tilespmem:s28], [sflag:$0x5], $0x10, s12, s26, $0xb8;
	[tilespmem:$0x9800] =	vst v63  }
0x4f: {  	_ =	swait.ge [sflag:s23], $0x800  }
0x50: {  	[sflag:s23] =	ssyncset.done $0x0  }
0x51: {  	s9 =	simm.s32 $0x200;
	[sflag:s23] =	ssyncadd.s32 $0xFFFFF800  }
0x52: {  	[tilespmem:s25], [sflag:$0x1] =	stream.indirect.gather [hbm4b:s4+s26], $0x10, s9, s26, $0xb8;
	[tilespmem:$0x9800] =	vst v63  }
0x53: {  	_ =	swait.ge [sflag:s31], $0x800  }
0x54: {  	[sflag:s31] =	ssyncset.done $0x0  }
0x55: {  	s10 =	simm.s32 $0x2900;
	[sflag:s31] =	ssyncadd.s32 $0xFFFFF800  }
0x56: {  	[spmem:s2] =	stream.indirect.scatter.add.f32 [tilespmem:s30], [sflag:$0x5], $0x10, s10, s26, $0xb8;
	[tilespmem:$0x9800] =	vst v63  }
0x57: {  	_ =	swait.ge [sflag:s23], $0x800  }
0x58: {  	[sflag:s23] =	ssyncset.done $0x0  }
0x59: {  	s11 =	simm.s32 $0x280;
	[sflag:s23] =	ssyncadd.s32 $0xFFFFF800  }
0x5a: {  	[tilespmem:s28], [sflag:$0x2] =	stream.indirect.gather [hbm4b:s4+s26], $0x10, s11, s26, $0xb8;
	[tilespmem:$0x9800] =	vst v63  }
0x5b: {  	_ =	swait.ge [sflag:s5], $0x800  }
0x5c: {  	[sflag:s5] =	ssyncset.done $0x0  }
0x5d: {  	s12 =	simm.s32 $0x2980;
	[sflag:s5] =	ssyncadd.s32 $0xFFFFF800  }
0x5e: {  	[spmem:s2] =	stream.indirect.scatter.add.f32 [tilespmem:s1], [sflag:$0x5], $0x10, s12, s26, $0xb8;
	[tilespmem:$0x9800] =	vst v63  }
0x5f: {  	_ =	swait.ge [sflag:s23], $0x800  }
0x60: {  	[sflag:s23] =	ssyncset.done $0x0  }
0x61: {  	s9 =	simm.s32 $0x300;
	[sflag:s23] =	ssyncadd.s32 $0xFFFFF800  }
0x62: {  	[tilespmem:s30], [sflag:$0x3] =	stream.indirect.gather [hbm4b:s4+s26], $0x10, s9, s26, $0xb8;
	[tilespmem:$0x9800] =	vst v63  }
0x63: {  	_ =	swait.ge [sflag:s0], $0x800  }
0x64: {  	[sflag:s0] =	ssyncset.done $0x0  }
0x65: {  	s10 =	simm.s32 $0x2A00;
	[sflag:s0] =	ssyncadd.s32 $0xFFFFF800  }
0x66: {  	[spmem:s2] =	stream.indirect.scatter.add.f32 [tilespmem:s25], [sflag:$0x5], $0x10, s10, s26, $0xb8;
	[tilespmem:$0x9800] =	vst v63  }
0x67: {  	_ =	swait.ge [sflag:s23], $0x800  }
0x68: {  	[sflag:s23] =	ssyncset.done $0x0  }
0x69: {  	s11 =	simm.s32 $0x380;
	[sflag:s23] =	ssyncadd.s32 $0xFFFFF800  }
0x6a: {  	[tilespmem:s1], [sflag:$0x4] =	stream.indirect.gather [hbm4b:s4+s26], $0x10, s11, s26, $0xb8;
	[tilespmem:$0x9800] =	vst v63  }
0x6b: {  	_ =	swait.ge [sflag:s29], $0x800  }
0x6c: {  	[sflag:s29] =	ssyncset.done $0x0  }
0x6d: {  	s12 =	simm.s32 $0x2A80;
	[sflag:s29] =	ssyncadd.s32 $0xFFFFF800  }
0x6e: {  	[spmem:s2] =	stream.indirect.scatter.add.f32 [tilespmem:s28], [sflag:$0x5], $0x10, s12, s26, $0xb8;
	[tilespmem:$0x9800] =	vst v63  }
0x6f: {  	_ =	swait.ge [sflag:s23], $0x800  }
0x70: {  	s7 =	simm.s32 $0x200;
	s9 =	simm.s32 $0x1000;
	[sflag:s23] =	ssyncset.done $0x0  }
.LBB2_2:
0x71: {  	s12 =	sadd.s32 $0x200, s7  }
0x72: {  	[sflag:s23] =	ssyncadd.s32 $0xFFFFF800;
	s10 =	smov.u32 s9;
	s11 =	sadd.s32 $0x800, s9  }
0x73: {  	[tilespmem:s25], [sflag:$0x1] =	stream.indirect.gather [hbm4b:s4+s26], $0x10, s12, s26, $0xb8;
	[tilespmem:$0x9800] =	vst v63  }
0x74: {  	p0 =	sne.s32 s9, $0x9000;
	_ =	swait.ge [sflag:s31], $0x800  }
0x75: {  	[sflag:s31] =	ssyncset.done $0x0  }
0x76: {  	s9 =	sadd.s32 $0x2900, s7;
	[sflag:s31] =	ssyncadd.s32 $0xFFFFF800  }
0x77: {  	[spmem:s2] =	stream.indirect.scatter.add.f32 [tilespmem:s30], [sflag:$0x5], $0x10, s9, s26, $0xb8;
	[tilespmem:$0x9800] =	vst v63  }
0x78: {  	_ =	swait.ge [sflag:s23], $0x800  }
0x79: {  	[sflag:s23] =	ssyncset.done $0x0  }
0x7a: {  	s9 =	sadd.s32 $0x280, s7;
	[sflag:s23] =	ssyncadd.s32 $0xFFFFF800  }
0x7b: {  	[tilespmem:s28], [sflag:$0x2] =	stream.indirect.gather [hbm4b:s4+s26], $0x10, s9, s26, $0xb8;
	[tilespmem:$0x9800] =	vst v63  }
0x7c: {  	_ =	swait.ge [sflag:s5], $0x800  }
0x7d: {  	[sflag:s5] =	ssyncset.done $0x0  }
0x7e: {  	s9 =	sadd.s32 $0x2980, s7;
	[sflag:s5] =	ssyncadd.s32 $0xFFFFF800  }
0x7f: {  	[spmem:s2] =	stream.indirect.scatter.add.f32 [tilespmem:s1], [sflag:$0x5], $0x10, s9, s26, $0xb8;
	[tilespmem:$0x9800] =	vst v63  }
0x80: {  	_ =	swait.ge [sflag:s23], $0x800  }
0x81: {  	[sflag:s23] =	ssyncset.done $0x0  }
0x82: {  	s9 =	sadd.s32 $0x300, s7;
	[sflag:s23] =	ssyncadd.s32 $0xFFFFF800  }
0x83: {  	[tilespmem:s30], [sflag:$0x3] =	stream.indirect.gather [hbm4b:s4+s26], $0x10, s9, s26, $0xb8;
	[tilespmem:$0x9800] =	vst v63  }
0x84: {  	_ =	swait.ge [sflag:s0], $0x800  }
0x85: {  	[sflag:s0] =	ssyncset.done $0x0  }
0x86: {  	s9 =	sadd.s32 $0x2A00, s7;
	[sflag:s0] =	ssyncadd.s32 $0xFFFFF800  }
0x87: {  	[spmem:s2] =	stream.indirect.scatter.add.f32 [tilespmem:s25], [sflag:$0x5], $0x10, s9, s26, $0xb8;
	[tilespmem:$0x9800] =	vst v63  }
0x88: {  	_ =	swait.ge [sflag:s23], $0x800  }
0x89: {  	[sflag:s23] =	ssyncset.done $0x0  }
0x8a: {  	s9 =	sadd.s32 $0x380, s7;
	[sflag:s23] =	ssyncadd.s32 $0xFFFFF800  }
0x8b: {  	[tilespmem:s1], [sflag:$0x4] =	stream.indirect.gather [hbm4b:s4+s26], $0x10, s9, s26, $0xb8;
	[tilespmem:$0x9800] =	vst v63  }
0x8c: {  	_ =	swait.ge [sflag:s29], $0x800  }
.Ltmp0:
0x8d: {  	[sflag:s29] =	ssyncset.done $0x0;
	(pc) =	sbr.rel @p0 .LBB2_2-.Ltmp0, $4  }
0x8e: {  	s7 =	sadd.s32 $0x2A80, s7;
	[sflag:s29] =	ssyncadd.s32 $0xFFFFF800  }
0x8f: {  	[spmem:s2] =	stream.indirect.scatter.add.f32 [tilespmem:s28], [sflag:$0x5], $0x10, s7, s26, $0xb8;
	[tilespmem:$0x9800] =	vst v63  }
0x90: {  	_ =	swait.ge [sflag:s23], $0x800  }
0x91: {  	s9 =	smov.u32 s11;
	s7 =	sshra.s32 s10, $0x2;
	[sflag:s23] =	ssyncset.done $0x0  }
0x92: {  	s9 =	sadd.s32 $0x200, s7;
	[sflag:s23] =	ssyncadd.s32 $0xFFFFF800  }
0x93: {  	[tilespmem:s25], [sflag:$0x1] =	stream.indirect.gather [hbm4b:s4+s26], $0x10, s9, s26, $0xb8;
	[tilespmem:$0x9800] =	vst v63  }
0x94: {  	_ =	swait.ge [sflag:s31], $0x800  }
0x95: {  	[sflag:s31] =	ssyncset.done $0x0  }
0x96: {  	s10 =	sadd.s32 $0x2900, s7;
	[sflag:s31] =	ssyncadd.s32 $0xFFFFF800  }
0x97: {  	[spmem:s2] =	stream.indirect.scatter.add.f32 [tilespmem:s30], [sflag:$0x5], $0x10, s10, s26, $0xb8;
	[tilespmem:$0x9800] =	vst v63  }
0x98: {  	_ =	swait.ge [sflag:s23], $0x800  }
0x99: {  	[sflag:s23] =	ssyncset.done $0x0  }
0x9a: {  	s11 =	sadd.s32 $0x280, s7;
	[sflag:s23] =	ssyncadd.s32 $0xFFFFF800  }
0x9b: {  	[tilespmem:s28], [sflag:$0x2] =	stream.indirect.gather [hbm4b:s4+s26], $0x10, s11, s26, $0xb8;
	[tilespmem:$0x9800] =	vst v63  }
0x9c: {  	_ =	swait.ge [sflag:s5], $0x800  }
0x9d: {  	[sflag:s5] =	ssyncset.done $0x0  }
0x9e: {  	s12 =	sadd.s32 $0x2980, s7;
	[sflag:s5] =	ssyncadd.s32 $0xFFFFF800  }
0x9f: {  	[spmem:s2] =	stream.indirect.scatter.add.f32 [tilespmem:s1], [sflag:$0x5], $0x10, s12, s26, $0xb8;
	[tilespmem:$0x9800] =	vst v63  }
0xa0: {  	_ =	swait.ge [sflag:s23], $0x800  }
0xa1: {  	[sflag:s23] =	ssyncset.done $0x0  }
0xa2: {  	s10 =	sadd.s32 $0x300, s7;
	[sflag:s23] =	ssyncadd.s32 $0xFFFFF800  }
0xa3: {  	[tilespmem:s30], [sflag:$0x3] =	stream.indirect.gather [hbm4b:s4+s26], $0x10, s10, s26, $0xb8;
	[tilespmem:$0x9800] =	vst v63  }
0xa4: {  	_ =	swait.ge [sflag:s0], $0x800  }
0xa5: {  	[sflag:s0] =	ssyncset.done $0x0  }
0xa6: {  	s11 =	sadd.s32 $0x2A00, s7;
	[sflag:s0] =	ssyncadd.s32 $0xFFFFF800  }
0xa7: {  	[spmem:s2] =	stream.indirect.scatter.add.f32 [tilespmem:s25], [sflag:$0x5], $0x10, s11, s26, $0xb8;
	[tilespmem:$0x9800] =	vst v63  }
0xa8: {  	_ =	swait.ge [sflag:s23], $0x800  }
0xa9: {  	[sflag:s23] =	ssyncset.done $0x0  }
0xaa: {  	s12 =	sadd.s32 $0x380, s7;
	[sflag:s23] =	ssyncadd.s32 $0xFFFFF800  }
0xab: {  	[tilespmem:s1], [sflag:$0x4] =	stream.indirect.gather [hbm4b:s4+s26], $0x10, s12, s26, $0xb8;
	[tilespmem:$0x9800] =	vst v63  }
0xac: {  	_ =	swait.ge [sflag:s29], $0x800  }
0xad: {  	[sflag:s29] =	ssyncset.done $0x0  }
0xae: {  	s9 =	sadd.s32 $0x2A80, s7;
	[sflag:s29] =	ssyncadd.s32 $0xFFFFF800  }
0xaf: {  	[spmem:s2] =	stream.indirect.scatter.add.f32 [tilespmem:s28], [sflag:$0x5], $0x10, s9, s26, $0xb8;
	[tilespmem:$0x9800] =	vst v63  }
0xb0: {  	_ =	swait.ge [sflag:s23], $0x800  }
0xb1: {  	[sflag:s23] =	ssyncset.done $0x0  }
0xb2: {  	[sflag:s23] =	ssyncadd.s32 $0xFFFFF800  }
0xb3: {  	_ =	swait.ge [sflag:s31], $0x800  }
0xb4: {  	[sflag:s31] =	ssyncset.done $0x0  }
0xb5: {  	s10 =	simm.s32 $0x4F00;
	[sflag:s31] =	ssyncadd.s32 $0xFFFFF800  }
0xb6: {  	[spmem:s2] =	stream.indirect.scatter.add.f32 [tilespmem:s30], [sflag:$0x5], $0x10, s10, s26, $0xb8;
	[tilespmem:$0x9800] =	vst v63  }
0xb7: {  	_ =	swait.ge [sflag:s23], $0x800  }
0xb8: {  	[sflag:s23] =	ssyncset.done $0x0  }
0xb9: {  	[sflag:s23] =	ssyncadd.s32 $0xFFFFF800  }
0xba: {  	_ =	swait.ge [sflag:s5], $0x800  }
0xbb: {  	[sflag:s5] =	ssyncset.done $0x0  }
0xbc: {  	s11 =	simm.s32 $0x4F80;
	[sflag:s5] =	ssyncadd.s32 $0xFFFFF800  }
0xbd: {  	[spmem:s2] =	stream.indirect.scatter.add.f32 [tilespmem:s1], [sflag:$0x5], $0x10, s11, s26, $0xb8;
	[tilespmem:$0x9800] =	vst v63  }
0xbe: {  	_ =	swait.ge [sflag:s23], $0x800  }
0xbf: {  	[sflag:s23] =	ssyncset.done $0x0  }
0xc0: {  	[sflag:s23] =	ssyncadd.s32 $0xFFFFF800  }
0xc1: {  	[bflag:$0x0] =	sbarrier.arrive $0xFFFF  }
0xc2: {  	[tilespmem:s25], [sflag:$0x5] =	stream.linear.gather [spmem:s8], $0x800, $0x38;
	[tilespmem:$0x9800] =	vst v63  }
0xc3: {  	_ =	swait.ge [sflag:s23], $0x800  }
0xc4: {  	[sflag:s23] =	ssyncset.done $0x0  }
0xc5: {  	[sflag:s23] =	ssyncadd.s32 $0xFFFFF800  }
0xc6: {  	[hbm4b:s14+s3] =	stream.linear.scatter [tilespmem:s25], [sflag:$0x5], $0x800, $0x38;
	[tilespmem:$0x9800] =	vst v63  }
0xc7: {  	_ =	swait.ge [sflag:s23], $0x800  }
0xc8: {  	[sflag:s23] =	ssyncset.done $0x0  }
0xc9: {  	[sflag:s23] =	ssyncadd.s32 $0xFFFFF800  }
0xca: {  	[tilespmem:s25], [sflag:$0x5] =	stream.linear.gather [spmem:s15], $0x800, $0x38;
	[tilespmem:$0x9800] =	vst v63  }
0xcb: {  	_ =	swait.ge [sflag:s23], $0x800  }
0xcc: {  	[sflag:s23] =	ssyncset.done $0x0  }
0xcd: {  	[sflag:s23] =	ssyncadd.s32 $0xFFFFF800  }
0xce: {  	[hbm4b:s16+s3] =	stream.linear.scatter [tilespmem:s25], [sflag:$0x5], $0x800, $0x38;
	[tilespmem:$0x9800] =	vst v63  }
0xcf: {  	_ =	swait.ge [sflag:s23], $0x800  }
0xd0: {  	[sflag:s23] =	ssyncset.done $0x0  }
0xd1: {  	[sflag:s23] =	ssyncadd.s32 $0xFFFFF800  }
0xd2: {  	[tilespmem:s25], [sflag:$0x5] =	stream.linear.gather [spmem:s17], $0x800, $0x38;
	[tilespmem:$0x9800] =	vst v63  }
0xd3: {  	_ =	swait.ge [sflag:s23], $0x800  }
0xd4: {  	[sflag:s23] =	ssyncset.done $0x0  }
0xd5: {  	[sflag:s23] =	ssyncadd.s32 $0xFFFFF800  }
0xd6: {  	[hbm4b:s18+s3] =	stream.linear.scatter [tilespmem:s25], [sflag:$0x5], $0x800, $0x38;
	[tilespmem:$0x9800] =	vst v63  }
0xd7: {  	_ =	swait.ge [sflag:s23], $0x800  }
0xd8: {  	[sflag:s23] =	ssyncset.done $0x0  }
0xd9: {  	[sflag:s23] =	ssyncadd.s32 $0xFFFFF800  }
0xda: {  	[tilespmem:s25], [sflag:$0x5] =	stream.linear.gather [spmem:s19], $0x800, $0x38;
	[tilespmem:$0x9800] =	vst v63  }
0xdb: {  	_ =	swait.ge [sflag:s23], $0x800  }
0xdc: {  	[sflag:s23] =	ssyncset.done $0x0  }
0xdd: {  	[sflag:s23] =	ssyncadd.s32 $0xFFFFF800  }
0xde: {  	[hbm4b:s20+s3] =	stream.linear.scatter [tilespmem:s25], [sflag:$0x5], $0x800, $0x38;
	[tilespmem:$0x9800] =	vst v63  }
0xdf: {  	_ =	swait.ge [sflag:s23], $0x800  }
0xe0: {  	[sflag:s23] =	ssyncset.done $0x0  }
0xe1: {  	[sflag:s23] =	ssyncadd.s32 $0xFFFFF800  }
0xe2: {  	[tilespmem:s25], [sflag:$0x5] =	stream.linear.gather [spmem:s21], $0x800, $0x38;
	[tilespmem:$0x9800] =	vst v63  }
0xe3: {  	_ =	swait.ge [sflag:s23], $0x800  }
0xe4: {  	[sflag:s23] =	ssyncset.done $0x0  }
0xe5: {  	[sflag:s23] =	ssyncadd.s32 $0xFFFFF800  }
0xe6: {  	[hbm4b:s22+s3] =	stream.linear.scatter [tilespmem:s25], [sflag:$0x5], $0x800, $0x38;
	[tilespmem:$0x9800] =	vst v63  }
0xe7: {  	_ =	swait.ge [sflag:s23], $0x800  }
0xe8: {  	s6 =	sadd.s32 $0x1, s6;
	s12 =	rddreg [dreg:$0x6]  }
0xe9: {  	p0 =	sne.s32 s6, s12  }
.Ltmp1:
0xea: {  	_ = 	snop;
	(pc) =	sbr.rel @p0 .LBB2_1-.Ltmp1, $3  }
0xeb: {  	_ =	sdelay $0x1  }
0xec: {  	[sflag:s23] =	ssyncset.done $0x0  }
0xed: {  	[sflag:s23] =	ssyncadd.s32 $0xFFFFF800  }
0xee: {  	_ =	sfence.sel $0x180000  }
0xef: {  	[bflag:$0x0] =	sbarrier.arrive $0xFFFF  }
0xf0: {  	_ =	strace $0x9000004D  }
0xf1: {  	s0 =	stileid.u32;
	[bflag:$0x2] =	sbarrier.arrive $0xFFFF  }
0xf2: {  	p0 =	sne.s32 s0, $0x0;
	s0 =	rddreg [dreg:$0x2]  }
0xf3: {  	s0 =	sadd.s32 @!p0 $0x100000, s0  }
0xf4: {  	[sflag:s0] =	ssyncadd.tile.s32 @!p0 $0x1;
	_ =	shalt  }
.Lfunc_end2:
_tile_overlayer_lowered:
.L_overlay_start_2:
0xf5: {  	(tag) =	ssettag $0x2  }
0xf6: {  	s0 =	rddreg [dreg:$0x0];
	s2 =	stileid.u32  }
0xf7: {  	s1 =	rddreg [dreg:$0x1];
	p0 =	sne.s32 s2, $0x0  }
0xf8: {  	s3 =	rddreg [dreg:$0x2];
	[bflag:$0x3] =	sbarrier.arrive $0xFFFF;
	s2 =	simm.s32 @!p0 $0x1C05  }
0xf9: {  	[timem:s3], [sflag:s2] =	dma.local @!p0 [hbm:s0], s1  }
0xfa: {  	s0 =	simm.s32 @!p0 $0x5  }
0xfb: {  	_ =	swait.ge @!p0 [sflag:s0], s1  }
0xfc: {  	s1 =	ssub.s32 @!p0 $0x0, s1;
	[sflag:s0] =	ssyncset.done @!p0 $0x0  }
0xfd: {  	[sflag:s0] =	ssyncadd.s32 @!p0 s1  }
0xfe: {  	[bflag:$0x3] =	sbarrier.arrive $0xFFFF  }
0xff: {  	_ =	shalt  }

// kernel: kernel.9.cloned.1.call-start
scs
__scs_entry_jumppad:
0x0: {  	(pc) =	sbr.rel $0x88, $3  }
0x1: {  	(tag) =	ssettag $0x0;
	lr =	simm.s32 $0x1  }
0x2: {  	[smem:$0x3F9B] =	sst lr;
	_ =	strace $0xD0000000  }
0x3: {  	_ = 	snop  }
0x4: {  	_ = 	snop  }
0x5: {  	_ = 	snop  }
0x6: {  	_ = 	snop  }
0x7: {  	_ = 	snop  }
__scs_overlays_trampoline_lowered:
0x8: {  	[smem:$0x3FAA] =	sst s0  }
0x9: {  	[smem:$0x3FAB] =	sst s1  }
0xa: {  	[smem:$0x3FAC] =	sst s2  }
0xb: {  	[smem:$0x3FAD] =	sst s3  }
0xc: {  	[smem:$0x3FAE] =	sst s4  }
0xd: {  	[smem:$0x3FAF] =	sst s5  }
0xe: {  	[smem:$0x3FB0] =	sst s6  }
0xf: {  	[smem:$0x3FB1] =	sst s7  }
0x10: {  	[smem:$0x3FB2] =	sst s8  }
0x11: {  	[smem:$0x3FB3] =	sst s9;
	s0 =	simm.s32 @!p0 $0x0  }
0x12: {  	s1 =	sld [smem:$0x3F99];
	s0 =	simm.s32 @p0 $0x1  }
0x13: {  	[smem:$0x3FB4] =	sst s0;
	s0 =	simm.s32 @!p1 $0x0  }
0x14: {  	s2 =	sld [smem:$0x3F98];
	s0 =	simm.s32 @p1 $0x1  }
0x15: {  	[smem:$0x3FB5] =	sst s0;
	s0 =	simm.s32 @!p2 $0x0  }
0x16: {  	s3 =	sld [smem:$0x3FDB];
	s0 =	simm.s32 @p2 $0x1  }
0x17: {  	s4 =	simm.s32 $0x1BF5;
	[smem:$0x3FB7] =	sst s0  }
0x18: {  	s0 =	sld [smem:$0x3F9A];
	_ =	swait.ge [sflag:s4], $0x0  }
0x19: {  	s7 =	sld [smem:$0x3F9B]  }
0x1a: {  	s8 =	sadd.s32 $0xFFFFE003, lr  }
0x1b: {  	s9 =	sadd.s32 $0xFFFFFEF7, lr;
	s5 =	simm.s32 $0xFFFFFFFF;
	p2 =	slt.u32 s8, $0xFFFFF086  }
0x1c: {  	p1 =	slt.u32 s9, $0xF7A;
	s5 =	simm.s32 @!p2 $0x0  }
0x1d: {  	s5 =	simm.s32 @p1 $0x1;
	p0 =	seq.s32 s7, s2  }
0x1e: {  	s7 =	smul.u32 @!p0 $0xF7A, s2;
	p2 =	seq.s32 @!p0 s5, $0x0  }
0x1f: {  	s9 =	smul.u32 $0xF7A, s1;
	s8 =	simm.s32 @!p0 $0x1BF5;
	p2 =	por !p2, p0  }
0x20: {  	[sflag:s8] =	ssyncset.s32 @!p0 $0xFFFFF086;
	s6 =	sadd.s32 @!p0 s3, s7;
	s7 =	simm.s32 @!p0 $0x108  }
0x21: {  	s3 =	sadd.s32 s3, s9;
	s6 =	sadd.s32 @!p0 $0x88, s6;
	s7 =	simm.s32 @p2 $0x1082  }
0x22: {  	[simem:s7], [sflag:s8] =	dma.local @!p0 [hbm:s6], $0xF7A  }
0x23: {  	s9 =	sor.u32 $0xD0000000, s2;
	s6 =	simm.s32 $0x108;
	_ =	swait.ge @!p0 [sflag:s8], $0x0  }
0x24: {  	s3 =	sadd.s32 $0x88, s3;
	s6 =	simm.s32 @!p1 $0x1082;
	[sflag:s4] =	ssyncset.s32 $0xFFFFF086  }
0x25: {  	[simem:s6], [sflag:s4] =	dma.local [hbm:s3], $0xF7A  }
0x26: {  	[smem:$0x3F9B] =	sst s1;
	(tag) =	ssettag s2;
	_ =	strace s9  }
0x27: {  	s1 =	sld [smem:$0x3FAB]  }
0x28: {  	s2 =	sld [smem:$0x3FAC]  }
0x29: {  	s4 =	sld [smem:$0x3FAE]  }
0x2a: {  	p0 =	seq.s32 s5, $0x0;
	s5 =	sld [smem:$0x3FAF]  }
0x2b: {  	s6 =	sld [smem:$0x3FB0]  }
0x2c: {  	s7 =	sld [smem:$0x3FB1]  }
0x2d: {  	s3 =	simm.s32 $0x108;
	s8 =	sld [smem:$0x3FB2]  }
0x2e: {  	s3 =	simm.s32 @!p0 $0x1082;
	s9 =	sld [smem:$0x3FB3]  }
0x2f: {  	lr =	sadd.s32 s0, s3;
	s0 =	sld [smem:$0x3FAA]  }
0x30: {  	s3 =	sld [smem:$0x3FAD]  }
0x31: {  	[smem:$0x3FB6] =	sst s10  }
0x32: {  	s10 =	sld [smem:$0x3FB4];
	_ =	sdelay $0x3  }
0x33: {  	p0 =	seq.s32 s10, $0x1;
	s10 =	sld [smem:$0x3FB6];
	_ =	sdelay $0x3  }
0x34: {  	[smem:$0x3FB6] =	sst s10  }
0x35: {  	s10 =	sld [smem:$0x3FB5];
	_ =	sdelay $0x3  }
0x36: {  	p1 =	seq.s32 s10, $0x1;
	s10 =	sld [smem:$0x3FB6];
	_ =	sdelay $0x3  }
0x37: {  	[smem:$0x3FB6] =	sst s10  }
0x38: {  	s10 =	sld [smem:$0x3FB7]  }
0x39: {  	_ = 	snop;
	(pc) =	sbr.ind lr, $3  }
0x3a: {  	_ = 	snop  }
0x3b: {  	_ = 	snop  }
0x3c: {  	p2 =	seq.s32 s10, $0x1;
	s10 =	sld [smem:$0x3FB6]  }
0x3d: {  	_ =	shalt  }
0x3e: {  	_ =	shalt  }
0x3f: {  	_ =	shalt  }
0x40: {  	_ =	shalt  }
0x41: {  	_ =	shalt  }
0x42: {  	_ =	shalt  }
0x43: {  	_ =	shalt  }
0x44: {  	_ =	shalt  }
0x45: {  	_ =	shalt  }
0x46: {  	_ =	shalt  }
0x47: {  	_ =	shalt  }
0x48: {  	_ =	shalt  }
0x49: {  	_ =	shalt  }
0x4a: {  	_ =	shalt  }
0x4b: {  	_ =	shalt  }
0x4c: {  	_ =	shalt  }
0x4d: {  	_ =	shalt  }
0x4e: {  	_ =	shalt  }
0x4f: {  	_ =	shalt  }
0x50: {  	_ =	shalt  }
0x51: {  	_ =	shalt  }
0x52: {  	_ =	shalt  }
0x53: {  	_ =	shalt  }
0x54: {  	_ =	shalt  }
0x55: {  	_ =	shalt  }
0x56: {  	_ =	shalt  }
0x57: {  	_ =	shalt  }
0x58: {  	_ =	shalt  }
0x59: {  	_ =	shalt  }
0x5a: {  	_ =	shalt  }
0x5b: {  	_ =	shalt  }
0x5c: {  	_ =	shalt  }
0x5d: {  	_ =	shalt  }
0x5e: {  	_ =	shalt  }
0x5f: {  	_ =	shalt  }
0x60: {  	_ =	shalt  }
0x61: {  	_ =	shalt  }
0x62: {  	_ =	shalt  }
0x63: {  	_ =	shalt  }
0x64: {  	_ =	shalt  }
0x65: {  	_ =	shalt  }
0x66: {  	_ =	shalt  }
0x67: {  	_ =	shalt  }
0x68: {  	_ =	shalt  }
0x69: {  	_ =	shalt  }
0x6a: {  	_ =	shalt  }
0x6b: {  	_ =	shalt  }
0x6c: {  	_ =	shalt  }
0x6d: {  	_ =	shalt  }
0x6e: {  	_ =	shalt  }
0x6f: {  	_ =	shalt  }
0x70: {  	_ =	shalt  }
0x71: {  	_ =	shalt  }
0x72: {  	_ =	shalt  }
0x73: {  	_ =	shalt  }
0x74: {  	_ =	shalt  }
0x75: {  	_ =	shalt  }
0x76: {  	_ =	shalt  }
0x77: {  	_ =	shalt  }
0x78: {  	_ =	shalt  }
0x79: {  	_ =	shalt  }
0x7a: {  	_ =	shalt  }
0x7b: {  	_ =	shalt  }
0x7c: {  	_ =	shalt  }
0x7d: {  	_ =	shalt  }
0x7e: {  	_ =	shalt  }
0x7f: {  	_ =	shalt  }
0x80: {  	_ =	shalt  }
0x81: {  	_ =	shalt  }
0x82: {  	_ =	shalt  }
0x83: {  	_ =	shalt  }
0x84: {  	_ =	shalt  }
0x85: {  	_ =	shalt  }
0x86: {  	_ =	shalt  }
0x87: {  	_ =	shalt  }
.Lfunc_end0:
.L_simem_size_0:
called_computation_lowered:
.L_overlay_start_0:
0x88: {  	s2 =	sld [smem:$0x3FD9]  }
0x89: {  	s3 =	sld [smem:$0x3FFE];
	_ =	sdelay $0x1  }
0x8a: {  	s1 =	srdreg.scid  }
0x8b: {  	s0 =	sand.u32 $0x1, s1  }
0x8c: {  	s17 =	sshll.u32 s0, $0xA;
	s2 =	sadd.s32 s3, s2  }
0x8d: {  	s2 =	sadd.s32 s2, s17  }
0x8e: {  	[smem:$0x3FC2] =	sst s2  }
0x8f: {  	_ = 	snop  }
0x90: {  	s2 =	sld [smem:$0x3FD0];
	(tm) =	ssettm $0x1  }
0x91: {  	s18 =	sld [smem:$0x3FFB];
	_ =	sdelay $0x3  }
0x92: {  	_ =	strace s18  }
0x93: {  	s3 =	sld [smem:$0x3FFC];
	_ =	sdelay $0x3  }
0x94: {  	_ =	strace s3  }
0x95: {  	s3 =	sld [smem:$0x3FFD];
	_ =	sdelay $0x3  }
0x96: {  	_ =	strace s3  }
0x97: {  	_ =	strace $0x8FFFFFFF  }
0x98: {  	s19 =	sld [smem:$0x3FDB];
	_ =	sdelay $0x1  }
0x99: {  	s4 =	simm.s32 $_scs_section_size  }
0x9a: {  	s5 =	simm.s32 $_size__tile_overlayer_lowered;
	s6 =	simm.s32 $_tile_overlayer_lowered  }
0x9b: {  	s22 =	simm.s32 $0x1BFF;
	s21 =	sshll.u32 s6, $0x1;
	s3 =	sadd.s32 s4, s19  }
0x9c: {  	s7 =	simm.s32 $0x0;
	s20 =	sshll.u32 s5, $0x1;
	s5 =	sadd.s32 s21, s3  }
0x9d: {  	[timem:s7], [sflag:s22] =	dma.local [hbm:s5], s20  }
0x9e: {  	_ =	swait.ge [sflag:s22], s20  }
0x9f: {  	s4 =	ssub.s32 $0x0, s20;
	[sflag:s22] =	ssyncset.done $0x0  }
0xa0: {  	[sflag:s22] =	ssyncadd.s32 s4;
	_ =	sdelay $0x1  }
0xa1: {  	s23 =	simm.s32 $0x1B8B  }
0xa2: {  	_ =	swait.ge [sflag:s23], $0x1  }
0xa3: {  	[sflag:s23] =	ssyncset.done $0x0  }
0xa4: {  	s25 =	simm.s32 $0x1B8E;
	s24 =	sld [smem:$0x3FFE];
	[sflag:s23] =	ssyncadd.s32 $0xFFFFFFFF  }
0xa5: {  	s26 =	simm.s32 $execute0_lowered;
	[smem:$0x3FD2] =	sst s25  }
0xa6: {  	s5 =	sshll.u32 s26, $0x1;
	_ =	strace $0x80000046;
	[dreg:$0x1] =	wrdreg $0xFFFFFFFF  }
0xa7: {  	s28 =	simm.s32 $_size_execute0_lowered;
	s3 =	sadd.s32 s3, s5;
	[dreg:$0x0] =	wrdreg $0x0  }
0xa8: {  	s5 =	sshll.u32 s28, $0x1;
	[dreg:$0x2] =	wrdreg s3  }
0xa9: {  	[dreg:$0x3] =	wrdreg s5  }
0xaa: {  	[dreg:$0x4] =	wrdreg $0xC0  }
0xab: {  	_ =	task [dreg:s7], $0x5FFFF  }
0xac: {  	[dreg:$0x1] =	wrdreg $0xFFFFFFFF  }
0xad: {  	[dreg:$0x0] =	wrdreg $0x60  }
0xae: {  	[dreg:$0x2] =	wrdreg s2  }
0xaf: {  	[dreg:$0x3] =	wrdreg s24  }
0xb0: {  	[dreg:$0x4] =	wrdreg $0x2F800  }
0xb1: {  	[dreg:$0x5] =	wrdreg $0x9  }
0xb2: {  	_ =	task.clear_ibuf [dreg:s7], $0x6FFFF;
	_ =	strace $0x90000046  }
0xb3: {  	s29 =	simm.s32 $0x9;
	_ =	strace $0x80000048  }
0xb4: {  	_ =	swait.ge [sflag:s29], $0x1  }
0xb5: {  	[sflag:s29] =	ssyncadd.s32 $0xFFFFFFFF  }
0xb6: {  	_ =	strace $0x90000048  }
0xb7: {  	_ =	sfence  }
0xb8: {  	s30 =	sld [smem:$0x0];
	_ =	sdelay $0x2  }
0xb9: {  	s31 =	sshll.u32 s1, $0xD;
	s1 =	sshrl.u32 s1, $0x2  }
0xba: {  	s3 =	sand.u32 $0x4000, s31;
	s1 =	sadd.s32 s1, s30  }
0xbb: {  	s0 =	sor.u32 s3, s0;
	s1 =	sshll.u32 s1, $0x11  }
0xbc: {  	s0 =	sor.u32 s1, s0  }
0xbd: {  	s0 =	sadd.s32 $0x8F2B, s0  }
0xbe: {  	[sflag:s0] =	ssyncadd.remote.s32 $0x1  }
0xbf: {  	_ =	sfence.sel $0xFFFF  }
0xc0: {  	[dreg:$0x0] =	wrdreg $0xFFFFFFFF;
	(pc) =	sbr.abs _section_cstart, $3  }
0xc1: {  	[dreg:$0x1] =	wrdreg $0xFFFFFFFF  }
0xc2: {  	_ =	task.clear_ibuf [dreg:s7], $0x2FFFF;
	_ =	strace $0x9FFFFFFF  }
0xc3: {  	(tm) =	ssettm $0x7FFFFFFF  }
tec
execute0_lowered:
.L_overlay_start_1:
0x0: {  	(tag) =	ssettag $0x1  }
0x1: {  	s2 =	rddreg [dreg:$0x0]  }
0x2: {  	s0 =	srdreg.scid;
	s6 =	rddreg [dreg:$0x1]  }
0x3: {  	s3 =	rddreg [dreg:$0x2];
	s8 =	sand.u32 $0x1, s0;
	s0 =	stileid.u32  }
0x4: {  	s4 =	simm.s32 $0x0;
	s28 =	simm.s32 $0x0;
	s11 =	smul.u32 $0xA000, s0  }
0x5: {  	[smem:$0x7FF] =	sst s4;
	s23 =	sadd.s32 $0xD000, s6;
	s21 =	smul.u32 $0x280, s0  }
0x6: {  	s1 =	sshll.u32 s8, $0x4;
	s29 =	ssub.s32 $0x2, s8;
	s22 =	smul.u32 $0x2800, s8  }
0x7: {  	s24 =	sor.u32 s0, s1;
	s1 =	rddreg [dreg:$0x3];
	_ =	strace $0x80000047  }
0x8: {  	s10 =	sshrl.u32 s29, $0x1;
	s5 =	smul.u32 $0x4E, s24;
	s7 =	smin.u32 s24, $0x4  }
0x9: {  	p0 =	slt.u32 s24, $0x4;
	s10 =	ssub.s32 s29, s10;
	s11 =	sshrl.u32 s11, $0x2  }
0xa: {  	s14 =	sadd.s32 s22, s21;
	s16 =	sadd.s32 $0x80, s21;
	s18 =	sadd.s32 $0x100, s21  }
0xb: {  	s25 =	sadd.s32 $0x180, s21;
	s21 =	sadd.s32 $0x200, s21;
	s10 =	smax.u32 s10, $0x1  }
0xc: {  	s15 =	sshll.u32 s14, $0x1;
	s17 =	sadd.s32 s22, s16;
	s16 =	sshll.u32 s16, $0x4  }
0xd: {  	s19 =	sadd.s32 s22, s18;
	s18 =	sshll.u32 s18, $0x4;
	s20 =	sshll.u32 s25, $0x4  }
0xe: {  	s25 =	sadd.s32 s22, s25;
	s26 =	sadd.s32 s22, s21;
	s30 =	sshll.u32 s21, $0x4  }
0xf: {  	s5 =	sadd.s32 s7, s5;
	s15 =	sadd.s32 s23, s15;
	s17 =	sshll.u32 s17, $0x1  }
0x10: {  	s16 =	sadd.s32 s16, s3;
	s19 =	sshll.u32 s19, $0x1;
	s18 =	sadd.s32 s18, s3  }
0x11: {  	s20 =	sadd.s32 s20, s3;
	s25 =	sshll.u32 s25, $0x1;
	s22 =	sadd.s32 s30, s3  }
0x12: {  	s31 =	sshll.u32 s26, $0x1;
	s26 =	simm.s32 $0x80;
	s5 =	sshll.u32 s5, $0x4  }
0x13: {  	s17 =	sadd.s32 s23, s17;
	s19 =	sadd.s32 s23, s19;
	s21 =	sadd.s32 s23, s25  }
0x14: {  	s9 =	sadd.s32 s5, s6;
	s5 =	sadd.s32 $0xCE00, s6;
	s6 =	simm.s32 $0x4F  }
0x15: {  	s23 =	sadd.s32 s23, s31;
	s25 =	simm.s32 $0x2780;
	s6 =	simm.s32 @!p0 $0x4E  }
0x16: {  	s7 =	sadd.s32 $0x3000, s9;
	s8 =	sadd.s32 $0x34E0, s9;
	s9 =	sadd.s32 s11, s3  }
0x17: {  	p0 =	sgt.u32 s24, $0x3;
	s24 =	simm.s32 $0x1;
	s11 =	sadd.s32 $0x800, s9  }
0x18: {  	s12 =	sadd.s32 $0x1000, s9;
	s13 =	sadd.s32 $0x1800, s9;
	s14 =	sadd.s32 $0x2000, s9  }
.LBB2_1:
0x19: {  	[tilespmem:s4], [sflag:$0x1] =	stream.linear.gather [hbm4b:s7+s4], $0x2700, $0x38;
	[tilespmem:$0x5780] =	vst v63  }
0x1a: {  	_ =	swait.ge [sflag:s24], $0x2700  }
0x1b: {  	[sflag:s24] =	ssyncset.done $0x0  }
0x1c: {  	s29 =	simm.s32 @!p0 $0x0;
	s30 =	simm.s32 @!p0 $0x2700;
	[sflag:s24] =	ssyncadd.s32 $0xFFFFD900  }
0x1d: {  	[tilespmem:s30], [sflag:$0x1] =	stream.linear.gather @!p0 [hbm4b:s8+s29], $0x80, $0x38;
	[tilespmem:$0x5780] =	vst v63  }
0x1e: {  	s29 =	simm.s32 @!p0 $0x1  }
0x1f: {  	_ =	swait.ge @!p0 [sflag:s29], $0x80  }
0x20: {  	[sflag:s29] =	ssyncset.done @!p0 $0x0  }
0x21: {  	[sflag:s29] =	ssyncadd.s32 @!p0 $0xFFFFFF80  }
0x22: {  	[tilespmem:s25], [sflag:$0x1] =	stream.linear.gather [hbm4b:s5+s4], $0x800, $0x38;
	[tilespmem:$0x5780] =	vst v63  }
0x23: {  	_ =	swait.ge [sflag:s24], $0x800  }
0x24: {  	[sflag:s24] =	ssyncset.done $0x0  }
0x25: {  	[sflag:s24] =	ssyncadd.s32 $0xFFFFF800  }
0x26: {  	[spmem:s9] =	stream.linear.scatter [tilespmem:s25], [sflag:$0x1], $0x800, $0x38;
	[tilespmem:$0x5780] =	vst v63  }
0x27: {  	_ =	swait.ge [sflag:s24], $0x800  }
0x28: {  	[sflag:s24] =	ssyncset.done $0x0  }
0x29: {  	[sflag:s24] =	ssyncadd.s32 $0xFFFFF800  }
0x2a: {  	[spmem:s11] =	stream.linear.scatter [tilespmem:s25], [sflag:$0x1], $0x800, $0x38;
	[tilespmem:$0x5780] =	vst v63  }
0x2b: {  	_ =	swait.ge [sflag:s24], $0x800  }
0x2c: {  	[sflag:s24] =	ssyncset.done $0x0  }
0x2d: {  	[sflag:s24] =	ssyncadd.s32 $0xFFFFF800  }
0x2e: {  	[spmem:s12] =	stream.linear.scatter [tilespmem:s25], [sflag:$0x1], $0x800, $0x38;
	[tilespmem:$0x5780] =	vst v63  }
0x2f: {  	_ =	swait.ge [sflag:s24], $0x800  }
0x30: {  	[sflag:s24] =	ssyncset.done $0x0  }
0x31: {  	[sflag:s24] =	ssyncadd.s32 $0xFFFFF800  }
0x32: {  	[spmem:s13] =	stream.linear.scatter [tilespmem:s25], [sflag:$0x1], $0x800, $0x38;
	[tilespmem:$0x5780] =	vst v63  }
0x33: {  	_ =	swait.ge [sflag:s24], $0x800  }
0x34: {  	[sflag:s24] =	ssyncset.done $0x0  }
0x35: {  	[sflag:s24] =	ssyncadd.s32 $0xFFFFF800  }
0x36: {  	[spmem:s14] =	stream.linear.scatter [tilespmem:s25], [sflag:$0x1], $0x800, $0x38;
	[tilespmem:$0x5780] =	vst v63  }
0x37: {  	_ =	swait.ge [sflag:s24], $0x800  }
0x38: {  	[sflag:s24] =	ssyncset.done $0x0  }
0x39: {  	[sflag:s24] =	ssyncadd.s32 $0xFFFFF800  }
0x3a: {  	[bflag:$0x0] =	sbarrier.arrive $0xFFFF  }
0x3b: {  	[tilespmem:s25], [sflag:$0x1] =	stream.linear.gather [hbm4b:s2+s4], $0x800, $0x38;
	[tilespmem:$0x5780] =	vst v63  }
0x3c: {  	p1 =	sne.s32 s6, $0x1;
	_ =	swait.ge [sflag:s24], $0x800  }
.Ltmp0:
0x3d: {  	[sflag:s24] =	ssyncset.done $0x0;
	(pc) =	sbr.rel @!p1 .LBB2_3-.Ltmp0, $4  }
0x3e: {  	[sflag:s24] =	ssyncadd.s32 $0xFFFFF800  }
0x3f: {  	[spmem:s3] =	stream.indirect.scatter.add.f32 [tilespmem:s25], [sflag:$0x1], $0x10, s4, s26, $0xb8;
	[tilespmem:$0x5780] =	vst v63  }
0x40: {  	_ =	swait.ge [sflag:s24], $0x800  }
0x41: {  	s30 =	simm.s32 $0x0;
	s29 =	sadd.s32 $0xFFFFFFFF, s6;
	[sflag:s24] =	ssyncset.done $0x0  }
.LBB2_2:
0x42: {  	p1 =	sne.s32 s29, $0x1;
	[sflag:s24] =	ssyncadd.s32 $0xFFFFF800;
	s30 =	sadd.s32 $0x80, s30  }
.Ltmp1:
0x43: {  	s29 =	sadd.s32 $0xFFFFFFFF, s29;
	(pc) =	sbr.rel @p1 .LBB2_2-.Ltmp1, $4  }
0x44: {  	_ = 	snop  }
0x45: {  	[spmem:s3] =	stream.indirect.scatter.add.f32 [tilespmem:s25], [sflag:$0x1], $0x10, s30, s26, $0xb8;
	[tilespmem:$0x5780] =	vst v63  }
0x46: {  	_ =	swait.ge [sflag:s24], $0x800  }
0x47: {  	[sflag:s24] =	ssyncset.done $0x0  }
.LBB2_3:
0x48: {  	[sflag:s24] =	ssyncadd.s32 $0xFFFFF800  }
0x49: {  	[bflag:$0x0] =	sbarrier.arrive $0xFFFF  }
0x4a: {  	[tilespmem:s25], [sflag:$0x1] =	stream.linear.gather [spmem:s9], $0x800, $0x38;
	[tilespmem:$0x5780] =	vst v63  }
0x4b: {  	_ =	swait.ge [sflag:s24], $0x800  }
0x4c: {  	[sflag:s24] =	ssyncset.done $0x0  }
0x4d: {  	[sflag:s24] =	ssyncadd.s32 $0xFFFFF800  }
0x4e: {  	[hbm4b:s15+s4] =	stream.linear.scatter [tilespmem:s25], [sflag:$0x1], $0x800, $0x38;
	[tilespmem:$0x5780] =	vst v63  }
0x4f: {  	_ =	swait.ge [sflag:s24], $0x800  }
0x50: {  	[sflag:s24] =	ssyncset.done $0x0  }
0x51: {  	[sflag:s24] =	ssyncadd.s32 $0xFFFFF800  }
0x52: {  	[tilespmem:s25], [sflag:$0x1] =	stream.linear.gather [spmem:s16], $0x800, $0x38;
	[tilespmem:$0x5780] =	vst v63  }
0x53: {  	_ =	swait.ge [sflag:s24], $0x800  }
0x54: {  	[sflag:s24] =	ssyncset.done $0x0  }
0x55: {  	[sflag:s24] =	ssyncadd.s32 $0xFFFFF800  }
0x56: {  	[hbm4b:s17+s4] =	stream.linear.scatter [tilespmem:s25], [sflag:$0x1], $0x800, $0x38;
	[tilespmem:$0x5780] =	vst v63  }
0x57: {  	_ =	swait.ge [sflag:s24], $0x800  }
0x58: {  	[sflag:s24] =	ssyncset.done $0x0  }
0x59: {  	[sflag:s24] =	ssyncadd.s32 $0xFFFFF800  }
0x5a: {  	[tilespmem:s25], [sflag:$0x1] =	stream.linear.gather [spmem:s18], $0x800, $0x38;
	[tilespmem:$0x5780] =	vst v63  }
0x5b: {  	_ =	swait.ge [sflag:s24], $0x800  }
0x5c: {  	[sflag:s24] =	ssyncset.done $0x0  }
0x5d: {  	[sflag:s24] =	ssyncadd.s32 $0xFFFFF800  }
0x5e: {  	[hbm4b:s19+s4] =	stream.linear.scatter [tilespmem:s25], [sflag:$0x1], $0x800, $0x38;
	[tilespmem:$0x5780] =	vst v63  }
0x5f: {  	_ =	swait.ge [sflag:s24], $0x800  }
0x60: {  	[sflag:s24] =	ssyncset.done $0x0  }
0x61: {  	[sflag:s24] =	ssyncadd.s32 $0xFFFFF800  }
0x62: {  	[tilespmem:s25], [sflag:$0x1] =	stream.linear.gather [spmem:s20], $0x800, $0x38;
	[tilespmem:$0x5780] =	vst v63  }
0x63: {  	_ =	swait.ge [sflag:s24], $0x800  }
0x64: {  	[sflag:s24] =	ssyncset.done $0x0  }
0x65: {  	[sflag:s24] =	ssyncadd.s32 $0xFFFFF800  }
0x66: {  	[hbm4b:s21+s4] =	stream.linear.scatter [tilespmem:s25], [sflag:$0x1], $0x800, $0x38;
	[tilespmem:$0x5780] =	vst v63  }
0x67: {  	_ =	swait.ge [sflag:s24], $0x800  }
0x68: {  	[sflag:s24] =	ssyncset.done $0x0  }
0x69: {  	[sflag:s24] =	ssyncadd.s32 $0xFFFFF800  }
0x6a: {  	[tilespmem:s25], [sflag:$0x1] =	stream.linear.gather [spmem:s22], $0x800, $0x38;
	[tilespmem:$0x5780] =	vst v63  }
0x6b: {  	s28 =	sadd.s32 $0x1, s28;
	_ =	swait.ge [sflag:s24], $0x800  }
0x6c: {  	p1 =	sne.s32 s28, s10;
	[sflag:s24] =	ssyncset.done $0x0  }
.Ltmp2:
0x6d: {  	[sflag:s24] =	ssyncadd.s32 $0xFFFFF800;
	(pc) =	sbr.rel @p1 .LBB2_1-.Ltmp2, $4  }
0x6e: {  	[hbm4b:s23+s4] =	stream.linear.scatter [tilespmem:s25], [sflag:$0x1], $0x800, $0x38;
	[tilespmem:$0x5780] =	vst v63  }
0x6f: {  	_ =	swait.ge [sflag:s24], $0x800  }
0x70: {  	[sflag:s24] =	ssyncset.done $0x0  }
0x71: {  	[sflag:s24] =	ssyncadd.s32 $0xFFFFF800  }
0x72: {  	_ =	sfence.sel $0x180000  }
0x73: {  	[bflag:$0x0] =	sbarrier.arrive $0xFFFF  }
0x74: {  	p0 =	sne.s32 s0, $0x0;
	_ =	strace $0x90000047  }
0x75: {  	s0 =	sadd.s32 @!p0 $0x100000, s1;
	[bflag:$0x2] =	sbarrier.arrive $0xFFFF  }
0x76: {  	[sflag:s0] =	ssyncadd.tile.s32 @!p0 $0x1;
	_ =	shalt  }
.Lfunc_end2:
_tile_overlayer_lowered:
.L_overlay_start_2:
0x77: {  	(tag) =	ssettag $0x2  }
0x78: {  	s0 =	rddreg [dreg:$0x0];
	s2 =	stileid.u32  }
0x79: {  	s1 =	rddreg [dreg:$0x1];
	p0 =	sne.s32 s2, $0x0  }
0x7a: {  	s3 =	rddreg [dreg:$0x2];
	[bflag:$0x3] =	sbarrier.arrive $0xFFFF;
	s2 =	simm.s32 @!p0 $0x1C01  }
0x7b: {  	[timem:s3], [sflag:s2] =	dma.local @!p0 [hbm:s0], s1  }
0x7c: {  	s0 =	simm.s32 @!p0 $0x1  }
0x7d: {  	_ =	swait.ge @!p0 [sflag:s0], s1  }
0x7e: {  	s1 =	ssub.s32 @!p0 $0x0, s1;
	[sflag:s0] =	ssyncset.done @!p0 $0x0  }
0x7f: {  	[sflag:s0] =	ssyncadd.s32 @!p0 s1  }
0x80: {  	[bflag:$0x3] =	sbarrier.arrive $0xFFFF  }
0x81: {  	_ =	shalt  }

</sc_bundles>
